<compile_context>
chip_gen: v7x
topology: tpu7x:2x2x1
jax: 0.10.2.dev20260603
libtpu: 0.0.44.dev20260713+nightly
codegen_flags: <defaults>
</compile_context>

<pallas_src>
import functools

import jax
import jax.numpy as jnp
from jax import lax
from jax.experimental import pallas as pl
from jax.experimental.pallas import tpu as pltpu
from jax.experimental.pallas import tpu_sc as plsc

E = 1_000_000
EP = 1_000_064
DIM = 64
BATCH, SEQ = 4096, 200
B = BATCH * SEQ
PROWS = EP // 2
RW = 1664
RBLK = 601

NC, NS = 2, 16
NW = NC * NS
B_PER_W = B // NW
IDXW = 128
CHUNK = 256
SUB = CHUNK // IDXW
NCHUNK = B_PER_W // CHUNK
NBUF = 4
IDX_ROWS = B_PER_W // IDXW


_NT = (((1,), (1,)), ((), ()))


def _repack_body(wt_ref, out_ref):
    x = wt_ref[...]
    r = lax.broadcasted_iota(jnp.int32, (64, 128), 0)
    k = lax.broadcasted_iota(jnp.int32, (64, 128), 1)
    e0 = (k == 2 * r).astype(jnp.float32)
    e1 = (k == 2 * r + 1).astype(jnp.float32)
    for j in range(RW // 128):
        xj = x[:, j * 128:(j + 1) * 128]
        y0 = jax.lax.dot_general(e0, xj, _NT, preferred_element_type=jnp.float32)
        y1 = jax.lax.dot_general(e1, xj, _NT, preferred_element_type=jnp.float32)
        out_ref[j * 64:(j + 1) * 64, :] = jnp.concatenate([y0, y1], axis=1)


_repack = pl.pallas_call(
    _repack_body,
    grid=(RBLK,),
    in_specs=[pl.BlockSpec((DIM, RW), lambda j: (0, j))],
    out_specs=pl.BlockSpec((RW // 2, 128), lambda j: (j, 0)),
    out_shape=jax.ShapeDtypeStruct((PROWS, 128), jnp.float32),
)


_mesh = plsc.VectorSubcoreMesh(core_axis_name="c", subcore_axis_name="s")


@functools.partial(
    pl.kernel,
    mesh=_mesh,
    compiler_params=pltpu.CompilerParams(use_tc_tiling_on_sc=False),
    out_type=jax.ShapeDtypeStruct((B, DIM), jnp.float32),
    scratch_types=[
        pltpu.VMEM((IDX_ROWS, IDXW), jnp.int32),
        pltpu.VMEM((NBUF, CHUNK, DIM), jnp.float32),
        pltpu.SemaphoreType.DMA((NBUF,)),
        pltpu.SemaphoreType.DMA((NBUF,)),
    ],
)
def _gather(idx_hbm, table_hbm, out_hbm, idx_v, rows_v, gsem, ssem):
    wid = lax.axis_index("s") * NC + lax.axis_index("c")
    base = wid * B_PER_W

    idx_row0 = pl.multiple_of(wid * IDX_ROWS, 8)
    pltpu.sync_copy(idx_hbm.at[pl.ds(idx_row0, IDX_ROWS)], idx_v)

    def start_gather(c, b):
        for j in range(SUB):
            pltpu.async_copy(
                table_hbm.at[idx_v.at[c * SUB + j]],
                rows_v.at[b, pl.ds(j * IDXW, IDXW)],
                gsem.at[b],
            )

    def wait_gather(b):
        for j in range(SUB):
            pltpu.make_async_copy(
                table_hbm.at[idx_v.at[j]],
                rows_v.at[b, pl.ds(j * IDXW, IDXW)],
                gsem.at[b],
            ).wait()

    def start_store(c, b):
        off = pl.multiple_of(base + c * CHUNK, CHUNK)
        pltpu.async_copy(rows_v.at[b], out_hbm.at[pl.ds(off, CHUNK)], ssem.at[b])

    def wait_store(b):
        pltpu.make_async_copy(
            rows_v.at[b], out_hbm.at[pl.ds(base, CHUNK)], ssem.at[b]
        ).wait()

    for b in range(NBUF):
        start_gather(b, b)

    @pl.loop(0, NCHUNK, step=NBUF)
    def _ring(g):
        for b in range(NBUF):
            c = g + b
            wait_gather(b)
            start_store(c, b)
            nxt = c + NBUF

            @pl.when(nxt < NCHUNK)
            def _():
                wait_store(b)
                start_gather(nxt, b)

    for b in range(NBUF):
        wait_store(b)


_TN = (((0,), (0,)), ((), ()))


def _otrans_body(g_ref, out_ref):
    m = lax.broadcasted_iota(jnp.int32, (64, 128), 0)
    c = lax.broadcasted_iota(jnp.int32, (64, 128), 1)
    b0 = (c == 2 * m).astype(jnp.float32)
    b1 = (c == 2 * m + 1).astype(jnp.float32)
    for si in range(8):
        for gq in range(8):
            xs = g_ref[si, gq * 64:(gq + 1) * 64, :]
            xs0 = xs[:, 0:DIM]
            xs1 = xs[:, DIM:128]
            out_ref[si, :, gq * 128:(gq + 1) * 128] = (
                jax.lax.dot_general(xs0, b0, _TN, preferred_element_type=jnp.float32)
                + jax.lax.dot_general(xs1, b1, _TN, preferred_element_type=jnp.float32)
            )


_otrans = pl.pallas_call(
    _otrans_body,
    grid=(SEQ // 8, BATCH // 1024),
    in_specs=[pl.BlockSpec((8, 512, 128), lambda s, b: (s, b, 0))],
    out_specs=pl.BlockSpec((8, DIM, 1024), lambda s, b: (s, 0, b)),
    out_shape=jax.ShapeDtypeStruct((SEQ, DIM, BATCH), jnp.float32),
)


def kernel(x, weight):
    idx = x.T.reshape(-1).reshape(B // IDXW, IDXW).astype(jnp.int32)
    wpack = _repack(weight.T)
    wlin = wpack.reshape(EP, DIM)
    g = _gather(idx, wlin)
    gp = g.reshape(SEQ, BATCH // 2, 128)
    out_t = _otrans(gp)
    return jnp.transpose(out_t, (2, 0, 1))

# --- scband reference (transcript-rebuilt; emitter-appended) ---
"""Pipeline reference for scband-custom-embedding-8675833938090 (READ-ONLY COPY).

The authoritative reference and input builder live on the scoring server;
editing this copy changes nothing except your own understanding.
"""

import jax, jax.numpy as jnp
import numpy as np

NUM_EMBEDDINGS = 1000000
EMBEDDING_DIM = 64

def setup_inputs(seed: int = 0) -> dict:
    key = jax.random.key(seed)
    k1, k2 = jax.random.split(key)
    x = jax.random.randint(k1, (4096, 200), 0, NUM_EMBEDDINGS, dtype=jnp.int64 if jax.config.jax_enable_x64 else jnp.int32)
    weight = 0.01 * jax.random.normal(k2, (NUM_EMBEDDINGS, EMBEDDING_DIM), dtype=jnp.float32)
    return {"x": x, "weight": weight}

def reference(x, weight):
    # Embedding lookup: weight[x] -> (batch, seq_len, embedding_dim)
    return jnp.take(weight, x, axis=0)

if __name__ == "__main__":
    import jax
    _d = setup_inputs()
    print(jax.jit(kernel)(*tuple(_d.values())))

</pallas_src>

<mosaic_0001>
#map = affine_map<(d0, d1) -> (0, 0)>
module attributes {stable_mosaic.version = 14 : i64} {
  func.func @_gather(%arg0: i32, %arg1: i32, %arg2: memref<6400x128xi32, #tpu.memory_space<hbm>>, %arg3: memref<1000064x64xf32, #tpu.memory_space<hbm>>, %arg4: memref<819200x64xf32, #tpu.memory_space<hbm>>, %arg5: memref<200x128xi32, #tpu.memory_space<vmem>>, %arg6: memref<4x256x64xf32, #tpu.memory_space<vmem>>, %arg7: memref<4x!tpu.dma_semaphore, #tpu.memory_space<semaphore_mem>>, %arg8: memref<4x!tpu.dma_semaphore, #tpu.memory_space<semaphore_mem>>) attributes {dimension_semantics = [#tpu.dimension_semantics<core_parallel>, #tpu.dimension_semantics<subcore_parallel>], iteration_bounds = array<i64: 2, 16>, scalar_prefetch = 0 : i64, scratch_operands = 4 : i64, tpu.core_type = #tpu.core_type<sc_vector_subcore>, window_params = [{transform_indices = #map}, {transform_indices = #map}, {transform_indices = #map}]} {
    %mul3A = arith.constant 2 : i32
    %mul3A_0 = arith.muli %arg1, %mul3A : i32
    %add3A = arith.addi %mul3A_0, %arg0 : i32
    %mul3A_1 = arith.constant 25600 : i32
    %mul3A_2 = arith.muli %add3A, %mul3A_1 : i32
    %mul3A_3 = arith.constant 200 : i32
    %mul3A_4 = arith.muli %add3A, %mul3A_3 : i32
    %multiple_of3A = tpu.assume_multiple %mul3A_4, 8 : i32
    "tpu.region"() ({
      %run_scoped3A = tpu.sem_alloc : memref<!tpu.dma_semaphore, #tpu.memory_space<semaphore_mem>>
      %dma_start3A_191 = arith.constant 0 : i32
      %dma_start3A_192 = tpu.memref_slice %arg2[%multiple_of3A, %dma_start3A_191] : memref<6400x128xi32, #tpu.memory_space<hbm>> -> memref<200x128xi32, #tpu.memory_space<hbm>>
      %dma_start3A_193 = arith.constant 0 : i32
      %dma_start3A_194 = tpu.memref_slice %arg2[%multiple_of3A, %dma_start3A_193] : memref<6400x128xi32, #tpu.memory_space<hbm>> -> memref<200x128xi32, #tpu.memory_space<hbm>>
      tpu.enqueue_dma source(%dma_start3A_194 : memref<200x128xi32, #tpu.memory_space<hbm>>) target(%arg5 : memref<200x128xi32, #tpu.memory_space<vmem>>) target_semaphore(%run_scoped3A : memref<!tpu.dma_semaphore, #tpu.memory_space<semaphore_mem>>)
      %dma_wait3A_195 = arith.constant 0 : i32
      %dma_wait3A_196 = tpu.memref_slice %arg2[%multiple_of3A, %dma_wait3A_195] : memref<6400x128xi32, #tpu.memory_space<hbm>> -> memref<200x128xi32, #tpu.memory_space<hbm>>
      %dma_wait3A_197 = arith.constant 0 : i32
      %dma_wait3A_198 = tpu.memref_slice %arg2[%multiple_of3A, %dma_wait3A_197] : memref<6400x128xi32, #tpu.memory_space<hbm>> -> memref<200x128xi32, #tpu.memory_space<hbm>>
      tpu.wait_dma2 semaphore(%run_scoped3A : memref<!tpu.dma_semaphore, #tpu.memory_space<semaphore_mem>>) src(%dma_wait3A_198 : memref<200x128xi32, #tpu.memory_space<hbm>>) dst(%arg5 : memref<200x128xi32, #tpu.memory_space<vmem>>)
      tpu.yield
    }) : () -> ()
    %dma_start3A = arith.constant 0 : i32
    %dma_start3A_5 = arith.constant 0 : i32
    %dma_start3A_6 = arith.constant 0 : i32
    %dma_start3A_7 = arith.constant 0 : i32
    %dma_start3A_8 = arith.constant 0 : i32
    %dma_start3A_9 = tpu.memref_slice %arg6[%dma_start3A_5, %dma_start3A_7, %dma_start3A_8] : memref<4x256x64xf32, #tpu.memory_space<vmem>> -> memref<1x128x64xf32, #tpu.memory_space<vmem>>
    %dma_start3A_10 = tpu.memref_squeeze %dma_start3A_9 : memref<1x128x64xf32, #tpu.memory_space<vmem>> -> memref<128x64xf32, #tpu.memory_space<vmem>>
    %dma_start3A_11 = arith.constant 0 : i32
    %dma_start3A_12 = tpu.memref_slice %arg5[%dma_start3A, %dma_start3A_11] : memref<200x128xi32, #tpu.memory_space<vmem>> -> memref<1x128xi32, #tpu.memory_space<vmem>>
    %dma_start3A_13 = tpu.memref_squeeze %dma_start3A_12 : memref<1x128xi32, #tpu.memory_space<vmem>> -> memref<128xi32, #tpu.memory_space<vmem>>
    %dma_start3A_14 = arith.constant 0 : i32
    %dma_start3A_15 = arith.constant 0 : i32
    %dma_start3A_16 = tpu.memref_slice %arg3[%dma_start3A_14, %dma_start3A_15] : memref<1000064x64xf32, #tpu.memory_space<hbm>> -> memref<1000064x64xf32, #tpu.memory_space<hbm>>
    %dma_start3A_17 = tpu.memref_slice %arg7[%dma_start3A_6] : memref<4x!tpu.dma_semaphore, #tpu.memory_space<semaphore_mem>> -> memref<1x!tpu.dma_semaphore, #tpu.memory_space<semaphore_mem>>
    %dma_start3A_18 = tpu.memref_squeeze %dma_start3A_17 : memref<1x!tpu.dma_semaphore, #tpu.memory_space<semaphore_mem>> -> memref<!tpu.dma_semaphore, #tpu.memory_space<semaphore_mem>>
    tpu.enqueue_indirect_dma source(%dma_start3A_16 : memref<1000064x64xf32, #tpu.memory_space<hbm>>) target(%dma_start3A_10 : memref<128x64xf32, #tpu.memory_space<vmem>>) offsets(%dma_start3A_13 : memref<128xi32, #tpu.memory_space<vmem>>) semaphore(%dma_start3A_18 : memref<!tpu.dma_semaphore, #tpu.memory_space<semaphore_mem>>)
    %dma_start3A_19 = arith.constant 1 : i32
    %dma_start3A_20 = arith.constant 0 : i32
    %dma_start3A_21 = arith.constant 0 : i32
    %dma_start3A_22 = arith.constant 128 : i32
    %dma_start3A_23 = arith.constant 0 : i32
    %dma_start3A_24 = tpu.memref_slice %arg6[%dma_start3A_20, %dma_start3A_22, %dma_start3A_23] : memref<4x256x64xf32, #tpu.memory_space<vmem>> -> memref<1x128x64xf32, #tpu.memory_space<vmem>>
    %dma_start3A_25 = tpu.memref_squeeze %dma_start3A_24 : memref<1x128x64xf32, #tpu.memory_space<vmem>> -> memref<128x64xf32, #tpu.memory_space<vmem>>
    %dma_start3A_26 = arith.constant 0 : i32
    %dma_start3A_27 = tpu.memref_slice %arg5[%dma_start3A_19, %dma_start3A_26] : memref<200x128xi32, #tpu.memory_space<vmem>> -> memref<1x128xi32, #tpu.memory_space<vmem>>
    %dma_start3A_28 = tpu.memref_squeeze %dma_start3A_27 : memref<1x128xi32, #tpu.memory_space<vmem>> -> memref<128xi32, #tpu.memory_space<vmem>>
    %dma_start3A_29 = arith.constant 0 : i32
    %dma_start3A_30 = arith.constant 0 : i32
    %dma_start3A_31 = tpu.memref_slice %arg3[%dma_start3A_29, %dma_start3A_30] : memref<1000064x64xf32, #tpu.memory_space<hbm>> -> memref<1000064x64xf32, #tpu.memory_space<hbm>>
    %dma_start3A_32 = tpu.memref_slice %arg7[%dma_start3A_21] : memref<4x!tpu.dma_semaphore, #tpu.memory_space<semaphore_mem>> -> memref<1x!tpu.dma_semaphore, #tpu.memory_space<semaphore_mem>>
    %dma_start3A_33 = tpu.memref_squeeze %dma_start3A_32 : memref<1x!tpu.dma_semaphore, #tpu.memory_space<semaphore_mem>> -> memref<!tpu.dma_semaphore, #tpu.memory_space<semaphore_mem>>
    tpu.enqueue_indirect_dma source(%dma_start3A_31 : memref<1000064x64xf32, #tpu.memory_space<hbm>>) target(%dma_start3A_25 : memref<128x64xf32, #tpu.memory_space<vmem>>) offsets(%dma_start3A_28 : memref<128xi32, #tpu.memory_space<vmem>>) semaphore(%dma_start3A_33 : memref<!tpu.dma_semaphore, #tpu.memory_space<semaphore_mem>>)
    %dma_start3A_34 = arith.constant 2 : i32
    %dma_start3A_35 = arith.constant 1 : i32
    %dma_start3A_36 = arith.constant 1 : i32
    %dma_start3A_37 = arith.constant 0 : i32
    %dma_start3A_38 = arith.constant 0 : i32
    %dma_start3A_39 = tpu.memref_slice %arg6[%dma_start3A_35, %dma_start3A_37, %dma_start3A_38] : memref<4x256x64xf32, #tpu.memory_space<vmem>> -> memref<1x128x64xf32, #tpu.memory_space<vmem>>
    %dma_start3A_40 = tpu.memref_squeeze %dma_start3A_39 : memref<1x128x64xf32, #tpu.memory_space<vmem>> -> memref<128x64xf32, #tpu.memory_space<vmem>>
    %dma_start3A_41 = arith.constant 0 : i32
    %dma_start3A_42 = tpu.memref_slice %arg5[%dma_start3A_34, %dma_start3A_41] : memref<200x128xi32, #tpu.memory_space<vmem>> -> memref<1x128xi32, #tpu.memory_space<vmem>>
    %dma_start3A_43 = tpu.memref_squeeze %dma_start3A_42 : memref<1x128xi32, #tpu.memory_space<vmem>> -> memref<128xi32, #tpu.memory_space<vmem>>
    %dma_start3A_44 = arith.constant 0 : i32
    %dma_start3A_45 = arith.constant 0 : i32
    %dma_start3A_46 = tpu.memref_slice %arg3[%dma_start3A_44, %dma_start3A_45] : memref<1000064x64xf32, #tpu.memory_space<hbm>> -> memref<1000064x64xf32, #tpu.memory_space<hbm>>
    %dma_start3A_47 = tpu.memref_slice %arg7[%dma_start3A_36] : memref<4x!tpu.dma_semaphore, #tpu.memory_space<semaphore_mem>> -> memref<1x!tpu.dma_semaphore, #tpu.memory_space<semaphore_mem>>
    %dma_start3A_48 = tpu.memref_squeeze %dma_start3A_47 : memref<1x!tpu.dma_semaphore, #tpu.memory_space<semaphore_mem>> -> memref<!tpu.dma_semaphore, #tpu.memory_space<semaphore_mem>>
    tpu.enqueue_indirect_dma source(%dma_start3A_46 : memref<1000064x64xf32, #tpu.memory_space<hbm>>) target(%dma_start3A_40 : memref<128x64xf32, #tpu.memory_space<vmem>>) offsets(%dma_start3A_43 : memref<128xi32, #tpu.memory_space<vmem>>) semaphore(%dma_start3A_48 : memref<!tpu.dma_semaphore, #tpu.memory_space<semaphore_mem>>)
    %dma_start3A_49 = arith.constant 3 : i32
    %dma_start3A_50 = arith.constant 1 : i32
    %dma_start3A_51 = arith.constant 1 : i32
    %dma_start3A_52 = arith.constant 128 : i32
    %dma_start3A_53 = arith.constant 0 : i32
    %dma_start3A_54 = tpu.memref_slice %arg6[%dma_start3A_50, %dma_start3A_52, %dma_start3A_53] : memref<4x256x64xf32, #tpu.memory_space<vmem>> -> memref<1x128x64xf32, #tpu.memory_space<vmem>>
    %dma_start3A_55 = tpu.memref_squeeze %dma_start3A_54 : memref<1x128x64xf32, #tpu.memory_space<vmem>> -> memref<128x64xf32, #tpu.memory_space<vmem>>
    %dma_start3A_56 = arith.constant 0 : i32
    %dma_start3A_57 = tpu.memref_slice %arg5[%dma_start3A_49, %dma_start3A_56] : memref<200x128xi32, #tpu.memory_space<vmem>> -> memref<1x128xi32, #tpu.memory_space<vmem>>
    %dma_start3A_58 = tpu.memref_squeeze %dma_start3A_57 : memref<1x128xi32, #tpu.memory_space<vmem>> -> memref<128xi32, #tpu.memory_space<vmem>>
    %dma_start3A_59 = arith.constant 0 : i32
    %dma_start3A_60 = arith.constant 0 : i32
    %dma_start3A_61 = tpu.memref_slice %arg3[%dma_start3A_59, %dma_start3A_60] : memref<1000064x64xf32, #tpu.memory_space<hbm>> -> memref<1000064x64xf32, #tpu.memory_space<hbm>>
    %dma_start3A_62 = tpu.memref_slice %arg7[%dma_start3A_51] : memref<4x!tpu.dma_semaphore, #tpu.memory_space<semaphore_mem>> -> memref<1x!tpu.dma_semaphore, #tpu.memory_space<semaphore_mem>>
    %dma_start3A_63 = tpu.memref_squeeze %dma_start3A_62 : memref<1x!tpu.dma_semaphore, #tpu.memory_space<semaphore_mem>> -> memref<!tpu.dma_semaphore, #tpu.memory_space<semaphore_mem>>
    tpu.enqueue_indirect_dma source(%dma_start3A_61 : memref<1000064x64xf32, #tpu.memory_space<hbm>>) target(%dma_start3A_55 : memref<128x64xf32, #tpu.memory_space<vmem>>) offsets(%dma_start3A_58 : memref<128xi32, #tpu.memory_space<vmem>>) semaphore(%dma_start3A_63 : memref<!tpu.dma_semaphore, #tpu.memory_space<semaphore_mem>>)
    %dma_start3A_64 = arith.constant 4 : i32
    %dma_start3A_65 = arith.constant 2 : i32
    %dma_start3A_66 = arith.constant 2 : i32
    %dma_start3A_67 = arith.constant 0 : i32
    %dma_start3A_68 = arith.constant 0 : i32
    %dma_start3A_69 = tpu.memref_slice %arg6[%dma_start3A_65, %dma_start3A_67, %dma_start3A_68] : memref<4x256x64xf32, #tpu.memory_space<vmem>> -> memref<1x128x64xf32, #tpu.memory_space<vmem>>
    %dma_start3A_70 = tpu.memref_squeeze %dma_start3A_69 : memref<1x128x64xf32, #tpu.memory_space<vmem>> -> memref<128x64xf32, #tpu.memory_space<vmem>>
    %dma_start3A_71 = arith.constant 0 : i32
    %dma_start3A_72 = tpu.memref_slice %arg5[%dma_start3A_64, %dma_start3A_71] : memref<200x128xi32, #tpu.memory_space<vmem>> -> memref<1x128xi32, #tpu.memory_space<vmem>>
    %dma_start3A_73 = tpu.memref_squeeze %dma_start3A_72 : memref<1x128xi32, #tpu.memory_space<vmem>> -> memref<128xi32, #tpu.memory_space<vmem>>
    %dma_start3A_74 = arith.constant 0 : i32
    %dma_start3A_75 = arith.constant 0 : i32
    %dma_start3A_76 = tpu.memref_slice %arg3[%dma_start3A_74, %dma_start3A_75] : memref<1000064x64xf32, #tpu.memory_space<hbm>> -> memref<1000064x64xf32, #tpu.memory_space<hbm>>
    %dma_start3A_77 = tpu.memref_slice %arg7[%dma_start3A_66] : memref<4x!tpu.dma_semaphore, #tpu.memory_space<semaphore_mem>> -> memref<1x!tpu.dma_semaphore, #tpu.memory_space<semaphore_mem>>
    %dma_start3A_78 = tpu.memref_squeeze %dma_start3A_77 : memref<1x!tpu.dma_semaphore, #tpu.memory_space<semaphore_mem>> -> memref<!tpu.dma_semaphore, #tpu.memory_space<semaphore_mem>>
    tpu.enqueue_indirect_dma source(%dma_start3A_76 : memref<1000064x64xf32, #tpu.memory_space<hbm>>) target(%dma_start3A_70 : memref<128x64xf32, #tpu.memory_space<vmem>>) offsets(%dma_start3A_73 : memref<128xi32, #tpu.memory_space<vmem>>) semaphore(%dma_start3A_78 : memref<!tpu.dma_semaphore, #tpu.memory_space<semaphore_mem>>)
    %dma_start3A_79 = arith.constant 5 : i32
    %dma_start3A_80 = arith.constant 2 : i32
    %dma_start3A_81 = arith.constant 2 : i32
    %dma_start3A_82 = arith.constant 128 : i32
    %dma_start3A_83 = arith.constant 0 : i32
    %dma_start3A_84 = tpu.memref_slice %arg6[%dma_start3A_80, %dma_start3A_82, %dma_start3A_83] : memref<4x256x64xf32, #tpu.memory_space<vmem>> -> memref<1x128x64xf32, #tpu.memory_space<vmem>>
    %dma_start3A_85 = tpu.memref_squeeze %dma_start3A_84 : memref<1x128x64xf32, #tpu.memory_space<vmem>> -> memref<128x64xf32, #tpu.memory_space<vmem>>
    %dma_start3A_86 = arith.constant 0 : i32
    %dma_start3A_87 = tpu.memref_slice %arg5[%dma_start3A_79, %dma_start3A_86] : memref<200x128xi32, #tpu.memory_space<vmem>> -> memref<1x128xi32, #tpu.memory_space<vmem>>
    %dma_start3A_88 = tpu.memref_squeeze %dma_start3A_87 : memref<1x128xi32, #tpu.memory_space<vmem>> -> memref<128xi32, #tpu.memory_space<vmem>>
    %dma_start3A_89 = arith.constant 0 : i32
    %dma_start3A_90 = arith.constant 0 : i32
    %dma_start3A_91 = tpu.memref_slice %arg3[%dma_start3A_89, %dma_start3A_90] : memref<1000064x64xf32, #tpu.memory_space<hbm>> -> memref<1000064x64xf32, #tpu.memory_space<hbm>>
    %dma_start3A_92 = tpu.memref_slice %arg7[%dma_start3A_81] : memref<4x!tpu.dma_semaphore, #tpu.memory_space<semaphore_mem>> -> memref<1x!tpu.dma_semaphore, #tpu.memory_space<semaphore_mem>>
    %dma_start3A_93 = tpu.memref_squeeze %dma_start3A_92 : memref<1x!tpu.dma_semaphore, #tpu.memory_space<semaphore_mem>> -> memref<!tpu.dma_semaphore, #tpu.memory_space<semaphore_mem>>
    tpu.enqueue_indirect_dma source(%dma_start3A_91 : memref<1000064x64xf32, #tpu.memory_space<hbm>>) target(%dma_start3A_85 : memref<128x64xf32, #tpu.memory_space<vmem>>) offsets(%dma_start3A_88 : memref<128xi32, #tpu.memory_space<vmem>>) semaphore(%dma_start3A_93 : memref<!tpu.dma_semaphore, #tpu.memory_space<semaphore_mem>>)
    %dma_start3A_94 = arith.constant 6 : i32
    %dma_start3A_95 = arith.constant 3 : i32
    %dma_start3A_96 = arith.constant 3 : i32
    %dma_start3A_97 = arith.constant 0 : i32
    %dma_start3A_98 = arith.constant 0 : i32
    %dma_start3A_99 = tpu.memref_slice %arg6[%dma_start3A_95, %dma_start3A_97, %dma_start3A_98] : memref<4x256x64xf32, #tpu.memory_space<vmem>> -> memref<1x128x64xf32, #tpu.memory_space<vmem>>
    %dma_start3A_100 = tpu.memref_squeeze %dma_start3A_99 : memref<1x128x64xf32, #tpu.memory_space<vmem>> -> memref<128x64xf32, #tpu.memory_space<vmem>>
    %dma_start3A_101 = arith.constant 0 : i32
    %dma_start3A_102 = tpu.memref_slice %arg5[%dma_start3A_94, %dma_start3A_101] : memref<200x128xi32, #tpu.memory_space<vmem>> -> memref<1x128xi32, #tpu.memory_space<vmem>>
    %dma_start3A_103 = tpu.memref_squeeze %dma_start3A_102 : memref<1x128xi32, #tpu.memory_space<vmem>> -> memref<128xi32, #tpu.memory_space<vmem>>
    %dma_start3A_104 = arith.constant 0 : i32
    %dma_start3A_105 = arith.constant 0 : i32
    %dma_start3A_106 = tpu.memref_slice %arg3[%dma_start3A_104, %dma_start3A_105] : memref<1000064x64xf32, #tpu.memory_space<hbm>> -> memref<1000064x64xf32, #tpu.memory_space<hbm>>
    %dma_start3A_107 = tpu.memref_slice %arg7[%dma_start3A_96] : memref<4x!tpu.dma_semaphore, #tpu.memory_space<semaphore_mem>> -> memref<1x!tpu.dma_semaphore, #tpu.memory_space<semaphore_mem>>
    %dma_start3A_108 = tpu.memref_squeeze %dma_start3A_107 : memref<1x!tpu.dma_semaphore, #tpu.memory_space<semaphore_mem>> -> memref<!tpu.dma_semaphore, #tpu.memory_space<semaphore_mem>>
    tpu.enqueue_indirect_dma source(%dma_start3A_106 : memref<1000064x64xf32, #tpu.memory_space<hbm>>) target(%dma_start3A_100 : memref<128x64xf32, #tpu.memory_space<vmem>>) offsets(%dma_start3A_103 : memref<128xi32, #tpu.memory_space<vmem>>) semaphore(%dma_start3A_108 : memref<!tpu.dma_semaphore, #tpu.memory_space<semaphore_mem>>)
    %dma_start3A_109 = arith.constant 7 : i32
    %dma_start3A_110 = arith.constant 3 : i32
    %dma_start3A_111 = arith.constant 3 : i32
    %dma_start3A_112 = arith.constant 128 : i32
    %dma_start3A_113 = arith.constant 0 : i32
    %dma_start3A_114 = tpu.memref_slice %arg6[%dma_start3A_110, %dma_start3A_112, %dma_start3A_113] : memref<4x256x64xf32, #tpu.memory_space<vmem>> -> memref<1x128x64xf32, #tpu.memory_space<vmem>>
    %dma_start3A_115 = tpu.memref_squeeze %dma_start3A_114 : memref<1x128x64xf32, #tpu.memory_space<vmem>> -> memref<128x64xf32, #tpu.memory_space<vmem>>
    %dma_start3A_116 = arith.constant 0 : i32
    %dma_start3A_117 = tpu.memref_slice %arg5[%dma_start3A_109, %dma_start3A_116] : memref<200x128xi32, #tpu.memory_space<vmem>> -> memref<1x128xi32, #tpu.memory_space<vmem>>
    %dma_start3A_118 = tpu.memref_squeeze %dma_start3A_117 : memref<1x128xi32, #tpu.memory_space<vmem>> -> memref<128xi32, #tpu.memory_space<vmem>>
    %dma_start3A_119 = arith.constant 0 : i32
    %dma_start3A_120 = arith.constant 0 : i32
    %dma_start3A_121 = tpu.memref_slice %arg3[%dma_start3A_119, %dma_start3A_120] : memref<1000064x64xf32, #tpu.memory_space<hbm>> -> memref<1000064x64xf32, #tpu.memory_space<hbm>>
    %dma_start3A_122 = tpu.memref_slice %arg7[%dma_start3A_111] : memref<4x!tpu.dma_semaphore, #tpu.memory_space<semaphore_mem>> -> memref<1x!tpu.dma_semaphore, #tpu.memory_space<semaphore_mem>>
    %dma_start3A_123 = tpu.memref_squeeze %dma_start3A_122 : memref<1x!tpu.dma_semaphore, #tpu.memory_space<semaphore_mem>> -> memref<!tpu.dma_semaphore, #tpu.memory_space<semaphore_mem>>
    tpu.enqueue_indirect_dma source(%dma_start3A_121 : memref<1000064x64xf32, #tpu.memory_space<hbm>>) target(%dma_start3A_115 : memref<128x64xf32, #tpu.memory_space<vmem>>) offsets(%dma_start3A_118 : memref<128xi32, #tpu.memory_space<vmem>>) semaphore(%dma_start3A_123 : memref<!tpu.dma_semaphore, #tpu.memory_space<semaphore_mem>>)
    %scan3A = arith.constant 0 : i32
    %scan3A_124 = arith.constant 25 : i32
    %scan3A_125 = arith.addi %scan3A, %scan3A_124 : i32
    %scan3A_126 = arith.constant 1 : i32
    scf.for %scan3A_191 = %scan3A to %scan3A_125 step %scan3A_126  : i32 {
      %mul3A_192 = arith.constant 4 : i32
      %mul3A_193 = arith.muli %scan3A_191, %mul3A_192 : i32
      %add3A_194 = arith.constant 0 : i32
      %add3A_195 = arith.addi %add3A_194, %mul3A_193 : i32
      %add3A_196 = arith.constant 0 : i32
      %add3A_197 = arith.addi %add3A_195, %add3A_196 : i32
      %dma_wait3A_198 = arith.constant 0 : i32
      %dma_wait3A_199 = arith.constant 0 : i32
      %dma_wait3A_200 = arith.constant 0 : i32
      %dma_wait3A_201 = arith.constant 0 : i32
      %dma_wait3A_202 = arith.constant 0 : i32
      %dma_wait3A_203 = tpu.memref_slice %arg6[%dma_wait3A_199, %dma_wait3A_201, %dma_wait3A_202] : memref<4x256x64xf32, #tpu.memory_space<vmem>> -> memref<1x128x64xf32, #tpu.memory_space<vmem>>
      %dma_wait3A_204 = tpu.memref_squeeze %dma_wait3A_203 : memref<1x128x64xf32, #tpu.memory_space<vmem>> -> memref<128x64xf32, #tpu.memory_space<vmem>>
      %dma_wait3A_205 = arith.constant 0 : i32
      %dma_wait3A_206 = tpu.memref_slice %arg5[%dma_wait3A_198, %dma_wait3A_205] : memref<200x128xi32, #tpu.memory_space<vmem>> -> memref<1x128xi32, #tpu.memory_space<vmem>>
      %dma_wait3A_207 = tpu.memref_squeeze %dma_wait3A_206 : memref<1x128xi32, #tpu.memory_space<vmem>> -> memref<128xi32, #tpu.memory_space<vmem>>
      %dma_wait3A_208 = arith.constant 0 : i32
      %dma_wait3A_209 = arith.constant 0 : i32
      %dma_wait3A_210 = tpu.memref_slice %arg3[%dma_wait3A_208, %dma_wait3A_209] : memref<1000064x64xf32, #tpu.memory_space<hbm>> -> memref<1000064x64xf32, #tpu.memory_space<hbm>>
      %dma_wait3A_211 = tpu.memref_slice %arg7[%dma_wait3A_200] : memref<4x!tpu.dma_semaphore, #tpu.memory_space<semaphore_mem>> -> memref<1x!tpu.dma_semaphore, #tpu.memory_space<semaphore_mem>>
      %dma_wait3A_212 = tpu.memref_squeeze %dma_wait3A_211 : memref<1x!tpu.dma_semaphore, #tpu.memory_space<semaphore_mem>> -> memref<!tpu.dma_semaphore, #tpu.memory_space<semaphore_mem>>
      tpu.wait_indirect_dma semaphore(%dma_wait3A_212 : memref<!tpu.dma_semaphore, #tpu.memory_space<semaphore_mem>>) src(%dma_wait3A_210 : memref<1000064x64xf32, #tpu.memory_space<hbm>>) dst(%dma_wait3A_204 : memref<128x64xf32, #tpu.memory_space<vmem>>)
      %dma_wait3A_213 = arith.constant 1 : i32
      %dma_wait3A_214 = arith.constant 0 : i32
      %dma_wait3A_215 = arith.constant 0 : i32
      %dma_wait3A_216 = arith.constant 128 : i32
      %dma_wait3A_217 = arith.constant 0 : i32
      %dma_wait3A_218 = tpu.memref_slice %arg6[%dma_wait3A_214, %dma_wait3A_216, %dma_wait3A_217] : memref<4x256x64xf32, #tpu.memory_space<vmem>> -> memref<1x128x64xf32, #tpu.memory_space<vmem>>
      %dma_wait3A_219 = tpu.memref_squeeze %dma_wait3A_218 : memref<1x128x64xf32, #tpu.memory_space<vmem>> -> memref<128x64xf32, #tpu.memory_space<vmem>>
      %dma_wait3A_220 = arith.constant 0 : i32
      %dma_wait3A_221 = tpu.memref_slice %arg5[%dma_wait3A_213, %dma_wait3A_220] : memref<200x128xi32, #tpu.memory_space<vmem>> -> memref<1x128xi32, #tpu.memory_space<vmem>>
      %dma_wait3A_222 = tpu.memref_squeeze %dma_wait3A_221 : memref<1x128xi32, #tpu.memory_space<vmem>> -> memref<128xi32, #tpu.memory_space<vmem>>
      %dma_wait3A_223 = arith.constant 0 : i32
      %dma_wait3A_224 = arith.constant 0 : i32
      %dma_wait3A_225 = tpu.memref_slice %arg3[%dma_wait3A_223, %dma_wait3A_224] : memref<1000064x64xf32, #tpu.memory_space<hbm>> -> memref<1000064x64xf32, #tpu.memory_space<hbm>>
      %dma_wait3A_226 = tpu.memref_slice %arg7[%dma_wait3A_215] : memref<4x!tpu.dma_semaphore, #tpu.memory_space<semaphore_mem>> -> memref<1x!tpu.dma_semaphore, #tpu.memory_space<semaphore_mem>>
      %dma_wait3A_227 = tpu.memref_squeeze %dma_wait3A_226 : memref<1x!tpu.dma_semaphore, #tpu.memory_space<semaphore_mem>> -> memref<!tpu.dma_semaphore, #tpu.memory_space<semaphore_mem>>
      tpu.wait_indirect_dma semaphore(%dma_wait3A_227 : memref<!tpu.dma_semaphore, #tpu.memory_space<semaphore_mem>>) src(%dma_wait3A_225 : memref<1000064x64xf32, #tpu.memory_space<hbm>>) dst(%dma_wait3A_219 : memref<128x64xf32, #tpu.memory_space<vmem>>)
      %mul3A_228 = arith.constant 256 : i32
      %mul3A_229 = arith.muli %add3A_197, %mul3A_228 : i32
      %add3A_230 = arith.addi %mul3A_2, %mul3A_229 : i32
      %multiple_of3A_231 = tpu.assume_multiple %add3A_230, 256 : i32
      %dma_start3A_232 = arith.constant 0 : i32
      %dma_start3A_233 = arith.constant 0 : i32
      %dma_start3A_234 = arith.constant 0 : i32
      %dma_start3A_235 = arith.constant 0 : i32
      %dma_start3A_236 = tpu.memref_slice %arg6[%dma_start3A_232, %dma_start3A_234, %dma_start3A_235] : memref<4x256x64xf32, #tpu.memory_space<vmem>> -> memref<1x256x64xf32, #tpu.memory_space<vmem>>
      %dma_start3A_237 = tpu.memref_squeeze %dma_start3A_236 : memref<1x256x64xf32, #tpu.memory_space<vmem>> -> memref<256x64xf32, #tpu.memory_space<vmem>>
      %dma_start3A_238 = arith.constant 0 : i32
      %dma_start3A_239 = tpu.memref_slice %arg4[%multiple_of3A_231, %dma_start3A_238] : memref<819200x64xf32, #tpu.memory_space<hbm>> -> memref<256x64xf32, #tpu.memory_space<hbm>>
      %dma_start3A_240 = tpu.memref_slice %arg8[%dma_start3A_233] : memref<4x!tpu.dma_semaphore, #tpu.memory_space<semaphore_mem>> -> memref<1x!tpu.dma_semaphore, #tpu.memory_space<semaphore_mem>>
      %dma_start3A_241 = tpu.memref_squeeze %dma_start3A_240 : memref<1x!tpu.dma_semaphore, #tpu.memory_space<semaphore_mem>> -> memref<!tpu.dma_semaphore, #tpu.memory_space<semaphore_mem>>
      %dma_start3A_242 = arith.constant 0 : i32
      %dma_start3A_243 = tpu.memref_slice %arg4[%multiple_of3A_231, %dma_start3A_242] : memref<819200x64xf32, #tpu.memory_space<hbm>> -> memref<256x64xf32, #tpu.memory_space<hbm>>
      %dma_start3A_244 = arith.constant 0 : i32
      %dma_start3A_245 = arith.constant 0 : i32
      %dma_start3A_246 = tpu.memref_slice %arg6[%dma_start3A_232, %dma_start3A_244, %dma_start3A_245] : memref<4x256x64xf32, #tpu.memory_space<vmem>> -> memref<1x256x64xf32, #tpu.memory_space<vmem>>
      %dma_start3A_247 = tpu.memref_squeeze %dma_start3A_246 : memref<1x256x64xf32, #tpu.memory_space<vmem>> -> memref<256x64xf32, #tpu.memory_space<vmem>>
      tpu.enqueue_dma source(%dma_start3A_247 : memref<256x64xf32, #tpu.memory_space<vmem>>) target(%dma_start3A_243 : memref<256x64xf32, #tpu.memory_space<hbm>>) target_semaphore(%dma_start3A_241 : memref<!tpu.dma_semaphore, #tpu.memory_space<semaphore_mem>>)
      %add3A_248 = arith.constant 4 : i32
      %add3A_249 = arith.addi %add3A_197, %add3A_248 : i32
      %lt3A = arith.constant 100 : i32
      %lt3A_250 = arith.cmpi slt, %add3A_249, %lt3A : i32
      %convert_element_type3A = arith.extui %lt3A_250 : i1 to i32
      %cond3A = arith.constant 0 : i32
      %cond3A_251 = arith.cmpi ne, %convert_element_type3A, %cond3A : i32
      scf.if %cond3A_251 {
        %dma_wait3A_429 = arith.constant 0 : i32
        %dma_wait3A_430 = arith.constant 0 : i32
        %dma_wait3A_431 = arith.constant 0 : i32
        %dma_wait3A_432 = arith.constant 0 : i32
        %dma_wait3A_433 = tpu.memref_slice %arg6[%dma_wait3A_429, %dma_wait3A_431, %dma_wait3A_432] : memref<4x256x64xf32, #tpu.memory_space<vmem>> -> memref<1x256x64xf32, #tpu.memory_space<vmem>>
        %dma_wait3A_434 = tpu.memref_squeeze %dma_wait3A_433 : memref<1x256x64xf32, #tpu.memory_space<vmem>> -> memref<256x64xf32, #tpu.memory_space<vmem>>
        %dma_wait3A_435 = arith.constant 0 : i32
        %dma_wait3A_436 = tpu.memref_slice %arg4[%mul3A_2, %dma_wait3A_435] : memref<819200x64xf32, #tpu.memory_space<hbm>> -> memref<256x64xf32, #tpu.memory_space<hbm>>
        %dma_wait3A_437 = tpu.memref_slice %arg8[%dma_wait3A_430] : memref<4x!tpu.dma_semaphore, #tpu.memory_space<semaphore_mem>> -> memref<1x!tpu.dma_semaphore, #tpu.memory_space<semaphore_mem>>
        %dma_wait3A_438 = tpu.memref_squeeze %dma_wait3A_437 : memref<1x!tpu.dma_semaphore, #tpu.memory_space<semaphore_mem>> -> memref<!tpu.dma_semaphore, #tpu.memory_space<semaphore_mem>>
        %dma_wait3A_439 = arith.constant 0 : i32
        %dma_wait3A_440 = tpu.memref_slice %arg4[%mul3A_2, %dma_wait3A_439] : memref<819200x64xf32, #tpu.memory_space<hbm>> -> memref<256x64xf32, #tpu.memory_space<hbm>>
        %dma_wait3A_441 = arith.constant 0 : i32
        %dma_wait3A_442 = arith.constant 0 : i32
        %dma_wait3A_443 = tpu.memref_slice %arg6[%dma_wait3A_429, %dma_wait3A_441, %dma_wait3A_442] : memref<4x256x64xf32, #tpu.memory_space<vmem>> -> memref<1x256x64xf32, #tpu.memory_space<vmem>>
        %dma_wait3A_444 = tpu.memref_squeeze %dma_wait3A_443 : memref<1x256x64xf32, #tpu.memory_space<vmem>> -> memref<256x64xf32, #tpu.memory_space<vmem>>
        tpu.wait_dma2 semaphore(%dma_wait3A_438 : memref<!tpu.dma_semaphore, #tpu.memory_space<semaphore_mem>>) src(%dma_wait3A_444 : memref<256x64xf32, #tpu.memory_space<vmem>>) dst(%dma_wait3A_440 : memref<256x64xf32, #tpu.memory_space<hbm>>)
        %mul3A_445 = arith.constant 2 : i32
        %mul3A_446 = arith.muli %add3A_249, %mul3A_445 : i32
        %add3A_447 = arith.constant 0 : i32
        %add3A_448 = arith.addi %mul3A_446, %add3A_447 : i32
        %dma_start3A_449 = arith.constant 0 : i32
        %dma_start3A_450 = arith.constant 0 : i32
        %dma_start3A_451 = arith.constant 0 : i32
        %dma_start3A_452 = arith.constant 0 : i32
        %dma_start3A_453 = tpu.memref_slice %arg6[%dma_start3A_449, %dma_start3A_451, %dma_start3A_452] : memref<4x256x64xf32, #tpu.memory_space<vmem>> -> memref<1x128x64xf32, #tpu.memory_space<vmem>>
        %dma_start3A_454 = tpu.memref_squeeze %dma_start3A_453 : memref<1x128x64xf32, #tpu.memory_space<vmem>> -> memref<128x64xf32, #tpu.memory_space<vmem>>
        %dma_start3A_455 = arith.constant 0 : i32
        %dma_start3A_456 = tpu.memref_slice %arg5[%add3A_448, %dma_start3A_455] : memref<200x128xi32, #tpu.memory_space<vmem>> -> memref<1x128xi32, #tpu.memory_space<vmem>>
        %dma_start3A_457 = tpu.memref_squeeze %dma_start3A_456 : memref<1x128xi32, #tpu.memory_space<vmem>> -> memref<128xi32, #tpu.memory_space<vmem>>
        %dma_start3A_458 = arith.constant 0 : i32
        %dma_start3A_459 = arith.constant 0 : i32
        %dma_start3A_460 = tpu.memref_slice %arg3[%dma_start3A_458, %dma_start3A_459] : memref<1000064x64xf32, #tpu.memory_space<hbm>> -> memref<1000064x64xf32, #tpu.memory_space<hbm>>
        %dma_start3A_461 = tpu.memref_slice %arg7[%dma_start3A_450] : memref<4x!tpu.dma_semaphore, #tpu.memory_space<semaphore_mem>> -> memref<1x!tpu.dma_semaphore, #tpu.memory_space<semaphore_mem>>
        %dma_start3A_462 = tpu.memref_squeeze %dma_start3A_461 : memref<1x!tpu.dma_semaphore, #tpu.memory_space<semaphore_mem>> -> memref<!tpu.dma_semaphore, #tpu.memory_space<semaphore_mem>>
        tpu.enqueue_indirect_dma source(%dma_start3A_460 : memref<1000064x64xf32, #tpu.memory_space<hbm>>) target(%dma_start3A_454 : memref<128x64xf32, #tpu.memory_space<vmem>>) offsets(%dma_start3A_457 : memref<128xi32, #tpu.memory_space<vmem>>) semaphore(%dma_start3A_462 : memref<!tpu.dma_semaphore, #tpu.memory_space<semaphore_mem>>)
        %mul3A_463 = arith.constant 2 : i32
        %mul3A_464 = arith.muli %add3A_249, %mul3A_463 : i32
        %add3A_465 = arith.constant 1 : i32
        %add3A_466 = arith.addi %mul3A_464, %add3A_465 : i32
        %dma_start3A_467 = arith.constant 0 : i32
        %dma_start3A_468 = arith.constant 0 : i32
        %dma_start3A_469 = arith.constant 128 : i32
        %dma_start3A_470 = arith.constant 0 : i32
        %dma_start3A_471 = tpu.memref_slice %arg6[%dma_start3A_467, %dma_start3A_469, %dma_start3A_470] : memref<4x256x64xf32, #tpu.memory_space<vmem>> -> memref<1x128x64xf32, #tpu.memory_space<vmem>>
        %dma_start3A_472 = tpu.memref_squeeze %dma_start3A_471 : memref<1x128x64xf32, #tpu.memory_space<vmem>> -> memref<128x64xf32, #tpu.memory_space<vmem>>
        %dma_start3A_473 = arith.constant 0 : i32
        %dma_start3A_474 = tpu.memref_slice %arg5[%add3A_466, %dma_start3A_473] : memref<200x128xi32, #tpu.memory_space<vmem>> -> memref<1x128xi32, #tpu.memory_space<vmem>>
        %dma_start3A_475 = tpu.memref_squeeze %dma_start3A_474 : memref<1x128xi32, #tpu.memory_space<vmem>> -> memref<128xi32, #tpu.memory_space<vmem>>
        %dma_start3A_476 = arith.constant 0 : i32
        %dma_start3A_477 = arith.constant 0 : i32
        %dma_start3A_478 = tpu.memref_slice %arg3[%dma_start3A_476, %dma_start3A_477] : memref<1000064x64xf32, #tpu.memory_space<hbm>> -> memref<1000064x64xf32, #tpu.memory_space<hbm>>
        %dma_start3A_479 = tpu.memref_slice %arg7[%dma_start3A_468] : memref<4x!tpu.dma_semaphore, #tpu.memory_space<semaphore_mem>> -> memref<1x!tpu.dma_semaphore, #tpu.memory_space<semaphore_mem>>
        %dma_start3A_480 = tpu.memref_squeeze %dma_start3A_479 : memref<1x!tpu.dma_semaphore, #tpu.memory_space<semaphore_mem>> -> memref<!tpu.dma_semaphore, #tpu.memory_space<semaphore_mem>>
        tpu.enqueue_indirect_dma source(%dma_start3A_478 : memref<1000064x64xf32, #tpu.memory_space<hbm>>) target(%dma_start3A_472 : memref<128x64xf32, #tpu.memory_space<vmem>>) offsets(%dma_start3A_475 : memref<128xi32, #tpu.memory_space<vmem>>) semaphore(%dma_start3A_480 : memref<!tpu.dma_semaphore, #tpu.memory_space<semaphore_mem>>)
      } else {
      }
      %add3A_252 = arith.constant 1 : i32
      %add3A_253 = arith.addi %add3A_195, %add3A_252 : i32
      %dma_wait3A_254 = arith.constant 0 : i32
      %dma_wait3A_255 = arith.constant 1 : i32
      %dma_wait3A_256 = arith.constant 1 : i32
      %dma_wait3A_257 = arith.constant 0 : i32
      %dma_wait3A_258 = arith.constant 0 : i32
      %dma_wait3A_259 = tpu.memref_slice %arg6[%dma_wait3A_255, %dma_wait3A_257, %dma_wait3A_258] : memref<4x256x64xf32, #tpu.memory_space<vmem>> -> memref<1x128x64xf32, #tpu.memory_space<vmem>>
      %dma_wait3A_260 = tpu.memref_squeeze %dma_wait3A_259 : memref<1x128x64xf32, #tpu.memory_space<vmem>> -> memref<128x64xf32, #tpu.memory_space<vmem>>
      %dma_wait3A_261 = arith.constant 0 : i32
      %dma_wait3A_262 = tpu.memref_slice %arg5[%dma_wait3A_254, %dma_wait3A_261] : memref<200x128xi32, #tpu.memory_space<vmem>> -> memref<1x128xi32, #tpu.memory_space<vmem>>
      %dma_wait3A_263 = tpu.memref_squeeze %dma_wait3A_262 : memref<1x128xi32, #tpu.memory_space<vmem>> -> memref<128xi32, #tpu.memory_space<vmem>>
      %dma_wait3A_264 = arith.constant 0 : i32
      %dma_wait3A_265 = arith.constant 0 : i32
      %dma_wait3A_266 = tpu.memref_slice %arg3[%dma_wait3A_264, %dma_wait3A_265] : memref<1000064x64xf32, #tpu.memory_space<hbm>> -> memref<1000064x64xf32, #tpu.memory_space<hbm>>
      %dma_wait3A_267 = tpu.memref_slice %arg7[%dma_wait3A_256] : memref<4x!tpu.dma_semaphore, #tpu.memory_space<semaphore_mem>> -> memref<1x!tpu.dma_semaphore, #tpu.memory_space<semaphore_mem>>
      %dma_wait3A_268 = tpu.memref_squeeze %dma_wait3A_267 : memref<1x!tpu.dma_semaphore, #tpu.memory_space<semaphore_mem>> -> memref<!tpu.dma_semaphore, #tpu.memory_space<semaphore_mem>>
      tpu.wait_indirect_dma semaphore(%dma_wait3A_268 : memref<!tpu.dma_semaphore, #tpu.memory_space<semaphore_mem>>) src(%dma_wait3A_266 : memref<1000064x64xf32, #tpu.memory_space<hbm>>) dst(%dma_wait3A_260 : memref<128x64xf32, #tpu.memory_space<vmem>>)
      %dma_wait3A_269 = arith.constant 1 : i32
      %dma_wait3A_270 = arith.constant 1 : i32
      %dma_wait3A_271 = arith.constant 1 : i32
      %dma_wait3A_272 = arith.constant 128 : i32
      %dma_wait3A_273 = arith.constant 0 : i32
      %dma_wait3A_274 = tpu.memref_slice %arg6[%dma_wait3A_270, %dma_wait3A_272, %dma_wait3A_273] : memref<4x256x64xf32, #tpu.memory_space<vmem>> -> memref<1x128x64xf32, #tpu.memory_space<vmem>>
      %dma_wait3A_275 = tpu.memref_squeeze %dma_wait3A_274 : memref<1x128x64xf32, #tpu.memory_space<vmem>> -> memref<128x64xf32, #tpu.memory_space<vmem>>
      %dma_wait3A_276 = arith.constant 0 : i32
      %dma_wait3A_277 = tpu.memref_slice %arg5[%dma_wait3A_269, %dma_wait3A_276] : memref<200x128xi32, #tpu.memory_space<vmem>> -> memref<1x128xi32, #tpu.memory_space<vmem>>
      %dma_wait3A_278 = tpu.memref_squeeze %dma_wait3A_277 : memref<1x128xi32, #tpu.memory_space<vmem>> -> memref<128xi32, #tpu.memory_space<vmem>>
      %dma_wait3A_279 = arith.constant 0 : i32
      %dma_wait3A_280 = arith.constant 0 : i32
      %dma_wait3A_281 = tpu.memref_slice %arg3[%dma_wait3A_279, %dma_wait3A_280] : memref<1000064x64xf32, #tpu.memory_space<hbm>> -> memref<1000064x64xf32, #tpu.memory_space<hbm>>
      %dma_wait3A_282 = tpu.memref_slice %arg7[%dma_wait3A_271] : memref<4x!tpu.dma_semaphore, #tpu.memory_space<semaphore_mem>> -> memref<1x!tpu.dma_semaphore, #tpu.memory_space<semaphore_mem>>
      %dma_wait3A_283 = tpu.memref_squeeze %dma_wait3A_282 : memref<1x!tpu.dma_semaphore, #tpu.memory_space<semaphore_mem>> -> memref<!tpu.dma_semaphore, #tpu.memory_space<semaphore_mem>>
      tpu.wait_indirect_dma semaphore(%dma_wait3A_283 : memref<!tpu.dma_semaphore, #tpu.memory_space<semaphore_mem>>) src(%dma_wait3A_281 : memref<1000064x64xf32, #tpu.memory_space<hbm>>) dst(%dma_wait3A_275 : memref<128x64xf32, #tpu.memory_space<vmem>>)
      %mul3A_284 = arith.constant 256 : i32
      %mul3A_285 = arith.muli %add3A_253, %mul3A_284 : i32
      %add3A_286 = arith.addi %mul3A_2, %mul3A_285 : i32
      %multiple_of3A_287 = tpu.assume_multiple %add3A_286, 256 : i32
      %dma_start3A_288 = arith.constant 1 : i32
      %dma_start3A_289 = arith.constant 1 : i32
      %dma_start3A_290 = arith.constant 0 : i32
      %dma_start3A_291 = arith.constant 0 : i32
      %dma_start3A_292 = tpu.memref_slice %arg6[%dma_start3A_288, %dma_start3A_290, %dma_start3A_291] : memref<4x256x64xf32, #tpu.memory_space<vmem>> -> memref<1x256x64xf32, #tpu.memory_space<vmem>>
      %dma_start3A_293 = tpu.memref_squeeze %dma_start3A_292 : memref<1x256x64xf32, #tpu.memory_space<vmem>> -> memref<256x64xf32, #tpu.memory_space<vmem>>
      %dma_start3A_294 = arith.constant 0 : i32
      %dma_start3A_295 = tpu.memref_slice %arg4[%multiple_of3A_287, %dma_start3A_294] : memref<819200x64xf32, #tpu.memory_space<hbm>> -> memref<256x64xf32, #tpu.memory_space<hbm>>
      %dma_start3A_296 = tpu.memref_slice %arg8[%dma_start3A_289] : memref<4x!tpu.dma_semaphore, #tpu.memory_space<semaphore_mem>> -> memref<1x!tpu.dma_semaphore, #tpu.memory_space<semaphore_mem>>
      %dma_start3A_297 = tpu.memref_squeeze %dma_start3A_296 : memref<1x!tpu.dma_semaphore, #tpu.memory_space<semaphore_mem>> -> memref<!tpu.dma_semaphore, #tpu.memory_space<semaphore_mem>>
      %dma_start3A_298 = arith.constant 0 : i32
      %dma_start3A_299 = tpu.memref_slice %arg4[%multiple_of3A_287, %dma_start3A_298] : memref<819200x64xf32, #tpu.memory_space<hbm>> -> memref<256x64xf32, #tpu.memory_space<hbm>>
      %dma_start3A_300 = arith.constant 0 : i32
      %dma_start3A_301 = arith.constant 0 : i32
      %dma_start3A_302 = tpu.memref_slice %arg6[%dma_start3A_288, %dma_start3A_300, %dma_start3A_301] : memref<4x256x64xf32, #tpu.memory_space<vmem>> -> memref<1x256x64xf32, #tpu.memory_space<vmem>>
      %dma_start3A_303 = tpu.memref_squeeze %dma_start3A_302 : memref<1x256x64xf32, #tpu.memory_space<vmem>> -> memref<256x64xf32, #tpu.memory_space<vmem>>
      tpu.enqueue_dma source(%dma_start3A_303 : memref<256x64xf32, #tpu.memory_space<vmem>>) target(%dma_start3A_299 : memref<256x64xf32, #tpu.memory_space<hbm>>) target_semaphore(%dma_start3A_297 : memref<!tpu.dma_semaphore, #tpu.memory_space<semaphore_mem>>)
      %add3A_304 = arith.constant 4 : i32
      %add3A_305 = arith.addi %add3A_253, %add3A_304 : i32
      %lt3A_306 = arith.constant 100 : i32
      %lt3A_307 = arith.cmpi slt, %add3A_305, %lt3A_306 : i32
      %convert_element_type3A_308 = arith.extui %lt3A_307 : i1 to i32
      %cond3A_309 = arith.constant 0 : i32
      %cond3A_310 = arith.cmpi ne, %convert_element_type3A_308, %cond3A_309 : i32
      scf.if %cond3A_310 {
        %dma_wait3A_429 = arith.constant 1 : i32
        %dma_wait3A_430 = arith.constant 1 : i32
        %dma_wait3A_431 = arith.constant 0 : i32
        %dma_wait3A_432 = arith.constant 0 : i32
        %dma_wait3A_433 = tpu.memref_slice %arg6[%dma_wait3A_429, %dma_wait3A_431, %dma_wait3A_432] : memref<4x256x64xf32, #tpu.memory_space<vmem>> -> memref<1x256x64xf32, #tpu.memory_space<vmem>>
        %dma_wait3A_434 = tpu.memref_squeeze %dma_wait3A_433 : memref<1x256x64xf32, #tpu.memory_space<vmem>> -> memref<256x64xf32, #tpu.memory_space<vmem>>
        %dma_wait3A_435 = arith.constant 0 : i32
        %dma_wait3A_436 = tpu.memref_slice %arg4[%mul3A_2, %dma_wait3A_435] : memref<819200x64xf32, #tpu.memory_space<hbm>> -> memref<256x64xf32, #tpu.memory_space<hbm>>
        %dma_wait3A_437 = tpu.memref_slice %arg8[%dma_wait3A_430] : memref<4x!tpu.dma_semaphore, #tpu.memory_space<semaphore_mem>> -> memref<1x!tpu.dma_semaphore, #tpu.memory_space<semaphore_mem>>
        %dma_wait3A_438 = tpu.memref_squeeze %dma_wait3A_437 : memref<1x!tpu.dma_semaphore, #tpu.memory_space<semaphore_mem>> -> memref<!tpu.dma_semaphore, #tpu.memory_space<semaphore_mem>>
        %dma_wait3A_439 = arith.constant 0 : i32
        %dma_wait3A_440 = tpu.memref_slice %arg4[%mul3A_2, %dma_wait3A_439] : memref<819200x64xf32, #tpu.memory_space<hbm>> -> memref<256x64xf32, #tpu.memory_space<hbm>>
        %dma_wait3A_441 = arith.constant 0 : i32
        %dma_wait3A_442 = arith.constant 0 : i32
        %dma_wait3A_443 = tpu.memref_slice %arg6[%dma_wait3A_429, %dma_wait3A_441, %dma_wait3A_442] : memref<4x256x64xf32, #tpu.memory_space<vmem>> -> memref<1x256x64xf32, #tpu.memory_space<vmem>>
        %dma_wait3A_444 = tpu.memref_squeeze %dma_wait3A_443 : memref<1x256x64xf32, #tpu.memory_space<vmem>> -> memref<256x64xf32, #tpu.memory_space<vmem>>
        tpu.wait_dma2 semaphore(%dma_wait3A_438 : memref<!tpu.dma_semaphore, #tpu.memory_space<semaphore_mem>>) src(%dma_wait3A_444 : memref<256x64xf32, #tpu.memory_space<vmem>>) dst(%dma_wait3A_440 : memref<256x64xf32, #tpu.memory_space<hbm>>)
        %mul3A_445 = arith.constant 2 : i32
        %mul3A_446 = arith.muli %add3A_305, %mul3A_445 : i32
        %add3A_447 = arith.constant 0 : i32
        %add3A_448 = arith.addi %mul3A_446, %add3A_447 : i32
        %dma_start3A_449 = arith.constant 1 : i32
        %dma_start3A_450 = arith.constant 1 : i32
        %dma_start3A_451 = arith.constant 0 : i32
        %dma_start3A_452 = arith.constant 0 : i32
        %dma_start3A_453 = tpu.memref_slice %arg6[%dma_start3A_449, %dma_start3A_451, %dma_start3A_452] : memref<4x256x64xf32, #tpu.memory_space<vmem>> -> memref<1x128x64xf32, #tpu.memory_space<vmem>>
        %dma_start3A_454 = tpu.memref_squeeze %dma_start3A_453 : memref<1x128x64xf32, #tpu.memory_space<vmem>> -> memref<128x64xf32, #tpu.memory_space<vmem>>
        %dma_start3A_455 = arith.constant 0 : i32
        %dma_start3A_456 = tpu.memref_slice %arg5[%add3A_448, %dma_start3A_455] : memref<200x128xi32, #tpu.memory_space<vmem>> -> memref<1x128xi32, #tpu.memory_space<vmem>>
        %dma_start3A_457 = tpu.memref_squeeze %dma_start3A_456 : memref<1x128xi32, #tpu.memory_space<vmem>> -> memref<128xi32, #tpu.memory_space<vmem>>
        %dma_start3A_458 = arith.constant 0 : i32
        %dma_start3A_459 = arith.constant 0 : i32
        %dma_start3A_460 = tpu.memref_slice %arg3[%dma_start3A_458, %dma_start3A_459] : memref<1000064x64xf32, #tpu.memory_space<hbm>> -> memref<1000064x64xf32, #tpu.memory_space<hbm>>
        %dma_start3A_461 = tpu.memref_slice %arg7[%dma_start3A_450] : memref<4x!tpu.dma_semaphore, #tpu.memory_space<semaphore_mem>> -> memref<1x!tpu.dma_semaphore, #tpu.memory_space<semaphore_mem>>
        %dma_start3A_462 = tpu.memref_squeeze %dma_start3A_461 : memref<1x!tpu.dma_semaphore, #tpu.memory_space<semaphore_mem>> -> memref<!tpu.dma_semaphore, #tpu.memory_space<semaphore_mem>>
        tpu.enqueue_indirect_dma source(%dma_start3A_460 : memref<1000064x64xf32, #tpu.memory_space<hbm>>) target(%dma_start3A_454 : memref<128x64xf32, #tpu.memory_space<vmem>>) offsets(%dma_start3A_457 : memref<128xi32, #tpu.memory_space<vmem>>) semaphore(%dma_start3A_462 : memref<!tpu.dma_semaphore, #tpu.memory_space<semaphore_mem>>)
        %mul3A_463 = arith.constant 2 : i32
        %mul3A_464 = arith.muli %add3A_305, %mul3A_463 : i32
        %add3A_465 = arith.constant 1 : i32
        %add3A_466 = arith.addi %mul3A_464, %add3A_465 : i32
        %dma_start3A_467 = arith.constant 1 : i32
        %dma_start3A_468 = arith.constant 1 : i32
        %dma_start3A_469 = arith.constant 128 : i32
        %dma_start3A_470 = arith.constant 0 : i32
        %dma_start3A_471 = tpu.memref_slice %arg6[%dma_start3A_467, %dma_start3A_469, %dma_start3A_470] : memref<4x256x64xf32, #tpu.memory_space<vmem>> -> memref<1x128x64xf32, #tpu.memory_space<vmem>>
        %dma_start3A_472 = tpu.memref_squeeze %dma_start3A_471 : memref<1x128x64xf32, #tpu.memory_space<vmem>> -> memref<128x64xf32, #tpu.memory_space<vmem>>
        %dma_start3A_473 = arith.constant 0 : i32
        %dma_start3A_474 = tpu.memref_slice %arg5[%add3A_466, %dma_start3A_473] : memref<200x128xi32, #tpu.memory_space<vmem>> -> memref<1x128xi32, #tpu.memory_space<vmem>>
        %dma_start3A_475 = tpu.memref_squeeze %dma_start3A_474 : memref<1x128xi32, #tpu.memory_space<vmem>> -> memref<128xi32, #tpu.memory_space<vmem>>
        %dma_start3A_476 = arith.constant 0 : i32
        %dma_start3A_477 = arith.constant 0 : i32
        %dma_start3A_478 = tpu.memref_slice %arg3[%dma_start3A_476, %dma_start3A_477] : memref<1000064x64xf32, #tpu.memory_space<hbm>> -> memref<1000064x64xf32, #tpu.memory_space<hbm>>
        %dma_start3A_479 = tpu.memref_slice %arg7[%dma_start3A_468] : memref<4x!tpu.dma_semaphore, #tpu.memory_space<semaphore_mem>> -> memref<1x!tpu.dma_semaphore, #tpu.memory_space<semaphore_mem>>
        %dma_start3A_480 = tpu.memref_squeeze %dma_start3A_479 : memref<1x!tpu.dma_semaphore, #tpu.memory_space<semaphore_mem>> -> memref<!tpu.dma_semaphore, #tpu.memory_space<semaphore_mem>>
        tpu.enqueue_indirect_dma source(%dma_start3A_478 : memref<1000064x64xf32, #tpu.memory_space<hbm>>) target(%dma_start3A_472 : memref<128x64xf32, #tpu.memory_space<vmem>>) offsets(%dma_start3A_475 : memref<128xi32, #tpu.memory_space<vmem>>) semaphore(%dma_start3A_480 : memref<!tpu.dma_semaphore, #tpu.memory_space<semaphore_mem>>)
      } else {
      }
      %add3A_311 = arith.constant 2 : i32
      %add3A_312 = arith.addi %add3A_195, %add3A_311 : i32
      %dma_wait3A_313 = arith.constant 0 : i32
      %dma_wait3A_314 = arith.constant 2 : i32
      %dma_wait3A_315 = arith.constant 2 : i32
      %dma_wait3A_316 = arith.constant 0 : i32
      %dma_wait3A_317 = arith.constant 0 : i32
      %dma_wait3A_318 = tpu.memref_slice %arg6[%dma_wait3A_314, %dma_wait3A_316, %dma_wait3A_317] : memref<4x256x64xf32, #tpu.memory_space<vmem>> -> memref<1x128x64xf32, #tpu.memory_space<vmem>>
      %dma_wait3A_319 = tpu.memref_squeeze %dma_wait3A_318 : memref<1x128x64xf32, #tpu.memory_space<vmem>> -> memref<128x64xf32, #tpu.memory_space<vmem>>
      %dma_wait3A_320 = arith.constant 0 : i32
      %dma_wait3A_321 = tpu.memref_slice %arg5[%dma_wait3A_313, %dma_wait3A_320] : memref<200x128xi32, #tpu.memory_space<vmem>> -> memref<1x128xi32, #tpu.memory_space<vmem>>
      %dma_wait3A_322 = tpu.memref_squeeze %dma_wait3A_321 : memref<1x128xi32, #tpu.memory_space<vmem>> -> memref<128xi32, #tpu.memory_space<vmem>>
      %dma_wait3A_323 = arith.constant 0 : i32
      %dma_wait3A_324 = arith.constant 0 : i32
      %dma_wait3A_325 = tpu.memref_slice %arg3[%dma_wait3A_323, %dma_wait3A_324] : memref<1000064x64xf32, #tpu.memory_space<hbm>> -> memref<1000064x64xf32, #tpu.memory_space<hbm>>
      %dma_wait3A_326 = tpu.memref_slice %arg7[%dma_wait3A_315] : memref<4x!tpu.dma_semaphore, #tpu.memory_space<semaphore_mem>> -> memref<1x!tpu.dma_semaphore, #tpu.memory_space<semaphore_mem>>
      %dma_wait3A_327 = tpu.memref_squeeze %dma_wait3A_326 : memref<1x!tpu.dma_semaphore, #tpu.memory_space<semaphore_mem>> -> memref<!tpu.dma_semaphore, #tpu.memory_space<semaphore_mem>>
      tpu.wait_indirect_dma semaphore(%dma_wait3A_327 : memref<!tpu.dma_semaphore, #tpu.memory_space<semaphore_mem>>) src(%dma_wait3A_325 : memref<1000064x64xf32, #tpu.memory_space<hbm>>) dst(%dma_wait3A_319 : memref<128x64xf32, #tpu.memory_space<vmem>>)
      %dma_wait3A_328 = arith.constant 1 : i32
      %dma_wait3A_329 = arith.constant 2 : i32
      %dma_wait3A_330 = arith.constant 2 : i32
      %dma_wait3A_331 = arith.constant 128 : i32
      %dma_wait3A_332 = arith.constant 0 : i32
      %dma_wait3A_333 = tpu.memref_slice %arg6[%dma_wait3A_329, %dma_wait3A_331, %dma_wait3A_332] : memref<4x256x64xf32, #tpu.memory_space<vmem>> -> memref<1x128x64xf32, #tpu.memory_space<vmem>>
      %dma_wait3A_334 = tpu.memref_squeeze %dma_wait3A_333 : memref<1x128x64xf32, #tpu.memory_space<vmem>> -> memref<128x64xf32, #tpu.memory_space<vmem>>
      %dma_wait3A_335 = arith.constant 0 : i32
      %dma_wait3A_336 = tpu.memref_slice %arg5[%dma_wait3A_328, %dma_wait3A_335] : memref<200x128xi32, #tpu.memory_space<vmem>> -> memref<1x128xi32, #tpu.memory_space<vmem>>
      %dma_wait3A_337 = tpu.memref_squeeze %dma_wait3A_336 : memref<1x128xi32, #tpu.memory_space<vmem>> -> memref<128xi32, #tpu.memory_space<vmem>>
      %dma_wait3A_338 = arith.constant 0 : i32
      %dma_wait3A_339 = arith.constant 0 : i32
      %dma_wait3A_340 = tpu.memref_slice %arg3[%dma_wait3A_338, %dma_wait3A_339] : memref<1000064x64xf32, #tpu.memory_space<hbm>> -> memref<1000064x64xf32, #tpu.memory_space<hbm>>
      %dma_wait3A_341 = tpu.memref_slice %arg7[%dma_wait3A_330] : memref<4x!tpu.dma_semaphore, #tpu.memory_space<semaphore_mem>> -> memref<1x!tpu.dma_semaphore, #tpu.memory_space<semaphore_mem>>
      %dma_wait3A_342 = tpu.memref_squeeze %dma_wait3A_341 : memref<1x!tpu.dma_semaphore, #tpu.memory_space<semaphore_mem>> -> memref<!tpu.dma_semaphore, #tpu.memory_space<semaphore_mem>>
      tpu.wait_indirect_dma semaphore(%dma_wait3A_342 : memref<!tpu.dma_semaphore, #tpu.memory_space<semaphore_mem>>) src(%dma_wait3A_340 : memref<1000064x64xf32, #tpu.memory_space<hbm>>) dst(%dma_wait3A_334 : memref<128x64xf32, #tpu.memory_space<vmem>>)
      %mul3A_343 = arith.constant 256 : i32
      %mul3A_344 = arith.muli %add3A_312, %mul3A_343 : i32
      %add3A_345 = arith.addi %mul3A_2, %mul3A_344 : i32
      %multiple_of3A_346 = tpu.assume_multiple %add3A_345, 256 : i32
      %dma_start3A_347 = arith.constant 2 : i32
      %dma_start3A_348 = arith.constant 2 : i32
      %dma_start3A_349 = arith.constant 0 : i32
      %dma_start3A_350 = arith.constant 0 : i32
      %dma_start3A_351 = tpu.memref_slice %arg6[%dma_start3A_347, %dma_start3A_349, %dma_start3A_350] : memref<4x256x64xf32, #tpu.memory_space<vmem>> -> memref<1x256x64xf32, #tpu.memory_space<vmem>>
      %dma_start3A_352 = tpu.memref_squeeze %dma_start3A_351 : memref<1x256x64xf32, #tpu.memory_space<vmem>> -> memref<256x64xf32, #tpu.memory_space<vmem>>
      %dma_start3A_353 = arith.constant 0 : i32
      %dma_start3A_354 = tpu.memref_slice %arg4[%multiple_of3A_346, %dma_start3A_353] : memref<819200x64xf32, #tpu.memory_space<hbm>> -> memref<256x64xf32, #tpu.memory_space<hbm>>
      %dma_start3A_355 = tpu.memref_slice %arg8[%dma_start3A_348] : memref<4x!tpu.dma_semaphore, #tpu.memory_space<semaphore_mem>> -> memref<1x!tpu.dma_semaphore, #tpu.memory_space<semaphore_mem>>
      %dma_start3A_356 = tpu.memref_squeeze %dma_start3A_355 : memref<1x!tpu.dma_semaphore, #tpu.memory_space<semaphore_mem>> -> memref<!tpu.dma_semaphore, #tpu.memory_space<semaphore_mem>>
      %dma_start3A_357 = arith.constant 0 : i32
      %dma_start3A_358 = tpu.memref_slice %arg4[%multiple_of3A_346, %dma_start3A_357] : memref<819200x64xf32, #tpu.memory_space<hbm>> -> memref<256x64xf32, #tpu.memory_space<hbm>>
      %dma_start3A_359 = arith.constant 0 : i32
      %dma_start3A_360 = arith.constant 0 : i32
      %dma_start3A_361 = tpu.memref_slice %arg6[%dma_start3A_347, %dma_start3A_359, %dma_start3A_360] : memref<4x256x64xf32, #tpu.memory_space<vmem>> -> memref<1x256x64xf32, #tpu.memory_space<vmem>>
      %dma_start3A_362 = tpu.memref_squeeze %dma_start3A_361 : memref<1x256x64xf32, #tpu.memory_space<vmem>> -> memref<256x64xf32, #tpu.memory_space<vmem>>
      tpu.enqueue_dma source(%dma_start3A_362 : memref<256x64xf32, #tpu.memory_space<vmem>>) target(%dma_start3A_358 : memref<256x64xf32, #tpu.memory_space<hbm>>) target_semaphore(%dma_start3A_356 : memref<!tpu.dma_semaphore, #tpu.memory_space<semaphore_mem>>)
      %add3A_363 = arith.constant 4 : i32
      %add3A_364 = arith.addi %add3A_312, %add3A_363 : i32
      %lt3A_365 = arith.constant 100 : i32
      %lt3A_366 = arith.cmpi slt, %add3A_364, %lt3A_365 : i32
      %convert_element_type3A_367 = arith.extui %lt3A_366 : i1 to i32
      %cond3A_368 = arith.constant 0 : i32
      %cond3A_369 = arith.cmpi ne, %convert_element_type3A_367, %cond3A_368 : i32
      scf.if %cond3A_369 {
        %dma_wait3A_429 = arith.constant 2 : i32
        %dma_wait3A_430 = arith.constant 2 : i32
        %dma_wait3A_431 = arith.constant 0 : i32
        %dma_wait3A_432 = arith.constant 0 : i32
        %dma_wait3A_433 = tpu.memref_slice %arg6[%dma_wait3A_429, %dma_wait3A_431, %dma_wait3A_432] : memref<4x256x64xf32, #tpu.memory_space<vmem>> -> memref<1x256x64xf32, #tpu.memory_space<vmem>>
        %dma_wait3A_434 = tpu.memref_squeeze %dma_wait3A_433 : memref<1x256x64xf32, #tpu.memory_space<vmem>> -> memref<256x64xf32, #tpu.memory_space<vmem>>
        %dma_wait3A_435 = arith.constant 0 : i32
        %dma_wait3A_436 = tpu.memref_slice %arg4[%mul3A_2, %dma_wait3A_435] : memref<819200x64xf32, #tpu.memory_space<hbm>> -> memref<256x64xf32, #tpu.memory_space<hbm>>
        %dma_wait3A_437 = tpu.memref_slice %arg8[%dma_wait3A_430] : memref<4x!tpu.dma_semaphore, #tpu.memory_space<semaphore_mem>> -> memref<1x!tpu.dma_semaphore, #tpu.memory_space<semaphore_mem>>
        %dma_wait3A_438 = tpu.memref_squeeze %dma_wait3A_437 : memref<1x!tpu.dma_semaphore, #tpu.memory_space<semaphore_mem>> -> memref<!tpu.dma_semaphore, #tpu.memory_space<semaphore_mem>>
        %dma_wait3A_439 = arith.constant 0 : i32
        %dma_wait3A_440 = tpu.memref_slice %arg4[%mul3A_2, %dma_wait3A_439] : memref<819200x64xf32, #tpu.memory_space<hbm>> -> memref<256x64xf32, #tpu.memory_space<hbm>>
        %dma_wait3A_441 = arith.constant 0 : i32
        %dma_wait3A_442 = arith.constant 0 : i32
        %dma_wait3A_443 = tpu.memref_slice %arg6[%dma_wait3A_429, %dma_wait3A_441, %dma_wait3A_442] : memref<4x256x64xf32, #tpu.memory_space<vmem>> -> memref<1x256x64xf32, #tpu.memory_space<vmem>>
        %dma_wait3A_444 = tpu.memref_squeeze %dma_wait3A_443 : memref<1x256x64xf32, #tpu.memory_space<vmem>> -> memref<256x64xf32, #tpu.memory_space<vmem>>
        tpu.wait_dma2 semaphore(%dma_wait3A_438 : memref<!tpu.dma_semaphore, #tpu.memory_space<semaphore_mem>>) src(%dma_wait3A_444 : memref<256x64xf32, #tpu.memory_space<vmem>>) dst(%dma_wait3A_440 : memref<256x64xf32, #tpu.memory_space<hbm>>)
        %mul3A_445 = arith.constant 2 : i32
        %mul3A_446 = arith.muli %add3A_364, %mul3A_445 : i32
        %add3A_447 = arith.constant 0 : i32
        %add3A_448 = arith.addi %mul3A_446, %add3A_447 : i32
        %dma_start3A_449 = arith.constant 2 : i32
        %dma_start3A_450 = arith.constant 2 : i32
        %dma_start3A_451 = arith.constant 0 : i32
        %dma_start3A_452 = arith.constant 0 : i32
        %dma_start3A_453 = tpu.memref_slice %arg6[%dma_start3A_449, %dma_start3A_451, %dma_start3A_452] : memref<4x256x64xf32, #tpu.memory_space<vmem>> -> memref<1x128x64xf32, #tpu.memory_space<vmem>>
        %dma_start3A_454 = tpu.memref_squeeze %dma_start3A_453 : memref<1x128x64xf32, #tpu.memory_space<vmem>> -> memref<128x64xf32, #tpu.memory_space<vmem>>
        %dma_start3A_455 = arith.constant 0 : i32
        %dma_start3A_456 = tpu.memref_slice %arg5[%add3A_448, %dma_start3A_455] : memref<200x128xi32, #tpu.memory_space<vmem>> -> memref<1x128xi32, #tpu.memory_space<vmem>>
        %dma_start3A_457 = tpu.memref_squeeze %dma_start3A_456 : memref<1x128xi32, #tpu.memory_space<vmem>> -> memref<128xi32, #tpu.memory_space<vmem>>
        %dma_start3A_458 = arith.constant 0 : i32
        %dma_start3A_459 = arith.constant 0 : i32
        %dma_start3A_460 = tpu.memref_slice %arg3[%dma_start3A_458, %dma_start3A_459] : memref<1000064x64xf32, #tpu.memory_space<hbm>> -> memref<1000064x64xf32, #tpu.memory_space<hbm>>
        %dma_start3A_461 = tpu.memref_slice %arg7[%dma_start3A_450] : memref<4x!tpu.dma_semaphore, #tpu.memory_space<semaphore_mem>> -> memref<1x!tpu.dma_semaphore, #tpu.memory_space<semaphore_mem>>
        %dma_start3A_462 = tpu.memref_squeeze %dma_start3A_461 : memref<1x!tpu.dma_semaphore, #tpu.memory_space<semaphore_mem>> -> memref<!tpu.dma_semaphore, #tpu.memory_space<semaphore_mem>>
        tpu.enqueue_indirect_dma source(%dma_start3A_460 : memref<1000064x64xf32, #tpu.memory_space<hbm>>) target(%dma_start3A_454 : memref<128x64xf32, #tpu.memory_space<vmem>>) offsets(%dma_start3A_457 : memref<128xi32, #tpu.memory_space<vmem>>) semaphore(%dma_start3A_462 : memref<!tpu.dma_semaphore, #tpu.memory_space<semaphore_mem>>)
        %mul3A_463 = arith.constant 2 : i32
        %mul3A_464 = arith.muli %add3A_364, %mul3A_463 : i32
        %add3A_465 = arith.constant 1 : i32
        %add3A_466 = arith.addi %mul3A_464, %add3A_465 : i32
        %dma_start3A_467 = arith.constant 2 : i32
        %dma_start3A_468 = arith.constant 2 : i32
        %dma_start3A_469 = arith.constant 128 : i32
        %dma_start3A_470 = arith.constant 0 : i32
        %dma_start3A_471 = tpu.memref_slice %arg6[%dma_start3A_467, %dma_start3A_469, %dma_start3A_470] : memref<4x256x64xf32, #tpu.memory_space<vmem>> -> memref<1x128x64xf32, #tpu.memory_space<vmem>>
        %dma_start3A_472 = tpu.memref_squeeze %dma_start3A_471 : memref<1x128x64xf32, #tpu.memory_space<vmem>> -> memref<128x64xf32, #tpu.memory_space<vmem>>
        %dma_start3A_473 = arith.constant 0 : i32
        %dma_start3A_474 = tpu.memref_slice %arg5[%add3A_466, %dma_start3A_473] : memref<200x128xi32, #tpu.memory_space<vmem>> -> memref<1x128xi32, #tpu.memory_space<vmem>>
        %dma_start3A_475 = tpu.memref_squeeze %dma_start3A_474 : memref<1x128xi32, #tpu.memory_space<vmem>> -> memref<128xi32, #tpu.memory_space<vmem>>
        %dma_start3A_476 = arith.constant 0 : i32
        %dma_start3A_477 = arith.constant 0 : i32
        %dma_start3A_478 = tpu.memref_slice %arg3[%dma_start3A_476, %dma_start3A_477] : memref<1000064x64xf32, #tpu.memory_space<hbm>> -> memref<1000064x64xf32, #tpu.memory_space<hbm>>
        %dma_start3A_479 = tpu.memref_slice %arg7[%dma_start3A_468] : memref<4x!tpu.dma_semaphore, #tpu.memory_space<semaphore_mem>> -> memref<1x!tpu.dma_semaphore, #tpu.memory_space<semaphore_mem>>
        %dma_start3A_480 = tpu.memref_squeeze %dma_start3A_479 : memref<1x!tpu.dma_semaphore, #tpu.memory_space<semaphore_mem>> -> memref<!tpu.dma_semaphore, #tpu.memory_space<semaphore_mem>>
        tpu.enqueue_indirect_dma source(%dma_start3A_478 : memref<1000064x64xf32, #tpu.memory_space<hbm>>) target(%dma_start3A_472 : memref<128x64xf32, #tpu.memory_space<vmem>>) offsets(%dma_start3A_475 : memref<128xi32, #tpu.memory_space<vmem>>) semaphore(%dma_start3A_480 : memref<!tpu.dma_semaphore, #tpu.memory_space<semaphore_mem>>)
      } else {
      }
      %add3A_370 = arith.constant 3 : i32
      %add3A_371 = arith.addi %add3A_195, %add3A_370 : i32
      %dma_wait3A_372 = arith.constant 0 : i32
      %dma_wait3A_373 = arith.constant 3 : i32
      %dma_wait3A_374 = arith.constant 3 : i32
      %dma_wait3A_375 = arith.constant 0 : i32
      %dma_wait3A_376 = arith.constant 0 : i32
      %dma_wait3A_377 = tpu.memref_slice %arg6[%dma_wait3A_373, %dma_wait3A_375, %dma_wait3A_376] : memref<4x256x64xf32, #tpu.memory_space<vmem>> -> memref<1x128x64xf32, #tpu.memory_space<vmem>>
      %dma_wait3A_378 = tpu.memref_squeeze %dma_wait3A_377 : memref<1x128x64xf32, #tpu.memory_space<vmem>> -> memref<128x64xf32, #tpu.memory_space<vmem>>
      %dma_wait3A_379 = arith.constant 0 : i32
      %dma_wait3A_380 = tpu.memref_slice %arg5[%dma_wait3A_372, %dma_wait3A_379] : memref<200x128xi32, #tpu.memory_space<vmem>> -> memref<1x128xi32, #tpu.memory_space<vmem>>
      %dma_wait3A_381 = tpu.memref_squeeze %dma_wait3A_380 : memref<1x128xi32, #tpu.memory_space<vmem>> -> memref<128xi32, #tpu.memory_space<vmem>>
      %dma_wait3A_382 = arith.constant 0 : i32
      %dma_wait3A_383 = arith.constant 0 : i32
      %dma_wait3A_384 = tpu.memref_slice %arg3[%dma_wait3A_382, %dma_wait3A_383] : memref<1000064x64xf32, #tpu.memory_space<hbm>> -> memref<1000064x64xf32, #tpu.memory_space<hbm>>
      %dma_wait3A_385 = tpu.memref_slice %arg7[%dma_wait3A_374] : memref<4x!tpu.dma_semaphore, #tpu.memory_space<semaphore_mem>> -> memref<1x!tpu.dma_semaphore, #tpu.memory_space<semaphore_mem>>
      %dma_wait3A_386 = tpu.memref_squeeze %dma_wait3A_385 : memref<1x!tpu.dma_semaphore, #tpu.memory_space<semaphore_mem>> -> memref<!tpu.dma_semaphore, #tpu.memory_space<semaphore_mem>>
      tpu.wait_indirect_dma semaphore(%dma_wait3A_386 : memref<!tpu.dma_semaphore, #tpu.memory_space<semaphore_mem>>) src(%dma_wait3A_384 : memref<1000064x64xf32, #tpu.memory_space<hbm>>) dst(%dma_wait3A_378 : memref<128x64xf32, #tpu.memory_space<vmem>>)
      %dma_wait3A_387 = arith.constant 1 : i32
      %dma_wait3A_388 = arith.constant 3 : i32
      %dma_wait3A_389 = arith.constant 3 : i32
      %dma_wait3A_390 = arith.constant 128 : i32
      %dma_wait3A_391 = arith.constant 0 : i32
      %dma_wait3A_392 = tpu.memref_slice %arg6[%dma_wait3A_388, %dma_wait3A_390, %dma_wait3A_391] : memref<4x256x64xf32, #tpu.memory_space<vmem>> -> memref<1x128x64xf32, #tpu.memory_space<vmem>>
      %dma_wait3A_393 = tpu.memref_squeeze %dma_wait3A_392 : memref<1x128x64xf32, #tpu.memory_space<vmem>> -> memref<128x64xf32, #tpu.memory_space<vmem>>
      %dma_wait3A_394 = arith.constant 0 : i32
      %dma_wait3A_395 = tpu.memref_slice %arg5[%dma_wait3A_387, %dma_wait3A_394] : memref<200x128xi32, #tpu.memory_space<vmem>> -> memref<1x128xi32, #tpu.memory_space<vmem>>
      %dma_wait3A_396 = tpu.memref_squeeze %dma_wait3A_395 : memref<1x128xi32, #tpu.memory_space<vmem>> -> memref<128xi32, #tpu.memory_space<vmem>>
      %dma_wait3A_397 = arith.constant 0 : i32
      %dma_wait3A_398 = arith.constant 0 : i32
      %dma_wait3A_399 = tpu.memref_slice %arg3[%dma_wait3A_397, %dma_wait3A_398] : memref<1000064x64xf32, #tpu.memory_space<hbm>> -> memref<1000064x64xf32, #tpu.memory_space<hbm>>
      %dma_wait3A_400 = tpu.memref_slice %arg7[%dma_wait3A_389] : memref<4x!tpu.dma_semaphore, #tpu.memory_space<semaphore_mem>> -> memref<1x!tpu.dma_semaphore, #tpu.memory_space<semaphore_mem>>
      %dma_wait3A_401 = tpu.memref_squeeze %dma_wait3A_400 : memref<1x!tpu.dma_semaphore, #tpu.memory_space<semaphore_mem>> -> memref<!tpu.dma_semaphore, #tpu.memory_space<semaphore_mem>>
      tpu.wait_indirect_dma semaphore(%dma_wait3A_401 : memref<!tpu.dma_semaphore, #tpu.memory_space<semaphore_mem>>) src(%dma_wait3A_399 : memref<1000064x64xf32, #tpu.memory_space<hbm>>) dst(%dma_wait3A_393 : memref<128x64xf32, #tpu.memory_space<vmem>>)
      %mul3A_402 = arith.constant 256 : i32
      %mul3A_403 = arith.muli %add3A_371, %mul3A_402 : i32
      %add3A_404 = arith.addi %mul3A_2, %mul3A_403 : i32
      %multiple_of3A_405 = tpu.assume_multiple %add3A_404, 256 : i32
      %dma_start3A_406 = arith.constant 3 : i32
      %dma_start3A_407 = arith.constant 3 : i32
      %dma_start3A_408 = arith.constant 0 : i32
      %dma_start3A_409 = arith.constant 0 : i32
      %dma_start3A_410 = tpu.memref_slice %arg6[%dma_start3A_406, %dma_start3A_408, %dma_start3A_409] : memref<4x256x64xf32, #tpu.memory_space<vmem>> -> memref<1x256x64xf32, #tpu.memory_space<vmem>>
      %dma_start3A_411 = tpu.memref_squeeze %dma_start3A_410 : memref<1x256x64xf32, #tpu.memory_space<vmem>> -> memref<256x64xf32, #tpu.memory_space<vmem>>
      %dma_start3A_412 = arith.constant 0 : i32
      %dma_start3A_413 = tpu.memref_slice %arg4[%multiple_of3A_405, %dma_start3A_412] : memref<819200x64xf32, #tpu.memory_space<hbm>> -> memref<256x64xf32, #tpu.memory_space<hbm>>
      %dma_start3A_414 = tpu.memref_slice %arg8[%dma_start3A_407] : memref<4x!tpu.dma_semaphore, #tpu.memory_space<semaphore_mem>> -> memref<1x!tpu.dma_semaphore, #tpu.memory_space<semaphore_mem>>
      %dma_start3A_415 = tpu.memref_squeeze %dma_start3A_414 : memref<1x!tpu.dma_semaphore, #tpu.memory_space<semaphore_mem>> -> memref<!tpu.dma_semaphore, #tpu.memory_space<semaphore_mem>>
      %dma_start3A_416 = arith.constant 0 : i32
      %dma_start3A_417 = tpu.memref_slice %arg4[%multiple_of3A_405, %dma_start3A_416] : memref<819200x64xf32, #tpu.memory_space<hbm>> -> memref<256x64xf32, #tpu.memory_space<hbm>>
      %dma_start3A_418 = arith.constant 0 : i32
      %dma_start3A_419 = arith.constant 0 : i32
      %dma_start3A_420 = tpu.memref_slice %arg6[%dma_start3A_406, %dma_start3A_418, %dma_start3A_419] : memref<4x256x64xf32, #tpu.memory_space<vmem>> -> memref<1x256x64xf32, #tpu.memory_space<vmem>>
      %dma_start3A_421 = tpu.memref_squeeze %dma_start3A_420 : memref<1x256x64xf32, #tpu.memory_space<vmem>> -> memref<256x64xf32, #tpu.memory_space<vmem>>
      tpu.enqueue_dma source(%dma_start3A_421 : memref<256x64xf32, #tpu.memory_space<vmem>>) target(%dma_start3A_417 : memref<256x64xf32, #tpu.memory_space<hbm>>) target_semaphore(%dma_start3A_415 : memref<!tpu.dma_semaphore, #tpu.memory_space<semaphore_mem>>)
      %add3A_422 = arith.constant 4 : i32
      %add3A_423 = arith.addi %add3A_371, %add3A_422 : i32
      %lt3A_424 = arith.constant 100 : i32
      %lt3A_425 = arith.cmpi slt, %add3A_423, %lt3A_424 : i32
      %convert_element_type3A_426 = arith.extui %lt3A_425 : i1 to i32
      %cond3A_427 = arith.constant 0 : i32
      %cond3A_428 = arith.cmpi ne, %convert_element_type3A_426, %cond3A_427 : i32
      scf.if %cond3A_428 {
        %dma_wait3A_429 = arith.constant 3 : i32
        %dma_wait3A_430 = arith.constant 3 : i32
        %dma_wait3A_431 = arith.constant 0 : i32
        %dma_wait3A_432 = arith.constant 0 : i32
        %dma_wait3A_433 = tpu.memref_slice %arg6[%dma_wait3A_429, %dma_wait3A_431, %dma_wait3A_432] : memref<4x256x64xf32, #tpu.memory_space<vmem>> -> memref<1x256x64xf32, #tpu.memory_space<vmem>>
        %dma_wait3A_434 = tpu.memref_squeeze %dma_wait3A_433 : memref<1x256x64xf32, #tpu.memory_space<vmem>> -> memref<256x64xf32, #tpu.memory_space<vmem>>
        %dma_wait3A_435 = arith.constant 0 : i32
        %dma_wait3A_436 = tpu.memref_slice %arg4[%mul3A_2, %dma_wait3A_435] : memref<819200x64xf32, #tpu.memory_space<hbm>> -> memref<256x64xf32, #tpu.memory_space<hbm>>
        %dma_wait3A_437 = tpu.memref_slice %arg8[%dma_wait3A_430] : memref<4x!tpu.dma_semaphore, #tpu.memory_space<semaphore_mem>> -> memref<1x!tpu.dma_semaphore, #tpu.memory_space<semaphore_mem>>
        %dma_wait3A_438 = tpu.memref_squeeze %dma_wait3A_437 : memref<1x!tpu.dma_semaphore, #tpu.memory_space<semaphore_mem>> -> memref<!tpu.dma_semaphore, #tpu.memory_space<semaphore_mem>>
        %dma_wait3A_439 = arith.constant 0 : i32
        %dma_wait3A_440 = tpu.memref_slice %arg4[%mul3A_2, %dma_wait3A_439] : memref<819200x64xf32, #tpu.memory_space<hbm>> -> memref<256x64xf32, #tpu.memory_space<hbm>>
        %dma_wait3A_441 = arith.constant 0 : i32
        %dma_wait3A_442 = arith.constant 0 : i32
        %dma_wait3A_443 = tpu.memref_slice %arg6[%dma_wait3A_429, %dma_wait3A_441, %dma_wait3A_442] : memref<4x256x64xf32, #tpu.memory_space<vmem>> -> memref<1x256x64xf32, #tpu.memory_space<vmem>>
        %dma_wait3A_444 = tpu.memref_squeeze %dma_wait3A_443 : memref<1x256x64xf32, #tpu.memory_space<vmem>> -> memref<256x64xf32, #tpu.memory_space<vmem>>
        tpu.wait_dma2 semaphore(%dma_wait3A_438 : memref<!tpu.dma_semaphore, #tpu.memory_space<semaphore_mem>>) src(%dma_wait3A_444 : memref<256x64xf32, #tpu.memory_space<vmem>>) dst(%dma_wait3A_440 : memref<256x64xf32, #tpu.memory_space<hbm>>)
        %mul3A_445 = arith.constant 2 : i32
        %mul3A_446 = arith.muli %add3A_423, %mul3A_445 : i32
        %add3A_447 = arith.constant 0 : i32
        %add3A_448 = arith.addi %mul3A_446, %add3A_447 : i32
        %dma_start3A_449 = arith.constant 3 : i32
        %dma_start3A_450 = arith.constant 3 : i32
        %dma_start3A_451 = arith.constant 0 : i32
        %dma_start3A_452 = arith.constant 0 : i32
        %dma_start3A_453 = tpu.memref_slice %arg6[%dma_start3A_449, %dma_start3A_451, %dma_start3A_452] : memref<4x256x64xf32, #tpu.memory_space<vmem>> -> memref<1x128x64xf32, #tpu.memory_space<vmem>>
        %dma_start3A_454 = tpu.memref_squeeze %dma_start3A_453 : memref<1x128x64xf32, #tpu.memory_space<vmem>> -> memref<128x64xf32, #tpu.memory_space<vmem>>
        %dma_start3A_455 = arith.constant 0 : i32
        %dma_start3A_456 = tpu.memref_slice %arg5[%add3A_448, %dma_start3A_455] : memref<200x128xi32, #tpu.memory_space<vmem>> -> memref<1x128xi32, #tpu.memory_space<vmem>>
        %dma_start3A_457 = tpu.memref_squeeze %dma_start3A_456 : memref<1x128xi32, #tpu.memory_space<vmem>> -> memref<128xi32, #tpu.memory_space<vmem>>
        %dma_start3A_458 = arith.constant 0 : i32
        %dma_start3A_459 = arith.constant 0 : i32
        %dma_start3A_460 = tpu.memref_slice %arg3[%dma_start3A_458, %dma_start3A_459] : memref<1000064x64xf32, #tpu.memory_space<hbm>> -> memref<1000064x64xf32, #tpu.memory_space<hbm>>
        %dma_start3A_461 = tpu.memref_slice %arg7[%dma_start3A_450] : memref<4x!tpu.dma_semaphore, #tpu.memory_space<semaphore_mem>> -> memref<1x!tpu.dma_semaphore, #tpu.memory_space<semaphore_mem>>
        %dma_start3A_462 = tpu.memref_squeeze %dma_start3A_461 : memref<1x!tpu.dma_semaphore, #tpu.memory_space<semaphore_mem>> -> memref<!tpu.dma_semaphore, #tpu.memory_space<semaphore_mem>>
        tpu.enqueue_indirect_dma source(%dma_start3A_460 : memref<1000064x64xf32, #tpu.memory_space<hbm>>) target(%dma_start3A_454 : memref<128x64xf32, #tpu.memory_space<vmem>>) offsets(%dma_start3A_457 : memref<128xi32, #tpu.memory_space<vmem>>) semaphore(%dma_start3A_462 : memref<!tpu.dma_semaphore, #tpu.memory_space<semaphore_mem>>)
        %mul3A_463 = arith.constant 2 : i32
        %mul3A_464 = arith.muli %add3A_423, %mul3A_463 : i32
        %add3A_465 = arith.constant 1 : i32
        %add3A_466 = arith.addi %mul3A_464, %add3A_465 : i32
        %dma_start3A_467 = arith.constant 3 : i32
        %dma_start3A_468 = arith.constant 3 : i32
        %dma_start3A_469 = arith.constant 128 : i32
        %dma_start3A_470 = arith.constant 0 : i32
        %dma_start3A_471 = tpu.memref_slice %arg6[%dma_start3A_467, %dma_start3A_469, %dma_start3A_470] : memref<4x256x64xf32, #tpu.memory_space<vmem>> -> memref<1x128x64xf32, #tpu.memory_space<vmem>>
        %dma_start3A_472 = tpu.memref_squeeze %dma_start3A_471 : memref<1x128x64xf32, #tpu.memory_space<vmem>> -> memref<128x64xf32, #tpu.memory_space<vmem>>
        %dma_start3A_473 = arith.constant 0 : i32
        %dma_start3A_474 = tpu.memref_slice %arg5[%add3A_466, %dma_start3A_473] : memref<200x128xi32, #tpu.memory_space<vmem>> -> memref<1x128xi32, #tpu.memory_space<vmem>>
        %dma_start3A_475 = tpu.memref_squeeze %dma_start3A_474 : memref<1x128xi32, #tpu.memory_space<vmem>> -> memref<128xi32, #tpu.memory_space<vmem>>
        %dma_start3A_476 = arith.constant 0 : i32
        %dma_start3A_477 = arith.constant 0 : i32
        %dma_start3A_478 = tpu.memref_slice %arg3[%dma_start3A_476, %dma_start3A_477] : memref<1000064x64xf32, #tpu.memory_space<hbm>> -> memref<1000064x64xf32, #tpu.memory_space<hbm>>
        %dma_start3A_479 = tpu.memref_slice %arg7[%dma_start3A_468] : memref<4x!tpu.dma_semaphore, #tpu.memory_space<semaphore_mem>> -> memref<1x!tpu.dma_semaphore, #tpu.memory_space<semaphore_mem>>
        %dma_start3A_480 = tpu.memref_squeeze %dma_start3A_479 : memref<1x!tpu.dma_semaphore, #tpu.memory_space<semaphore_mem>> -> memref<!tpu.dma_semaphore, #tpu.memory_space<semaphore_mem>>
        tpu.enqueue_indirect_dma source(%dma_start3A_478 : memref<1000064x64xf32, #tpu.memory_space<hbm>>) target(%dma_start3A_472 : memref<128x64xf32, #tpu.memory_space<vmem>>) offsets(%dma_start3A_475 : memref<128xi32, #tpu.memory_space<vmem>>) semaphore(%dma_start3A_480 : memref<!tpu.dma_semaphore, #tpu.memory_space<semaphore_mem>>)
      } else {
      }
    }
    %scan3A_127 = arith.constant 25 : i32
    %dma_wait3A = arith.constant 0 : i32
    %dma_wait3A_128 = arith.constant 0 : i32
    %dma_wait3A_129 = arith.constant 0 : i32
    %dma_wait3A_130 = arith.constant 0 : i32
    %dma_wait3A_131 = tpu.memref_slice %arg6[%dma_wait3A, %dma_wait3A_129, %dma_wait3A_130] : memref<4x256x64xf32, #tpu.memory_space<vmem>> -> memref<1x256x64xf32, #tpu.memory_space<vmem>>
    %dma_wait3A_132 = tpu.memref_squeeze %dma_wait3A_131 : memref<1x256x64xf32, #tpu.memory_space<vmem>> -> memref<256x64xf32, #tpu.memory_space<vmem>>
    %dma_wait3A_133 = arith.constant 0 : i32
    %dma_wait3A_134 = tpu.memref_slice %arg4[%mul3A_2, %dma_wait3A_133] : memref<819200x64xf32, #tpu.memory_space<hbm>> -> memref<256x64xf32, #tpu.memory_space<hbm>>
    %dma_wait3A_135 = tpu.memref_slice %arg8[%dma_wait3A_128] : memref<4x!tpu.dma_semaphore, #tpu.memory_space<semaphore_mem>> -> memref<1x!tpu.dma_semaphore, #tpu.memory_space<semaphore_mem>>
    %dma_wait3A_136 = tpu.memref_squeeze %dma_wait3A_135 : memref<1x!tpu.dma_semaphore, #tpu.memory_space<semaphore_mem>> -> memref<!tpu.dma_semaphore, #tpu.memory_space<semaphore_mem>>
    %dma_wait3A_137 = arith.constant 0 : i32
    %dma_wait3A_138 = tpu.memref_slice %arg4[%mul3A_2, %dma_wait3A_137] : memref<819200x64xf32, #tpu.memory_space<hbm>> -> memref<256x64xf32, #tpu.memory_space<hbm>>
    %dma_wait3A_139 = arith.constant 0 : i32
    %dma_wait3A_140 = arith.constant 0 : i32
    %dma_wait3A_141 = tpu.memref_slice %arg6[%dma_wait3A, %dma_wait3A_139, %dma_wait3A_140] : memref<4x256x64xf32, #tpu.memory_space<vmem>> -> memref<1x256x64xf32, #tpu.memory_space<vmem>>
    %dma_wait3A_142 = tpu.memref_squeeze %dma_wait3A_141 : memref<1x256x64xf32, #tpu.memory_space<vmem>> -> memref<256x64xf32, #tpu.memory_space<vmem>>
    tpu.wait_dma2 semaphore(%dma_wait3A_136 : memref<!tpu.dma_semaphore, #tpu.memory_space<semaphore_mem>>) src(%dma_wait3A_142 : memref<256x64xf32, #tpu.memory_space<vmem>>) dst(%dma_wait3A_138 : memref<256x64xf32, #tpu.memory_space<hbm>>)
    %dma_wait3A_143 = arith.constant 1 : i32
    %dma_wait3A_144 = arith.constant 1 : i32
    %dma_wait3A_145 = arith.constant 0 : i32
    %dma_wait3A_146 = arith.constant 0 : i32
    %dma_wait3A_147 = tpu.memref_slice %arg6[%dma_wait3A_143, %dma_wait3A_145, %dma_wait3A_146] : memref<4x256x64xf32, #tpu.memory_space<vmem>> -> memref<1x256x64xf32, #tpu.memory_space<vmem>>
    %dma_wait3A_148 = tpu.memref_squeeze %dma_wait3A_147 : memref<1x256x64xf32, #tpu.memory_space<vmem>> -> memref<256x64xf32, #tpu.memory_space<vmem>>
    %dma_wait3A_149 = arith.constant 0 : i32
    %dma_wait3A_150 = tpu.memref_slice %arg4[%mul3A_2, %dma_wait3A_149] : memref<819200x64xf32, #tpu.memory_space<hbm>> -> memref<256x64xf32, #tpu.memory_space<hbm>>
    %dma_wait3A_151 = tpu.memref_slice %arg8[%dma_wait3A_144] : memref<4x!tpu.dma_semaphore, #tpu.memory_space<semaphore_mem>> -> memref<1x!tpu.dma_semaphore, #tpu.memory_space<semaphore_mem>>
    %dma_wait3A_152 = tpu.memref_squeeze %dma_wait3A_151 : memref<1x!tpu.dma_semaphore, #tpu.memory_space<semaphore_mem>> -> memref<!tpu.dma_semaphore, #tpu.memory_space<semaphore_mem>>
    %dma_wait3A_153 = arith.constant 0 : i32
    %dma_wait3A_154 = tpu.memref_slice %arg4[%mul3A_2, %dma_wait3A_153] : memref<819200x64xf32, #tpu.memory_space<hbm>> -> memref<256x64xf32, #tpu.memory_space<hbm>>
    %dma_wait3A_155 = arith.constant 0 : i32
    %dma_wait3A_156 = arith.constant 0 : i32
    %dma_wait3A_157 = tpu.memref_slice %arg6[%dma_wait3A_143, %dma_wait3A_155, %dma_wait3A_156] : memref<4x256x64xf32, #tpu.memory_space<vmem>> -> memref<1x256x64xf32, #tpu.memory_space<vmem>>
    %dma_wait3A_158 = tpu.memref_squeeze %dma_wait3A_157 : memref<1x256x64xf32, #tpu.memory_space<vmem>> -> memref<256x64xf32, #tpu.memory_space<vmem>>
    tpu.wait_dma2 semaphore(%dma_wait3A_152 : memref<!tpu.dma_semaphore, #tpu.memory_space<semaphore_mem>>) src(%dma_wait3A_158 : memref<256x64xf32, #tpu.memory_space<vmem>>) dst(%dma_wait3A_154 : memref<256x64xf32, #tpu.memory_space<hbm>>)
    %dma_wait3A_159 = arith.constant 2 : i32
    %dma_wait3A_160 = arith.constant 2 : i32
    %dma_wait3A_161 = arith.constant 0 : i32
    %dma_wait3A_162 = arith.constant 0 : i32
    %dma_wait3A_163 = tpu.memref_slice %arg6[%dma_wait3A_159, %dma_wait3A_161, %dma_wait3A_162] : memref<4x256x64xf32, #tpu.memory_space<vmem>> -> memref<1x256x64xf32, #tpu.memory_space<vmem>>
    %dma_wait3A_164 = tpu.memref_squeeze %dma_wait3A_163 : memref<1x256x64xf32, #tpu.memory_space<vmem>> -> memref<256x64xf32, #tpu.memory_space<vmem>>
    %dma_wait3A_165 = arith.constant 0 : i32
    %dma_wait3A_166 = tpu.memref_slice %arg4[%mul3A_2, %dma_wait3A_165] : memref<819200x64xf32, #tpu.memory_space<hbm>> -> memref<256x64xf32, #tpu.memory_space<hbm>>
    %dma_wait3A_167 = tpu.memref_slice %arg8[%dma_wait3A_160] : memref<4x!tpu.dma_semaphore, #tpu.memory_space<semaphore_mem>> -> memref<1x!tpu.dma_semaphore, #tpu.memory_space<semaphore_mem>>
    %dma_wait3A_168 = tpu.memref_squeeze %dma_wait3A_167 : memref<1x!tpu.dma_semaphore, #tpu.memory_space<semaphore_mem>> -> memref<!tpu.dma_semaphore, #tpu.memory_space<semaphore_mem>>
    %dma_wait3A_169 = arith.constant 0 : i32
    %dma_wait3A_170 = tpu.memref_slice %arg4[%mul3A_2, %dma_wait3A_169] : memref<819200x64xf32, #tpu.memory_space<hbm>> -> memref<256x64xf32, #tpu.memory_space<hbm>>
    %dma_wait3A_171 = arith.constant 0 : i32
    %dma_wait3A_172 = arith.constant 0 : i32
    %dma_wait3A_173 = tpu.memref_slice %arg6[%dma_wait3A_159, %dma_wait3A_171, %dma_wait3A_172] : memref<4x256x64xf32, #tpu.memory_space<vmem>> -> memref<1x256x64xf32, #tpu.memory_space<vmem>>
    %dma_wait3A_174 = tpu.memref_squeeze %dma_wait3A_173 : memref<1x256x64xf32, #tpu.memory_space<vmem>> -> memref<256x64xf32, #tpu.memory_space<vmem>>
    tpu.wait_dma2 semaphore(%dma_wait3A_168 : memref<!tpu.dma_semaphore, #tpu.memory_space<semaphore_mem>>) src(%dma_wait3A_174 : memref<256x64xf32, #tpu.memory_space<vmem>>) dst(%dma_wait3A_170 : memref<256x64xf32, #tpu.memory_space<hbm>>)
    %dma_wait3A_175 = arith.constant 3 : i32
    %dma_wait3A_176 = arith.constant 3 : i32
    %dma_wait3A_177 = arith.constant 0 : i32
    %dma_wait3A_178 = arith.constant 0 : i32
    %dma_wait3A_179 = tpu.memref_slice %arg6[%dma_wait3A_175, %dma_wait3A_177, %dma_wait3A_178] : memref<4x256x64xf32, #tpu.memory_space<vmem>> -> memref<1x256x64xf32, #tpu.memory_space<vmem>>
    %dma_wait3A_180 = tpu.memref_squeeze %dma_wait3A_179 : memref<1x256x64xf32, #tpu.memory_space<vmem>> -> memref<256x64xf32, #tpu.memory_space<vmem>>
    %dma_wait3A_181 = arith.constant 0 : i32
    %dma_wait3A_182 = tpu.memref_slice %arg4[%mul3A_2, %dma_wait3A_181] : memref<819200x64xf32, #tpu.memory_space<hbm>> -> memref<256x64xf32, #tpu.memory_space<hbm>>
    %dma_wait3A_183 = tpu.memref_slice %arg8[%dma_wait3A_176] : memref<4x!tpu.dma_semaphore, #tpu.memory_space<semaphore_mem>> -> memref<1x!tpu.dma_semaphore, #tpu.memory_space<semaphore_mem>>
    %dma_wait3A_184 = tpu.memref_squeeze %dma_wait3A_183 : memref<1x!tpu.dma_semaphore, #tpu.memory_space<semaphore_mem>> -> memref<!tpu.dma_semaphore, #tpu.memory_space<semaphore_mem>>
    %dma_wait3A_185 = arith.constant 0 : i32
    %dma_wait3A_186 = tpu.memref_slice %arg4[%mul3A_2, %dma_wait3A_185] : memref<819200x64xf32, #tpu.memory_space<hbm>> -> memref<256x64xf32, #tpu.memory_space<hbm>>
    %dma_wait3A_187 = arith.constant 0 : i32
    %dma_wait3A_188 = arith.constant 0 : i32
    %dma_wait3A_189 = tpu.memref_slice %arg6[%dma_wait3A_175, %dma_wait3A_187, %dma_wait3A_188] : memref<4x256x64xf32, #tpu.memory_space<vmem>> -> memref<1x256x64xf32, #tpu.memory_space<vmem>>
    %dma_wait3A_190 = tpu.memref_squeeze %dma_wait3A_189 : memref<1x256x64xf32, #tpu.memory_space<vmem>> -> memref<256x64xf32, #tpu.memory_space<vmem>>
    tpu.wait_dma2 semaphore(%dma_wait3A_184 : memref<!tpu.dma_semaphore, #tpu.memory_space<semaphore_mem>>) src(%dma_wait3A_190 : memref<256x64xf32, #tpu.memory_space<vmem>>) dst(%dma_wait3A_186 : memref<256x64xf32, #tpu.memory_space<hbm>>)
    return
  }
}

module attributes {stable_mosaic.version = 14 : i64} {
  func.func @_repack_body(%arg0: i32, %arg1: memref<64x1664xf32, #tpu.memory_space<vmem>>, %arg2: memref<832x128xf32, #tpu.memory_space<vmem>>) attributes {dimension_semantics = [#tpu.dimension_semantics<arbitrary>], iteration_bounds = array<i64: 601>, scalar_prefetch = 0 : i64, scratch_operands = 0 : i64, tpu.core_type = #tpu.core_type<tc>, window_params = [{transform_indices = @transform_0, window_bounds = array<i64: 64, 1664>}, {transform_indices = @transform_1, window_bounds = array<i64: 832, 128>}]} {
    %get3A = arith.constant 0 : index
    %get3A_0 = arith.constant 0 : index
    %get3A_1 = vector.load %arg1[%get3A, %get3A_0] : memref<64x1664xf32, #tpu.memory_space<vmem>>, vector<64x1664xf32>
    %iota3A = tpu.iota {dimensions = array<i32: 0>} : vector<64x128xi32>
    %iota3A_2 = tpu.iota {dimensions = array<i32: 1>} : vector<64x128xi32>
    %mul3A = arith.constant 2 : i32
    %mul3A_3 = vector.broadcast %mul3A : i32 to vector<64x128xi32>
    %mul3A_4 = arith.muli %mul3A_3, %iota3A : vector<64x128xi32>
    %eq3A = arith.cmpi eq, %iota3A_2, %mul3A_4 : vector<64x128xi32>
    %convert_element_type3A = arith.extui %eq3A : vector<64x128xi1> to vector<64x128xi32>
    %convert_element_type3A_5 = arith.sitofp %convert_element_type3A : vector<64x128xi32> to vector<64x128xf32>
    %mul3A_6 = arith.constant 2 : i32
    %mul3A_7 = vector.broadcast %mul3A_6 : i32 to vector<64x128xi32>
    %mul3A_8 = arith.muli %mul3A_7, %iota3A : vector<64x128xi32>
    %add3A = arith.constant 1 : i32
    %add3A_9 = vector.broadcast %add3A : i32 to vector<64x128xi32>
    %add3A_10 = arith.addi %mul3A_8, %add3A_9 : vector<64x128xi32>
    %eq3A_11 = arith.cmpi eq, %iota3A_2, %add3A_10 : vector<64x128xi32>
    %convert_element_type3A_12 = arith.extui %eq3A_11 : vector<64x128xi1> to vector<64x128xi32>
    %convert_element_type3A_13 = arith.sitofp %convert_element_type3A_12 : vector<64x128xi32> to vector<64x128xf32>
    %slice3A = vector.extract_strided_slice %get3A_1 {offsets = [0, 0], sizes = [64, 128], strides = [1, 1]} : vector<64x1664xf32> to vector<64x128xf32>
    %dot_general3A = arith.constant dense<0.000000e+00> : vector<64x64xf32>
    %dot_general3A_14 = tpu.matmul %convert_element_type3A_5, %slice3A, %dot_general3A {dimension_numbers = #tpu.dot_dimension_numbers<[1], [1], [0], [0], [0, 0, 1, 0], [], []>, transpose_lhs_hint = false} : vector<64x128xf32>, vector<64x128xf32>, vector<64x64xf32> -> vector<64x64xf32>
    %dot_general3A_15 = arith.constant dense<0.000000e+00> : vector<64x64xf32>
    %dot_general3A_16 = tpu.matmul %convert_element_type3A_13, %slice3A, %dot_general3A_15 {dimension_numbers = #tpu.dot_dimension_numbers<[1], [1], [0], [0], [0, 0, 1, 0], [], []>, transpose_lhs_hint = false} : vector<64x128xf32>, vector<64x128xf32>, vector<64x64xf32> -> vector<64x64xf32>
    %concatenate3A = tpu.concatenate %dot_general3A_14, %dot_general3A_16 in 1 : vector<64x64xf32>, vector<64x64xf32> -> vector<64x128xf32>
    %swap3A = arith.constant 0 : index
    %swap3A_17 = arith.constant 0 : index
    %swap3A_18 = vector.load %arg2[%swap3A, %swap3A_17] : memref<832x128xf32, #tpu.memory_space<vmem>>, vector<64x128xf32>
    tpu.vector_store %arg2[%swap3A, %swap3A_17], %concatenate3A {strides = array<i32>} : memref<832x128xf32, #tpu.memory_space<vmem>>, vector<64x128xf32>,
    %slice3A_19 = vector.extract_strided_slice %get3A_1 {offsets = [0, 128], sizes = [64, 128], strides = [1, 1]} : vector<64x1664xf32> to vector<64x128xf32>
    %dot_general3A_20 = arith.constant dense<0.000000e+00> : vector<64x64xf32>
    %dot_general3A_21 = tpu.matmul %convert_element_type3A_5, %slice3A_19, %dot_general3A_20 {dimension_numbers = #tpu.dot_dimension_numbers<[1], [1], [0], [0], [0, 0, 1, 0], [], []>, transpose_lhs_hint = false} : vector<64x128xf32>, vector<64x128xf32>, vector<64x64xf32> -> vector<64x64xf32>
    %dot_general3A_22 = arith.constant dense<0.000000e+00> : vector<64x64xf32>
    %dot_general3A_23 = tpu.matmul %convert_element_type3A_13, %slice3A_19, %dot_general3A_22 {dimension_numbers = #tpu.dot_dimension_numbers<[1], [1], [0], [0], [0, 0, 1, 0], [], []>, transpose_lhs_hint = false} : vector<64x128xf32>, vector<64x128xf32>, vector<64x64xf32> -> vector<64x64xf32>
    %concatenate3A_24 = tpu.concatenate %dot_general3A_21, %dot_general3A_23 in 1 : vector<64x64xf32>, vector<64x64xf32> -> vector<64x128xf32>
    %swap3A_25 = arith.constant 64 : index
    %swap3A_26 = arith.constant 0 : index
    %swap3A_27 = vector.load %arg2[%swap3A_25, %swap3A_26] : memref<832x128xf32, #tpu.memory_space<vmem>>, vector<64x128xf32>
    tpu.vector_store %arg2[%swap3A_25, %swap3A_26], %concatenate3A_24 {strides = array<i32>} : memref<832x128xf32, #tpu.memory_space<vmem>>, vector<64x128xf32>,
    %slice3A_28 = vector.extract_strided_slice %get3A_1 {offsets = [0, 256], sizes = [64, 128], strides = [1, 1]} : vector<64x1664xf32> to vector<64x128xf32>
    %dot_general3A_29 = arith.constant dense<0.000000e+00> : vector<64x64xf32>
    %dot_general3A_30 = tpu.matmul %convert_element_type3A_5, %slice3A_28, %dot_general3A_29 {dimension_numbers = #tpu.dot_dimension_numbers<[1], [1], [0], [0], [0, 0, 1, 0], [], []>, transpose_lhs_hint = false} : vector<64x128xf32>, vector<64x128xf32>, vector<64x64xf32> -> vector<64x64xf32>
    %dot_general3A_31 = arith.constant dense<0.000000e+00> : vector<64x64xf32>
    %dot_general3A_32 = tpu.matmul %convert_element_type3A_13, %slice3A_28, %dot_general3A_31 {dimension_numbers = #tpu.dot_dimension_numbers<[1], [1], [0], [0], [0, 0, 1, 0], [], []>, transpose_lhs_hint = false} : vector<64x128xf32>, vector<64x128xf32>, vector<64x64xf32> -> vector<64x64xf32>
    %concatenate3A_33 = tpu.concatenate %dot_general3A_30, %dot_general3A_32 in 1 : vector<64x64xf32>, vector<64x64xf32> -> vector<64x128xf32>
    %swap3A_34 = arith.constant 128 : index
    %swap3A_35 = arith.constant 0 : index
    %swap3A_36 = vector.load %arg2[%swap3A_34, %swap3A_35] : memref<832x128xf32, #tpu.memory_space<vmem>>, vector<64x128xf32>
    tpu.vector_store %arg2[%swap3A_34, %swap3A_35], %concatenate3A_33 {strides = array<i32>} : memref<832x128xf32, #tpu.memory_space<vmem>>, vector<64x128xf32>,
    %slice3A_37 = vector.extract_strided_slice %get3A_1 {offsets = [0, 384], sizes = [64, 128], strides = [1, 1]} : vector<64x1664xf32> to vector<64x128xf32>
    %dot_general3A_38 = arith.constant dense<0.000000e+00> : vector<64x64xf32>
    %dot_general3A_39 = tpu.matmul %convert_element_type3A_5, %slice3A_37, %dot_general3A_38 {dimension_numbers = #tpu.dot_dimension_numbers<[1], [1], [0], [0], [0, 0, 1, 0], [], []>, transpose_lhs_hint = false} : vector<64x128xf32>, vector<64x128xf32>, vector<64x64xf32> -> vector<64x64xf32>
    %dot_general3A_40 = arith.constant dense<0.000000e+00> : vector<64x64xf32>
    %dot_general3A_41 = tpu.matmul %convert_element_type3A_13, %slice3A_37, %dot_general3A_40 {dimension_numbers = #tpu.dot_dimension_numbers<[1], [1], [0], [0], [0, 0, 1, 0], [], []>, transpose_lhs_hint = false} : vector<64x128xf32>, vector<64x128xf32>, vector<64x64xf32> -> vector<64x64xf32>
    %concatenate3A_42 = tpu.concatenate %dot_general3A_39, %dot_general3A_41 in 1 : vector<64x64xf32>, vector<64x64xf32> -> vector<64x128xf32>
    %swap3A_43 = arith.constant 192 : index
    %swap3A_44 = arith.constant 0 : index
    %swap3A_45 = vector.load %arg2[%swap3A_43, %swap3A_44] : memref<832x128xf32, #tpu.memory_space<vmem>>, vector<64x128xf32>
    tpu.vector_store %arg2[%swap3A_43, %swap3A_44], %concatenate3A_42 {strides = array<i32>} : memref<832x128xf32, #tpu.memory_space<vmem>>, vector<64x128xf32>,
    %slice3A_46 = vector.extract_strided_slice %get3A_1 {offsets = [0, 512], sizes = [64, 128], strides = [1, 1]} : vector<64x1664xf32> to vector<64x128xf32>
    %dot_general3A_47 = arith.constant dense<0.000000e+00> : vector<64x64xf32>
    %dot_general3A_48 = tpu.matmul %convert_element_type3A_5, %slice3A_46, %dot_general3A_47 {dimension_numbers = #tpu.dot_dimension_numbers<[1], [1], [0], [0], [0, 0, 1, 0], [], []>, transpose_lhs_hint = false} : vector<64x128xf32>, vector<64x128xf32>, vector<64x64xf32> -> vector<64x64xf32>
    %dot_general3A_49 = arith.constant dense<0.000000e+00> : vector<64x64xf32>
    %dot_general3A_50 = tpu.matmul %convert_element_type3A_13, %slice3A_46, %dot_general3A_49 {dimension_numbers = #tpu.dot_dimension_numbers<[1], [1], [0], [0], [0, 0, 1, 0], [], []>, transpose_lhs_hint = false} : vector<64x128xf32>, vector<64x128xf32>, vector<64x64xf32> -> vector<64x64xf32>
    %concatenate3A_51 = tpu.concatenate %dot_general3A_48, %dot_general3A_50 in 1 : vector<64x64xf32>, vector<64x64xf32> -> vector<64x128xf32>
    %swap3A_52 = arith.constant 256 : index
    %swap3A_53 = arith.constant 0 : index
    %swap3A_54 = vector.load %arg2[%swap3A_52, %swap3A_53] : memref<832x128xf32, #tpu.memory_space<vmem>>, vector<64x128xf32>
    tpu.vector_store %arg2[%swap3A_52, %swap3A_53], %concatenate3A_51 {strides = array<i32>} : memref<832x128xf32, #tpu.memory_space<vmem>>, vector<64x128xf32>,
    %slice3A_55 = vector.extract_strided_slice %get3A_1 {offsets = [0, 640], sizes = [64, 128], strides = [1, 1]} : vector<64x1664xf32> to vector<64x128xf32>
    %dot_general3A_56 = arith.constant dense<0.000000e+00> : vector<64x64xf32>
    %dot_general3A_57 = tpu.matmul %convert_element_type3A_5, %slice3A_55, %dot_general3A_56 {dimension_numbers = #tpu.dot_dimension_numbers<[1], [1], [0], [0], [0, 0, 1, 0], [], []>, transpose_lhs_hint = false} : vector<64x128xf32>, vector<64x128xf32>, vector<64x64xf32> -> vector<64x64xf32>
    %dot_general3A_58 = arith.constant dense<0.000000e+00> : vector<64x64xf32>
    %dot_general3A_59 = tpu.matmul %convert_element_type3A_13, %slice3A_55, %dot_general3A_58 {dimension_numbers = #tpu.dot_dimension_numbers<[1], [1], [0], [0], [0, 0, 1, 0], [], []>, transpose_lhs_hint = false} : vector<64x128xf32>, vector<64x128xf32>, vector<64x64xf32> -> vector<64x64xf32>
    %concatenate3A_60 = tpu.concatenate %dot_general3A_57, %dot_general3A_59 in 1 : vector<64x64xf32>, vector<64x64xf32> -> vector<64x128xf32>
    %swap3A_61 = arith.constant 320 : index
    %swap3A_62 = arith.constant 0 : index
    %swap3A_63 = vector.load %arg2[%swap3A_61, %swap3A_62] : memref<832x128xf32, #tpu.memory_space<vmem>>, vector<64x128xf32>
    tpu.vector_store %arg2[%swap3A_61, %swap3A_62], %concatenate3A_60 {strides = array<i32>} : memref<832x128xf32, #tpu.memory_space<vmem>>, vector<64x128xf32>,
    %slice3A_64 = vector.extract_strided_slice %get3A_1 {offsets = [0, 768], sizes = [64, 128], strides = [1, 1]} : vector<64x1664xf32> to vector<64x128xf32>
    %dot_general3A_65 = arith.constant dense<0.000000e+00> : vector<64x64xf32>
    %dot_general3A_66 = tpu.matmul %convert_element_type3A_5, %slice3A_64, %dot_general3A_65 {dimension_numbers = #tpu.dot_dimension_numbers<[1], [1], [0], [0], [0, 0, 1, 0], [], []>, transpose_lhs_hint = false} : vector<64x128xf32>, vector<64x128xf32>, vector<64x64xf32> -> vector<64x64xf32>
    %dot_general3A_67 = arith.constant dense<0.000000e+00> : vector<64x64xf32>
    %dot_general3A_68 = tpu.matmul %convert_element_type3A_13, %slice3A_64, %dot_general3A_67 {dimension_numbers = #tpu.dot_dimension_numbers<[1], [1], [0], [0], [0, 0, 1, 0], [], []>, transpose_lhs_hint = false} : vector<64x128xf32>, vector<64x128xf32>, vector<64x64xf32> -> vector<64x64xf32>
    %concatenate3A_69 = tpu.concatenate %dot_general3A_66, %dot_general3A_68 in 1 : vector<64x64xf32>, vector<64x64xf32> -> vector<64x128xf32>
    %swap3A_70 = arith.constant 384 : index
    %swap3A_71 = arith.constant 0 : index
    %swap3A_72 = vector.load %arg2[%swap3A_70, %swap3A_71] : memref<832x128xf32, #tpu.memory_space<vmem>>, vector<64x128xf32>
    tpu.vector_store %arg2[%swap3A_70, %swap3A_71], %concatenate3A_69 {strides = array<i32>} : memref<832x128xf32, #tpu.memory_space<vmem>>, vector<64x128xf32>,
    %slice3A_73 = vector.extract_strided_slice %get3A_1 {offsets = [0, 896], sizes = [64, 128], strides = [1, 1]} : vector<64x1664xf32> to vector<64x128xf32>
    %dot_general3A_74 = arith.constant dense<0.000000e+00> : vector<64x64xf32>
    %dot_general3A_75 = tpu.matmul %convert_element_type3A_5, %slice3A_73, %dot_general3A_74 {dimension_numbers = #tpu.dot_dimension_numbers<[1], [1], [0], [0], [0, 0, 1, 0], [], []>, transpose_lhs_hint = false} : vector<64x128xf32>, vector<64x128xf32>, vector<64x64xf32> -> vector<64x64xf32>
    %dot_general3A_76 = arith.constant dense<0.000000e+00> : vector<64x64xf32>
    %dot_general3A_77 = tpu.matmul %convert_element_type3A_13, %slice3A_73, %dot_general3A_76 {dimension_numbers = #tpu.dot_dimension_numbers<[1], [1], [0], [0], [0, 0, 1, 0], [], []>, transpose_lhs_hint = false} : vector<64x128xf32>, vector<64x128xf32>, vector<64x64xf32> -> vector<64x64xf32>
    %concatenate3A_78 = tpu.concatenate %dot_general3A_75, %dot_general3A_77 in 1 : vector<64x64xf32>, vector<64x64xf32> -> vector<64x128xf32>
    %swap3A_79 = arith.constant 448 : index
    %swap3A_80 = arith.constant 0 : index
    %swap3A_81 = vector.load %arg2[%swap3A_79, %swap3A_80] : memref<832x128xf32, #tpu.memory_space<vmem>>, vector<64x128xf32>
    tpu.vector_store %arg2[%swap3A_79, %swap3A_80], %concatenate3A_78 {strides = array<i32>} : memref<832x128xf32, #tpu.memory_space<vmem>>, vector<64x128xf32>,
    %slice3A_82 = vector.extract_strided_slice %get3A_1 {offsets = [0, 1024], sizes = [64, 128], strides = [1, 1]} : vector<64x1664xf32> to vector<64x128xf32>
    %dot_general3A_83 = arith.constant dense<0.000000e+00> : vector<64x64xf32>
    %dot_general3A_84 = tpu.matmul %convert_element_type3A_5, %slice3A_82, %dot_general3A_83 {dimension_numbers = #tpu.dot_dimension_numbers<[1], [1], [0], [0], [0, 0, 1, 0], [], []>, transpose_lhs_hint = false} : vector<64x128xf32>, vector<64x128xf32>, vector<64x64xf32> -> vector<64x64xf32>
    %dot_general3A_85 = arith.constant dense<0.000000e+00> : vector<64x64xf32>
    %dot_general3A_86 = tpu.matmul %convert_element_type3A_13, %slice3A_82, %dot_general3A_85 {dimension_numbers = #tpu.dot_dimension_numbers<[1], [1], [0], [0], [0, 0, 1, 0], [], []>, transpose_lhs_hint = false} : vector<64x128xf32>, vector<64x128xf32>, vector<64x64xf32> -> vector<64x64xf32>
    %concatenate3A_87 = tpu.concatenate %dot_general3A_84, %dot_general3A_86 in 1 : vector<64x64xf32>, vector<64x64xf32> -> vector<64x128xf32>
    %swap3A_88 = arith.constant 512 : index
    %swap3A_89 = arith.constant 0 : index
    %swap3A_90 = vector.load %arg2[%swap3A_88, %swap3A_89] : memref<832x128xf32, #tpu.memory_space<vmem>>, vector<64x128xf32>
    tpu.vector_store %arg2[%swap3A_88, %swap3A_89], %concatenate3A_87 {strides = array<i32>} : memref<832x128xf32, #tpu.memory_space<vmem>>, vector<64x128xf32>,
    %slice3A_91 = vector.extract_strided_slice %get3A_1 {offsets = [0, 1152], sizes = [64, 128], strides = [1, 1]} : vector<64x1664xf32> to vector<64x128xf32>
    %dot_general3A_92 = arith.constant dense<0.000000e+00> : vector<64x64xf32>
    %dot_general3A_93 = tpu.matmul %convert_element_type3A_5, %slice3A_91, %dot_general3A_92 {dimension_numbers = #tpu.dot_dimension_numbers<[1], [1], [0], [0], [0, 0, 1, 0], [], []>, transpose_lhs_hint = false} : vector<64x128xf32>, vector<64x128xf32>, vector<64x64xf32> -> vector<64x64xf32>
    %dot_general3A_94 = arith.constant dense<0.000000e+00> : vector<64x64xf32>
    %dot_general3A_95 = tpu.matmul %convert_element_type3A_13, %slice3A_91, %dot_general3A_94 {dimension_numbers = #tpu.dot_dimension_numbers<[1], [1], [0], [0], [0, 0, 1, 0], [], []>, transpose_lhs_hint = false} : vector<64x128xf32>, vector<64x128xf32>, vector<64x64xf32> -> vector<64x64xf32>
    %concatenate3A_96 = tpu.concatenate %dot_general3A_93, %dot_general3A_95 in 1 : vector<64x64xf32>, vector<64x64xf32> -> vector<64x128xf32>
    %swap3A_97 = arith.constant 576 : index
    %swap3A_98 = arith.constant 0 : index
    %swap3A_99 = vector.load %arg2[%swap3A_97, %swap3A_98] : memref<832x128xf32, #tpu.memory_space<vmem>>, vector<64x128xf32>
    tpu.vector_store %arg2[%swap3A_97, %swap3A_98], %concatenate3A_96 {strides = array<i32>} : memref<832x128xf32, #tpu.memory_space<vmem>>, vector<64x128xf32>,
    %slice3A_100 = vector.extract_strided_slice %get3A_1 {offsets = [0, 1280], sizes = [64, 128], strides = [1, 1]} : vector<64x1664xf32> to vector<64x128xf32>
    %dot_general3A_101 = arith.constant dense<0.000000e+00> : vector<64x64xf32>
    %dot_general3A_102 = tpu.matmul %convert_element_type3A_5, %slice3A_100, %dot_general3A_101 {dimension_numbers = #tpu.dot_dimension_numbers<[1], [1], [0], [0], [0, 0, 1, 0], [], []>, transpose_lhs_hint = false} : vector<64x128xf32>, vector<64x128xf32>, vector<64x64xf32> -> vector<64x64xf32>
    %dot_general3A_103 = arith.constant dense<0.000000e+00> : vector<64x64xf32>
    %dot_general3A_104 = tpu.matmul %convert_element_type3A_13, %slice3A_100, %dot_general3A_103 {dimension_numbers = #tpu.dot_dimension_numbers<[1], [1], [0], [0], [0, 0, 1, 0], [], []>, transpose_lhs_hint = false} : vector<64x128xf32>, vector<64x128xf32>, vector<64x64xf32> -> vector<64x64xf32>
    %concatenate3A_105 = tpu.concatenate %dot_general3A_102, %dot_general3A_104 in 1 : vector<64x64xf32>, vector<64x64xf32> -> vector<64x128xf32>
    %swap3A_106 = arith.constant 640 : index
    %swap3A_107 = arith.constant 0 : index
    %swap3A_108 = vector.load %arg2[%swap3A_106, %swap3A_107] : memref<832x128xf32, #tpu.memory_space<vmem>>, vector<64x128xf32>
    tpu.vector_store %arg2[%swap3A_106, %swap3A_107], %concatenate3A_105 {strides = array<i32>} : memref<832x128xf32, #tpu.memory_space<vmem>>, vector<64x128xf32>,
    %slice3A_109 = vector.extract_strided_slice %get3A_1 {offsets = [0, 1408], sizes = [64, 128], strides = [1, 1]} : vector<64x1664xf32> to vector<64x128xf32>
    %dot_general3A_110 = arith.constant dense<0.000000e+00> : vector<64x64xf32>
    %dot_general3A_111 = tpu.matmul %convert_element_type3A_5, %slice3A_109, %dot_general3A_110 {dimension_numbers = #tpu.dot_dimension_numbers<[1], [1], [0], [0], [0, 0, 1, 0], [], []>, transpose_lhs_hint = false} : vector<64x128xf32>, vector<64x128xf32>, vector<64x64xf32> -> vector<64x64xf32>
    %dot_general3A_112 = arith.constant dense<0.000000e+00> : vector<64x64xf32>
    %dot_general3A_113 = tpu.matmul %convert_element_type3A_13, %slice3A_109, %dot_general3A_112 {dimension_numbers = #tpu.dot_dimension_numbers<[1], [1], [0], [0], [0, 0, 1, 0], [], []>, transpose_lhs_hint = false} : vector<64x128xf32>, vector<64x128xf32>, vector<64x64xf32> -> vector<64x64xf32>
    %concatenate3A_114 = tpu.concatenate %dot_general3A_111, %dot_general3A_113 in 1 : vector<64x64xf32>, vector<64x64xf32> -> vector<64x128xf32>
    %swap3A_115 = arith.constant 704 : index
    %swap3A_116 = arith.constant 0 : index
    %swap3A_117 = vector.load %arg2[%swap3A_115, %swap3A_116] : memref<832x128xf32, #tpu.memory_space<vmem>>, vector<64x128xf32>
    tpu.vector_store %arg2[%swap3A_115, %swap3A_116], %concatenate3A_114 {strides = array<i32>} : memref<832x128xf32, #tpu.memory_space<vmem>>, vector<64x128xf32>,
    %slice3A_118 = vector.extract_strided_slice %get3A_1 {offsets = [0, 1536], sizes = [64, 128], strides = [1, 1]} : vector<64x1664xf32> to vector<64x128xf32>
    %dot_general3A_119 = arith.constant dense<0.000000e+00> : vector<64x64xf32>
    %dot_general3A_120 = tpu.matmul %convert_element_type3A_5, %slice3A_118, %dot_general3A_119 {dimension_numbers = #tpu.dot_dimension_numbers<[1], [1], [0], [0], [0, 0, 1, 0], [], []>, transpose_lhs_hint = false} : vector<64x128xf32>, vector<64x128xf32>, vector<64x64xf32> -> vector<64x64xf32>
    %dot_general3A_121 = arith.constant dense<0.000000e+00> : vector<64x64xf32>
    %dot_general3A_122 = tpu.matmul %convert_element_type3A_13, %slice3A_118, %dot_general3A_121 {dimension_numbers = #tpu.dot_dimension_numbers<[1], [1], [0], [0], [0, 0, 1, 0], [], []>, transpose_lhs_hint = false} : vector<64x128xf32>, vector<64x128xf32>, vector<64x64xf32> -> vector<64x64xf32>
    %concatenate3A_123 = tpu.concatenate %dot_general3A_120, %dot_general3A_122 in 1 : vector<64x64xf32>, vector<64x64xf32> -> vector<64x128xf32>
    %swap3A_124 = arith.constant 768 : index
    %swap3A_125 = arith.constant 0 : index
    %swap3A_126 = vector.load %arg2[%swap3A_124, %swap3A_125] : memref<832x128xf32, #tpu.memory_space<vmem>>, vector<64x128xf32>
    tpu.vector_store %arg2[%swap3A_124, %swap3A_125], %concatenate3A_123 {strides = array<i32>} : memref<832x128xf32, #tpu.memory_space<vmem>>, vector<64x128xf32>,
    return
  }
  func.func @transform_0(%arg0: i32) -> (i32, i32) {
    %c0_i32 = arith.constant 0 : i32
    %c0_i32_0 = arith.constant 0 : i32
    return %c0_i32, %arg0 : i32, i32
  }
  func.func @transform_1(%arg0: i32) -> (i32, i32) {
    %c0_i32 = arith.constant 0 : i32
    %c0_i32_0 = arith.constant 0 : i32
    return %arg0, %c0_i32 : i32, i32
  }
}

module attributes {stable_mosaic.version = 14 : i64} {
  func.func @_otrans_body(%arg0: i32, %arg1: i32, %arg2: memref<8x512x128xf32, #tpu.memory_space<vmem>>, %arg3: memref<8x64x1024xf32, #tpu.memory_space<vmem>>) attributes {dimension_semantics = [#tpu.dimension_semantics<arbitrary>, #tpu.dimension_semantics<arbitrary>], iteration_bounds = array<i64: 25, 4>, scalar_prefetch = 0 : i64, scratch_operands = 0 : i64, tpu.core_type = #tpu.core_type<tc>, window_params = [{transform_indices = @transform_0, window_bounds = array<i64: 8, 512, 128>}, {transform_indices = @transform_1, window_bounds = array<i64: 8, 64, 1024>}]} {
    %iota3A = tpu.iota {dimensions = array<i32: 0>} : vector<64x128xi32>
    %iota3A_0 = tpu.iota {dimensions = array<i32: 1>} : vector<64x128xi32>
    %mul3A = arith.constant 2 : i32
    %mul3A_1 = vector.broadcast %mul3A : i32 to vector<64x128xi32>
    %mul3A_2 = arith.muli %mul3A_1, %iota3A : vector<64x128xi32>
    %eq3A = arith.cmpi eq, %iota3A_0, %mul3A_2 : vector<64x128xi32>
    %convert_element_type3A = arith.extui %eq3A : vector<64x128xi1> to vector<64x128xi32>
    %convert_element_type3A_3 = arith.sitofp %convert_element_type3A : vector<64x128xi32> to vector<64x128xf32>
    %mul3A_4 = arith.constant 2 : i32
    %mul3A_5 = vector.broadcast %mul3A_4 : i32 to vector<64x128xi32>
    %mul3A_6 = arith.muli %mul3A_5, %iota3A : vector<64x128xi32>
    %add3A = arith.constant 1 : i32
    %add3A_7 = vector.broadcast %add3A : i32 to vector<64x128xi32>
    %add3A_8 = arith.addi %mul3A_6, %add3A_7 : vector<64x128xi32>
    %eq3A_9 = arith.cmpi eq, %iota3A_0, %add3A_8 : vector<64x128xi32>
    %convert_element_type3A_10 = arith.extui %eq3A_9 : vector<64x128xi1> to vector<64x128xi32>
    %convert_element_type3A_11 = arith.sitofp %convert_element_type3A_10 : vector<64x128xi32> to vector<64x128xf32>
    %get3A = arith.constant 0 : index
    %get3A_12 = arith.constant 0 : index
    %get3A_13 = arith.constant 0 : index
    %get3A_14 = vector.load %arg2[%get3A, %get3A_12, %get3A_13] : memref<8x512x128xf32, #tpu.memory_space<vmem>>, vector<1x64x128xf32>
    %get3A_15 = vector.shape_cast %get3A_14 : vector<1x64x128xf32> to vector<64x128xf32>
    %slice3A = vector.extract_strided_slice %get3A_15 {offsets = [0, 0], sizes = [64, 64], strides = [1, 1]} : vector<64x128xf32> to vector<64x64xf32>
    %slice3A_16 = vector.extract_strided_slice %get3A_15 {offsets = [0, 64], sizes = [64, 64], strides = [1, 1]} : vector<64x128xf32> to vector<64x64xf32>
    %dot_general3A = arith.constant dense<0.000000e+00> : vector<64x128xf32>
    %dot_general3A_17 = tpu.matmul %slice3A, %convert_element_type3A_3, %dot_general3A {dimension_numbers = #tpu.dot_dimension_numbers<[0], [0], [1], [1], [0, 1, 1, 1], [], []>, transpose_lhs_hint = false} : vector<64x64xf32>, vector<64x128xf32>, vector<64x128xf32> -> vector<64x128xf32>
    %dot_general3A_18 = arith.constant dense<0.000000e+00> : vector<64x128xf32>
    %dot_general3A_19 = tpu.matmul %slice3A_16, %convert_element_type3A_11, %dot_general3A_18 {dimension_numbers = #tpu.dot_dimension_numbers<[0], [0], [1], [1], [0, 1, 1, 1], [], []>, transpose_lhs_hint = false} : vector<64x64xf32>, vector<64x128xf32>, vector<64x128xf32> -> vector<64x128xf32>
    %add3A_20 = arith.addf %dot_general3A_17, %dot_general3A_19 : vector<64x128xf32>
    %swap3A = arith.constant 0 : index
    %swap3A_21 = arith.constant 0 : index
    %swap3A_22 = arith.constant 0 : index
    %swap3A_23 = vector.load %arg3[%swap3A, %swap3A_21, %swap3A_22] : memref<8x64x1024xf32, #tpu.memory_space<vmem>>, vector<1x64x128xf32>
    %swap3A_24 = vector.shape_cast %swap3A_23 : vector<1x64x128xf32> to vector<64x128xf32>
    %swap3A_25 = vector.shape_cast %add3A_20 : vector<64x128xf32> to vector<1x64x128xf32>
    tpu.vector_store %arg3[%swap3A, %swap3A_21, %swap3A_22], %swap3A_25 {strides = array<i32>} : memref<8x64x1024xf32, #tpu.memory_space<vmem>>, vector<1x64x128xf32>,
    %get3A_26 = arith.constant 0 : index
    %get3A_27 = arith.constant 64 : index
    %get3A_28 = arith.constant 0 : index
    %get3A_29 = vector.load %arg2[%get3A_26, %get3A_27, %get3A_28] : memref<8x512x128xf32, #tpu.memory_space<vmem>>, vector<1x64x128xf32>
    %get3A_30 = vector.shape_cast %get3A_29 : vector<1x64x128xf32> to vector<64x128xf32>
    %slice3A_31 = vector.extract_strided_slice %get3A_30 {offsets = [0, 0], sizes = [64, 64], strides = [1, 1]} : vector<64x128xf32> to vector<64x64xf32>
    %slice3A_32 = vector.extract_strided_slice %get3A_30 {offsets = [0, 64], sizes = [64, 64], strides = [1, 1]} : vector<64x128xf32> to vector<64x64xf32>
    %dot_general3A_33 = arith.constant dense<0.000000e+00> : vector<64x128xf32>
    %dot_general3A_34 = tpu.matmul %slice3A_31, %convert_element_type3A_3, %dot_general3A_33 {dimension_numbers = #tpu.dot_dimension_numbers<[0], [0], [1], [1], [0, 1, 1, 1], [], []>, transpose_lhs_hint = false} : vector<64x64xf32>, vector<64x128xf32>, vector<64x128xf32> -> vector<64x128xf32>
    %dot_general3A_35 = arith.constant dense<0.000000e+00> : vector<64x128xf32>
    %dot_general3A_36 = tpu.matmul %slice3A_32, %convert_element_type3A_11, %dot_general3A_35 {dimension_numbers = #tpu.dot_dimension_numbers<[0], [0], [1], [1], [0, 1, 1, 1], [], []>, transpose_lhs_hint = false} : vector<64x64xf32>, vector<64x128xf32>, vector<64x128xf32> -> vector<64x128xf32>
    %add3A_37 = arith.addf %dot_general3A_34, %dot_general3A_36 : vector<64x128xf32>
    %swap3A_38 = arith.constant 0 : index
    %swap3A_39 = arith.constant 0 : index
    %swap3A_40 = arith.constant 128 : index
    %swap3A_41 = vector.load %arg3[%swap3A_38, %swap3A_39, %swap3A_40] : memref<8x64x1024xf32, #tpu.memory_space<vmem>>, vector<1x64x128xf32>
    %swap3A_42 = vector.shape_cast %swap3A_41 : vector<1x64x128xf32> to vector<64x128xf32>
    %swap3A_43 = vector.shape_cast %add3A_37 : vector<64x128xf32> to vector<1x64x128xf32>
    tpu.vector_store %arg3[%swap3A_38, %swap3A_39, %swap3A_40], %swap3A_43 {strides = array<i32>} : memref<8x64x1024xf32, #tpu.memory_space<vmem>>, vector<1x64x128xf32>,
    %get3A_44 = arith.constant 0 : index
    %get3A_45 = arith.constant 128 : index
    %get3A_46 = arith.constant 0 : index
    %get3A_47 = vector.load %arg2[%get3A_44, %get3A_45, %get3A_46] : memref<8x512x128xf32, #tpu.memory_space<vmem>>, vector<1x64x128xf32>
    %get3A_48 = vector.shape_cast %get3A_47 : vector<1x64x128xf32> to vector<64x128xf32>
    %slice3A_49 = vector.extract_strided_slice %get3A_48 {offsets = [0, 0], sizes = [64, 64], strides = [1, 1]} : vector<64x128xf32> to vector<64x64xf32>
    %slice3A_50 = vector.extract_strided_slice %get3A_48 {offsets = [0, 64], sizes = [64, 64], strides = [1, 1]} : vector<64x128xf32> to vector<64x64xf32>
    %dot_general3A_51 = arith.constant dense<0.000000e+00> : vector<64x128xf32>
    %dot_general3A_52 = tpu.matmul %slice3A_49, %convert_element_type3A_3, %dot_general3A_51 {dimension_numbers = #tpu.dot_dimension_numbers<[0], [0], [1], [1], [0, 1, 1, 1], [], []>, transpose_lhs_hint = false} : vector<64x64xf32>, vector<64x128xf32>, vector<64x128xf32> -> vector<64x128xf32>
    %dot_general3A_53 = arith.constant dense<0.000000e+00> : vector<64x128xf32>
    %dot_general3A_54 = tpu.matmul %slice3A_50, %convert_element_type3A_11, %dot_general3A_53 {dimension_numbers = #tpu.dot_dimension_numbers<[0], [0], [1], [1], [0, 1, 1, 1], [], []>, transpose_lhs_hint = false} : vector<64x64xf32>, vector<64x128xf32>, vector<64x128xf32> -> vector<64x128xf32>
    %add3A_55 = arith.addf %dot_general3A_52, %dot_general3A_54 : vector<64x128xf32>
    %swap3A_56 = arith.constant 0 : index
    %swap3A_57 = arith.constant 0 : index
    %swap3A_58 = arith.constant 256 : index
    %swap3A_59 = vector.load %arg3[%swap3A_56, %swap3A_57, %swap3A_58] : memref<8x64x1024xf32, #tpu.memory_space<vmem>>, vector<1x64x128xf32>
    %swap3A_60 = vector.shape_cast %swap3A_59 : vector<1x64x128xf32> to vector<64x128xf32>
    %swap3A_61 = vector.shape_cast %add3A_55 : vector<64x128xf32> to vector<1x64x128xf32>
    tpu.vector_store %arg3[%swap3A_56, %swap3A_57, %swap3A_58], %swap3A_61 {strides = array<i32>} : memref<8x64x1024xf32, #tpu.memory_space<vmem>>, vector<1x64x128xf32>,
    %get3A_62 = arith.constant 0 : index
    %get3A_63 = arith.constant 192 : index
    %get3A_64 = arith.constant 0 : index
    %get3A_65 = vector.load %arg2[%get3A_62, %get3A_63, %get3A_64] : memref<8x512x128xf32, #tpu.memory_space<vmem>>, vector<1x64x128xf32>
    %get3A_66 = vector.shape_cast %get3A_65 : vector<1x64x128xf32> to vector<64x128xf32>
    %slice3A_67 = vector.extract_strided_slice %get3A_66 {offsets = [0, 0], sizes = [64, 64], strides = [1, 1]} : vector<64x128xf32> to vector<64x64xf32>
    %slice3A_68 = vector.extract_strided_slice %get3A_66 {offsets = [0, 64], sizes = [64, 64], strides = [1, 1]} : vector<64x128xf32> to vector<64x64xf32>
    %dot_general3A_69 = arith.constant dense<0.000000e+00> : vector<64x128xf32>
    %dot_general3A_70 = tpu.matmul %slice3A_67, %convert_element_type3A_3, %dot_general3A_69 {dimension_numbers = #tpu.dot_dimension_numbers<[0], [0], [1], [1], [0, 1, 1, 1], [], []>, transpose_lhs_hint = false} : vector<64x64xf32>, vector<64x128xf32>, vector<64x128xf32> -> vector<64x128xf32>
    %dot_general3A_71 = arith.constant dense<0.000000e+00> : vector<64x128xf32>
    %dot_general3A_72 = tpu.matmul %slice3A_68, %convert_element_type3A_11, %dot_general3A_71 {dimension_numbers = #tpu.dot_dimension_numbers<[0], [0], [1], [1], [0, 1, 1, 1], [], []>, transpose_lhs_hint = false} : vector<64x64xf32>, vector<64x128xf32>, vector<64x128xf32> -> vector<64x128xf32>
    %add3A_73 = arith.addf %dot_general3A_70, %dot_general3A_72 : vector<64x128xf32>
    %swap3A_74 = arith.constant 0 : index
    %swap3A_75 = arith.constant 0 : index
    %swap3A_76 = arith.constant 384 : index
    %swap3A_77 = vector.load %arg3[%swap3A_74, %swap3A_75, %swap3A_76] : memref<8x64x1024xf32, #tpu.memory_space<vmem>>, vector<1x64x128xf32>
    %swap3A_78 = vector.shape_cast %swap3A_77 : vector<1x64x128xf32> to vector<64x128xf32>
    %swap3A_79 = vector.shape_cast %add3A_73 : vector<64x128xf32> to vector<1x64x128xf32>
    tpu.vector_store %arg3[%swap3A_74, %swap3A_75, %swap3A_76], %swap3A_79 {strides = array<i32>} : memref<8x64x1024xf32, #tpu.memory_space<vmem>>, vector<1x64x128xf32>,
    %get3A_80 = arith.constant 0 : index
    %get3A_81 = arith.constant 256 : index
    %get3A_82 = arith.constant 0 : index
    %get3A_83 = vector.load %arg2[%get3A_80, %get3A_81, %get3A_82] : memref<8x512x128xf32, #tpu.memory_space<vmem>>, vector<1x64x128xf32>
    %get3A_84 = vector.shape_cast %get3A_83 : vector<1x64x128xf32> to vector<64x128xf32>
    %slice3A_85 = vector.extract_strided_slice %get3A_84 {offsets = [0, 0], sizes = [64, 64], strides = [1, 1]} : vector<64x128xf32> to vector<64x64xf32>
    %slice3A_86 = vector.extract_strided_slice %get3A_84 {offsets = [0, 64], sizes = [64, 64], strides = [1, 1]} : vector<64x128xf32> to vector<64x64xf32>
    %dot_general3A_87 = arith.constant dense<0.000000e+00> : vector<64x128xf32>
    %dot_general3A_88 = tpu.matmul %slice3A_85, %convert_element_type3A_3, %dot_general3A_87 {dimension_numbers = #tpu.dot_dimension_numbers<[0], [0], [1], [1], [0, 1, 1, 1], [], []>, transpose_lhs_hint = false} : vector<64x64xf32>, vector<64x128xf32>, vector<64x128xf32> -> vector<64x128xf32>
    %dot_general3A_89 = arith.constant dense<0.000000e+00> : vector<64x128xf32>
    %dot_general3A_90 = tpu.matmul %slice3A_86, %convert_element_type3A_11, %dot_general3A_89 {dimension_numbers = #tpu.dot_dimension_numbers<[0], [0], [1], [1], [0, 1, 1, 1], [], []>, transpose_lhs_hint = false} : vector<64x64xf32>, vector<64x128xf32>, vector<64x128xf32> -> vector<64x128xf32>
    %add3A_91 = arith.addf %dot_general3A_88, %dot_general3A_90 : vector<64x128xf32>
    %swap3A_92 = arith.constant 0 : index
    %swap3A_93 = arith.constant 0 : index
    %swap3A_94 = arith.constant 512 : index
    %swap3A_95 = vector.load %arg3[%swap3A_92, %swap3A_93, %swap3A_94] : memref<8x64x1024xf32, #tpu.memory_space<vmem>>, vector<1x64x128xf32>
    %swap3A_96 = vector.shape_cast %swap3A_95 : vector<1x64x128xf32> to vector<64x128xf32>
    %swap3A_97 = vector.shape_cast %add3A_91 : vector<64x128xf32> to vector<1x64x128xf32>
    tpu.vector_store %arg3[%swap3A_92, %swap3A_93, %swap3A_94], %swap3A_97 {strides = array<i32>} : memref<8x64x1024xf32, #tpu.memory_space<vmem>>, vector<1x64x128xf32>,
    %get3A_98 = arith.constant 0 : index
    %get3A_99 = arith.constant 320 : index
    %get3A_100 = arith.constant 0 : index
    %get3A_101 = vector.load %arg2[%get3A_98, %get3A_99, %get3A_100] : memref<8x512x128xf32, #tpu.memory_space<vmem>>, vector<1x64x128xf32>
    %get3A_102 = vector.shape_cast %get3A_101 : vector<1x64x128xf32> to vector<64x128xf32>
    %slice3A_103 = vector.extract_strided_slice %get3A_102 {offsets = [0, 0], sizes = [64, 64], strides = [1, 1]} : vector<64x128xf32> to vector<64x64xf32>
    %slice3A_104 = vector.extract_strided_slice %get3A_102 {offsets = [0, 64], sizes = [64, 64], strides = [1, 1]} : vector<64x128xf32> to vector<64x64xf32>
    %dot_general3A_105 = arith.constant dense<0.000000e+00> : vector<64x128xf32>
    %dot_general3A_106 = tpu.matmul %slice3A_103, %convert_element_type3A_3, %dot_general3A_105 {dimension_numbers = #tpu.dot_dimension_numbers<[0], [0], [1], [1], [0, 1, 1, 1], [], []>, transpose_lhs_hint = false} : vector<64x64xf32>, vector<64x128xf32>, vector<64x128xf32> -> vector<64x128xf32>
    %dot_general3A_107 = arith.constant dense<0.000000e+00> : vector<64x128xf32>
    %dot_general3A_108 = tpu.matmul %slice3A_104, %convert_element_type3A_11, %dot_general3A_107 {dimension_numbers = #tpu.dot_dimension_numbers<[0], [0], [1], [1], [0, 1, 1, 1], [], []>, transpose_lhs_hint = false} : vector<64x64xf32>, vector<64x128xf32>, vector<64x128xf32> -> vector<64x128xf32>
    %add3A_109 = arith.addf %dot_general3A_106, %dot_general3A_108 : vector<64x128xf32>
    %swap3A_110 = arith.constant 0 : index
    %swap3A_111 = arith.constant 0 : index
    %swap3A_112 = arith.constant 640 : index
    %swap3A_113 = vector.load %arg3[%swap3A_110, %swap3A_111, %swap3A_112] : memref<8x64x1024xf32, #tpu.memory_space<vmem>>, vector<1x64x128xf32>
    %swap3A_114 = vector.shape_cast %swap3A_113 : vector<1x64x128xf32> to vector<64x128xf32>
    %swap3A_115 = vector.shape_cast %add3A_109 : vector<64x128xf32> to vector<1x64x128xf32>
    tpu.vector_store %arg3[%swap3A_110, %swap3A_111, %swap3A_112], %swap3A_115 {strides = array<i32>} : memref<8x64x1024xf32, #tpu.memory_space<vmem>>, vector<1x64x128xf32>,
    %get3A_116 = arith.constant 0 : index
    %get3A_117 = arith.constant 384 : index
    %get3A_118 = arith.constant 0 : index
    %get3A_119 = vector.load %arg2[%get3A_116, %get3A_117, %get3A_118] : memref<8x512x128xf32, #tpu.memory_space<vmem>>, vector<1x64x128xf32>
    %get3A_120 = vector.shape_cast %get3A_119 : vector<1x64x128xf32> to vector<64x128xf32>
    %slice3A_121 = vector.extract_strided_slice %get3A_120 {offsets = [0, 0], sizes = [64, 64], strides = [1, 1]} : vector<64x128xf32> to vector<64x64xf32>
    %slice3A_122 = vector.extract_strided_slice %get3A_120 {offsets = [0, 64], sizes = [64, 64], strides = [1, 1]} : vector<64x128xf32> to vector<64x64xf32>
    %dot_general3A_123 = arith.constant dense<0.000000e+00> : vector<64x128xf32>
    %dot_general3A_124 = tpu.matmul %slice3A_121, %convert_element_type3A_3, %dot_general3A_123 {dimension_numbers = #tpu.dot_dimension_numbers<[0], [0], [1], [1], [0, 1, 1, 1], [], []>, transpose_lhs_hint = false} : vector<64x64xf32>, vector<64x128xf32>, vector<64x128xf32> -> vector<64x128xf32>
    %dot_general3A_125 = arith.constant dense<0.000000e+00> : vector<64x128xf32>
    %dot_general3A_126 = tpu.matmul %slice3A_122, %convert_element_type3A_11, %dot_general3A_125 {dimension_numbers = #tpu.dot_dimension_numbers<[0], [0], [1], [1], [0, 1, 1, 1], [], []>, transpose_lhs_hint = false} : vector<64x64xf32>, vector<64x128xf32>, vector<64x128xf32> -> vector<64x128xf32>
    %add3A_127 = arith.addf %dot_general3A_124, %dot_general3A_126 : vector<64x128xf32>
    %swap3A_128 = arith.constant 0 : index
    %swap3A_129 = arith.constant 0 : index
    %swap3A_130 = arith.constant 768 : index
    %swap3A_131 = vector.load %arg3[%swap3A_128, %swap3A_129, %swap3A_130] : memref<8x64x1024xf32, #tpu.memory_space<vmem>>, vector<1x64x128xf32>
    %swap3A_132 = vector.shape_cast %swap3A_131 : vector<1x64x128xf32> to vector<64x128xf32>
    %swap3A_133 = vector.shape_cast %add3A_127 : vector<64x128xf32> to vector<1x64x128xf32>
    tpu.vector_store %arg3[%swap3A_128, %swap3A_129, %swap3A_130], %swap3A_133 {strides = array<i32>} : memref<8x64x1024xf32, #tpu.memory_space<vmem>>, vector<1x64x128xf32>,
    %get3A_134 = arith.constant 0 : index
    %get3A_135 = arith.constant 448 : index
    %get3A_136 = arith.constant 0 : index
    %get3A_137 = vector.load %arg2[%get3A_134, %get3A_135, %get3A_136] : memref<8x512x128xf32, #tpu.memory_space<vmem>>, vector<1x64x128xf32>
    %get3A_138 = vector.shape_cast %get3A_137 : vector<1x64x128xf32> to vector<64x128xf32>
    %slice3A_139 = vector.extract_strided_slice %get3A_138 {offsets = [0, 0], sizes = [64, 64], strides = [1, 1]} : vector<64x128xf32> to vector<64x64xf32>
    %slice3A_140 = vector.extract_strided_slice %get3A_138 {offsets = [0, 64], sizes = [64, 64], strides = [1, 1]} : vector<64x128xf32> to vector<64x64xf32>
    %dot_general3A_141 = arith.constant dense<0.000000e+00> : vector<64x128xf32>
    %dot_general3A_142 = tpu.matmul %slice3A_139, %convert_element_type3A_3, %dot_general3A_141 {dimension_numbers = #tpu.dot_dimension_numbers<[0], [0], [1], [1], [0, 1, 1, 1], [], []>, transpose_lhs_hint = false} : vector<64x64xf32>, vector<64x128xf32>, vector<64x128xf32> -> vector<64x128xf32>
    %dot_general3A_143 = arith.constant dense<0.000000e+00> : vector<64x128xf32>
    %dot_general3A_144 = tpu.matmul %slice3A_140, %convert_element_type3A_11, %dot_general3A_143 {dimension_numbers = #tpu.dot_dimension_numbers<[0], [0], [1], [1], [0, 1, 1, 1], [], []>, transpose_lhs_hint = false} : vector<64x64xf32>, vector<64x128xf32>, vector<64x128xf32> -> vector<64x128xf32>
    %add3A_145 = arith.addf %dot_general3A_142, %dot_general3A_144 : vector<64x128xf32>
    %swap3A_146 = arith.constant 0 : index
    %swap3A_147 = arith.constant 0 : index
    %swap3A_148 = arith.constant 896 : index
    %swap3A_149 = vector.load %arg3[%swap3A_146, %swap3A_147, %swap3A_148] : memref<8x64x1024xf32, #tpu.memory_space<vmem>>, vector<1x64x128xf32>
    %swap3A_150 = vector.shape_cast %swap3A_149 : vector<1x64x128xf32> to vector<64x128xf32>
    %swap3A_151 = vector.shape_cast %add3A_145 : vector<64x128xf32> to vector<1x64x128xf32>
    tpu.vector_store %arg3[%swap3A_146, %swap3A_147, %swap3A_148], %swap3A_151 {strides = array<i32>} : memref<8x64x1024xf32, #tpu.memory_space<vmem>>, vector<1x64x128xf32>,
    %get3A_152 = arith.constant 1 : index
    %get3A_153 = arith.constant 0 : index
    %get3A_154 = arith.constant 0 : index
    %get3A_155 = vector.load %arg2[%get3A_152, %get3A_153, %get3A_154] : memref<8x512x128xf32, #tpu.memory_space<vmem>>, vector<1x64x128xf32>
    %get3A_156 = vector.shape_cast %get3A_155 : vector<1x64x128xf32> to vector<64x128xf32>
    %slice3A_157 = vector.extract_strided_slice %get3A_156 {offsets = [0, 0], sizes = [64, 64], strides = [1, 1]} : vector<64x128xf32> to vector<64x64xf32>
    %slice3A_158 = vector.extract_strided_slice %get3A_156 {offsets = [0, 64], sizes = [64, 64], strides = [1, 1]} : vector<64x128xf32> to vector<64x64xf32>
    %dot_general3A_159 = arith.constant dense<0.000000e+00> : vector<64x128xf32>
    %dot_general3A_160 = tpu.matmul %slice3A_157, %convert_element_type3A_3, %dot_general3A_159 {dimension_numbers = #tpu.dot_dimension_numbers<[0], [0], [1], [1], [0, 1, 1, 1], [], []>, transpose_lhs_hint = false} : vector<64x64xf32>, vector<64x128xf32>, vector<64x128xf32> -> vector<64x128xf32>
    %dot_general3A_161 = arith.constant dense<0.000000e+00> : vector<64x128xf32>
    %dot_general3A_162 = tpu.matmul %slice3A_158, %convert_element_type3A_11, %dot_general3A_161 {dimension_numbers = #tpu.dot_dimension_numbers<[0], [0], [1], [1], [0, 1, 1, 1], [], []>, transpose_lhs_hint = false} : vector<64x64xf32>, vector<64x128xf32>, vector<64x128xf32> -> vector<64x128xf32>
    %add3A_163 = arith.addf %dot_general3A_160, %dot_general3A_162 : vector<64x128xf32>
    %swap3A_164 = arith.constant 1 : index
    %swap3A_165 = arith.constant 0 : index
    %swap3A_166 = arith.constant 0 : index
    %swap3A_167 = vector.load %arg3[%swap3A_164, %swap3A_165, %swap3A_166] : memref<8x64x1024xf32, #tpu.memory_space<vmem>>, vector<1x64x128xf32>
    %swap3A_168 = vector.shape_cast %swap3A_167 : vector<1x64x128xf32> to vector<64x128xf32>
    %swap3A_169 = vector.shape_cast %add3A_163 : vector<64x128xf32> to vector<1x64x128xf32>
    tpu.vector_store %arg3[%swap3A_164, %swap3A_165, %swap3A_166], %swap3A_169 {strides = array<i32>} : memref<8x64x1024xf32, #tpu.memory_space<vmem>>, vector<1x64x128xf32>,
    %get3A_170 = arith.constant 1 : index
    %get3A_171 = arith.constant 64 : index
    %get3A_172 = arith.constant 0 : index
    %get3A_173 = vector.load %arg2[%get3A_170, %get3A_171, %get3A_172] : memref<8x512x128xf32, #tpu.memory_space<vmem>>, vector<1x64x128xf32>
    %get3A_174 = vector.shape_cast %get3A_173 : vector<1x64x128xf32> to vector<64x128xf32>
    %slice3A_175 = vector.extract_strided_slice %get3A_174 {offsets = [0, 0], sizes = [64, 64], strides = [1, 1]} : vector<64x128xf32> to vector<64x64xf32>
    %slice3A_176 = vector.extract_strided_slice %get3A_174 {offsets = [0, 64], sizes = [64, 64], strides = [1, 1]} : vector<64x128xf32> to vector<64x64xf32>
    %dot_general3A_177 = arith.constant dense<0.000000e+00> : vector<64x128xf32>
    %dot_general3A_178 = tpu.matmul %slice3A_175, %convert_element_type3A_3, %dot_general3A_177 {dimension_numbers = #tpu.dot_dimension_numbers<[0], [0], [1], [1], [0, 1, 1, 1], [], []>, transpose_lhs_hint = false} : vector<64x64xf32>, vector<64x128xf32>, vector<64x128xf32> -> vector<64x128xf32>
    %dot_general3A_179 = arith.constant dense<0.000000e+00> : vector<64x128xf32>
    %dot_general3A_180 = tpu.matmul %slice3A_176, %convert_element_type3A_11, %dot_general3A_179 {dimension_numbers = #tpu.dot_dimension_numbers<[0], [0], [1], [1], [0, 1, 1, 1], [], []>, transpose_lhs_hint = false} : vector<64x64xf32>, vector<64x128xf32>, vector<64x128xf32> -> vector<64x128xf32>
    %add3A_181 = arith.addf %dot_general3A_178, %dot_general3A_180 : vector<64x128xf32>
    %swap3A_182 = arith.constant 1 : index
    %swap3A_183 = arith.constant 0 : index
    %swap3A_184 = arith.constant 128 : index
    %swap3A_185 = vector.load %arg3[%swap3A_182, %swap3A_183, %swap3A_184] : memref<8x64x1024xf32, #tpu.memory_space<vmem>>, vector<1x64x128xf32>
    %swap3A_186 = vector.shape_cast %swap3A_185 : vector<1x64x128xf32> to vector<64x128xf32>
    %swap3A_187 = vector.shape_cast %add3A_181 : vector<64x128xf32> to vector<1x64x128xf32>
    tpu.vector_store %arg3[%swap3A_182, %swap3A_183, %swap3A_184], %swap3A_187 {strides = array<i32>} : memref<8x64x1024xf32, #tpu.memory_space<vmem>>, vector<1x64x128xf32>,
    %get3A_188 = arith.constant 1 : index
    %get3A_189 = arith.constant 128 : index
    %get3A_190 = arith.constant 0 : index
    %get3A_191 = vector.load %arg2[%get3A_188, %get3A_189, %get3A_190] : memref<8x512x128xf32, #tpu.memory_space<vmem>>, vector<1x64x128xf32>
    %get3A_192 = vector.shape_cast %get3A_191 : vector<1x64x128xf32> to vector<64x128xf32>
    %slice3A_193 = vector.extract_strided_slice %get3A_192 {offsets = [0, 0], sizes = [64, 64], strides = [1, 1]} : vector<64x128xf32> to vector<64x64xf32>
    %slice3A_194 = vector.extract_strided_slice %get3A_192 {offsets = [0, 64], sizes = [64, 64], strides = [1, 1]} : vector<64x128xf32> to vector<64x64xf32>
    %dot_general3A_195 = arith.constant dense<0.000000e+00> : vector<64x128xf32>
    %dot_general3A_196 = tpu.matmul %slice3A_193, %convert_element_type3A_3, %dot_general3A_195 {dimension_numbers = #tpu.dot_dimension_numbers<[0], [0], [1], [1], [0, 1, 1, 1], [], []>, transpose_lhs_hint = false} : vector<64x64xf32>, vector<64x128xf32>, vector<64x128xf32> -> vector<64x128xf32>
    %dot_general3A_197 = arith.constant dense<0.000000e+00> : vector<64x128xf32>
    %dot_general3A_198 = tpu.matmul %slice3A_194, %convert_element_type3A_11, %dot_general3A_197 {dimension_numbers = #tpu.dot_dimension_numbers<[0], [0], [1], [1], [0, 1, 1, 1], [], []>, transpose_lhs_hint = false} : vector<64x64xf32>, vector<64x128xf32>, vector<64x128xf32> -> vector<64x128xf32>
    %add3A_199 = arith.addf %dot_general3A_196, %dot_general3A_198 : vector<64x128xf32>
    %swap3A_200 = arith.constant 1 : index
    %swap3A_201 = arith.constant 0 : index
    %swap3A_202 = arith.constant 256 : index
    %swap3A_203 = vector.load %arg3[%swap3A_200, %swap3A_201, %swap3A_202] : memref<8x64x1024xf32, #tpu.memory_space<vmem>>, vector<1x64x128xf32>
    %swap3A_204 = vector.shape_cast %swap3A_203 : vector<1x64x128xf32> to vector<64x128xf32>
    %swap3A_205 = vector.shape_cast %add3A_199 : vector<64x128xf32> to vector<1x64x128xf32>
    tpu.vector_store %arg3[%swap3A_200, %swap3A_201, %swap3A_202], %swap3A_205 {strides = array<i32>} : memref<8x64x1024xf32, #tpu.memory_space<vmem>>, vector<1x64x128xf32>,
    %get3A_206 = arith.constant 1 : index
    %get3A_207 = arith.constant 192 : index
    %get3A_208 = arith.constant 0 : index
    %get3A_209 = vector.load %arg2[%get3A_206, %get3A_207, %get3A_208] : memref<8x512x128xf32, #tpu.memory_space<vmem>>, vector<1x64x128xf32>
    %get3A_210 = vector.shape_cast %get3A_209 : vector<1x64x128xf32> to vector<64x128xf32>
    %slice3A_211 = vector.extract_strided_slice %get3A_210 {offsets = [0, 0], sizes = [64, 64], strides = [1, 1]} : vector<64x128xf32> to vector<64x64xf32>
    %slice3A_212 = vector.extract_strided_slice %get3A_210 {offsets = [0, 64], sizes = [64, 64], strides = [1, 1]} : vector<64x128xf32> to vector<64x64xf32>
    %dot_general3A_213 = arith.constant dense<0.000000e+00> : vector<64x128xf32>
    %dot_general3A_214 = tpu.matmul %slice3A_211, %convert_element_type3A_3, %dot_general3A_213 {dimension_numbers = #tpu.dot_dimension_numbers<[0], [0], [1], [1], [0, 1, 1, 1], [], []>, transpose_lhs_hint = false} : vector<64x64xf32>, vector<64x128xf32>, vector<64x128xf32> -> vector<64x128xf32>
    %dot_general3A_215 = arith.constant dense<0.000000e+00> : vector<64x128xf32>
    %dot_general3A_216 = tpu.matmul %slice3A_212, %convert_element_type3A_11, %dot_general3A_215 {dimension_numbers = #tpu.dot_dimension_numbers<[0], [0], [1], [1], [0, 1, 1, 1], [], []>, transpose_lhs_hint = false} : vector<64x64xf32>, vector<64x128xf32>, vector<64x128xf32> -> vector<64x128xf32>
    %add3A_217 = arith.addf %dot_general3A_214, %dot_general3A_216 : vector<64x128xf32>
    %swap3A_218 = arith.constant 1 : index
    %swap3A_219 = arith.constant 0 : index
    %swap3A_220 = arith.constant 384 : index
    %swap3A_221 = vector.load %arg3[%swap3A_218, %swap3A_219, %swap3A_220] : memref<8x64x1024xf32, #tpu.memory_space<vmem>>, vector<1x64x128xf32>
    %swap3A_222 = vector.shape_cast %swap3A_221 : vector<1x64x128xf32> to vector<64x128xf32>
    %swap3A_223 = vector.shape_cast %add3A_217 : vector<64x128xf32> to vector<1x64x128xf32>
    tpu.vector_store %arg3[%swap3A_218, %swap3A_219, %swap3A_220], %swap3A_223 {strides = array<i32>} : memref<8x64x1024xf32, #tpu.memory_space<vmem>>, vector<1x64x128xf32>,
    %get3A_224 = arith.constant 1 : index
    %get3A_225 = arith.constant 256 : index
    %get3A_226 = arith.constant 0 : index
    %get3A_227 = vector.load %arg2[%get3A_224, %get3A_225, %get3A_226] : memref<8x512x128xf32, #tpu.memory_space<vmem>>, vector<1x64x128xf32>
    %get3A_228 = vector.shape_cast %get3A_227 : vector<1x64x128xf32> to vector<64x128xf32>
    %slice3A_229 = vector.extract_strided_slice %get3A_228 {offsets = [0, 0], sizes = [64, 64], strides = [1, 1]} : vector<64x128xf32> to vector<64x64xf32>
    %slice3A_230 = vector.extract_strided_slice %get3A_228 {offsets = [0, 64], sizes = [64, 64], strides = [1, 1]} : vector<64x128xf32> to vector<64x64xf32>
    %dot_general3A_231 = arith.constant dense<0.000000e+00> : vector<64x128xf32>
    %dot_general3A_232 = tpu.matmul %slice3A_229, %convert_element_type3A_3, %dot_general3A_231 {dimension_numbers = #tpu.dot_dimension_numbers<[0], [0], [1], [1], [0, 1, 1, 1], [], []>, transpose_lhs_hint = false} : vector<64x64xf32>, vector<64x128xf32>, vector<64x128xf32> -> vector<64x128xf32>
    %dot_general3A_233 = arith.constant dense<0.000000e+00> : vector<64x128xf32>
    %dot_general3A_234 = tpu.matmul %slice3A_230, %convert_element_type3A_11, %dot_general3A_233 {dimension_numbers = #tpu.dot_dimension_numbers<[0], [0], [1], [1], [0, 1, 1, 1], [], []>, transpose_lhs_hint = false} : vector<64x64xf32>, vector<64x128xf32>, vector<64x128xf32> -> vector<64x128xf32>
    %add3A_235 = arith.addf %dot_general3A_232, %dot_general3A_234 : vector<64x128xf32>
    %swap3A_236 = arith.constant 1 : index
    %swap3A_237 = arith.constant 0 : index
    %swap3A_238 = arith.constant 512 : index
    %swap3A_239 = vector.load %arg3[%swap3A_236, %swap3A_237, %swap3A_238] : memref<8x64x1024xf32, #tpu.memory_space<vmem>>, vector<1x64x128xf32>
    %swap3A_240 = vector.shape_cast %swap3A_239 : vector<1x64x128xf32> to vector<64x128xf32>
    %swap3A_241 = vector.shape_cast %add3A_235 : vector<64x128xf32> to vector<1x64x128xf32>
    tpu.vector_store %arg3[%swap3A_236, %swap3A_237, %swap3A_238], %swap3A_241 {strides = array<i32>} : memref<8x64x1024xf32, #tpu.memory_space<vmem>>, vector<1x64x128xf32>,
    %get3A_242 = arith.constant 1 : index
    %get3A_243 = arith.constant 320 : index
    %get3A_244 = arith.constant 0 : index
    %get3A_245 = vector.load %arg2[%get3A_242, %get3A_243, %get3A_244] : memref<8x512x128xf32, #tpu.memory_space<vmem>>, vector<1x64x128xf32>
    %get3A_246 = vector.shape_cast %get3A_245 : vector<1x64x128xf32> to vector<64x128xf32>
    %slice3A_247 = vector.extract_strided_slice %get3A_246 {offsets = [0, 0], sizes = [64, 64], strides = [1, 1]} : vector<64x128xf32> to vector<64x64xf32>
    %slice3A_248 = vector.extract_strided_slice %get3A_246 {offsets = [0, 64], sizes = [64, 64], strides = [1, 1]} : vector<64x128xf32> to vector<64x64xf32>
    %dot_general3A_249 = arith.constant dense<0.000000e+00> : vector<64x128xf32>
    %dot_general3A_250 = tpu.matmul %slice3A_247, %convert_element_type3A_3, %dot_general3A_249 {dimension_numbers = #tpu.dot_dimension_numbers<[0], [0], [1], [1], [0, 1, 1, 1], [], []>, transpose_lhs_hint = false} : vector<64x64xf32>, vector<64x128xf32>, vector<64x128xf32> -> vector<64x128xf32>
    %dot_general3A_251 = arith.constant dense<0.000000e+00> : vector<64x128xf32>
    %dot_general3A_252 = tpu.matmul %slice3A_248, %convert_element_type3A_11, %dot_general3A_251 {dimension_numbers = #tpu.dot_dimension_numbers<[0], [0], [1], [1], [0, 1, 1, 1], [], []>, transpose_lhs_hint = false} : vector<64x64xf32>, vector<64x128xf32>, vector<64x128xf32> -> vector<64x128xf32>
    %add3A_253 = arith.addf %dot_general3A_250, %dot_general3A_252 : vector<64x128xf32>
    %swap3A_254 = arith.constant 1 : index
    %swap3A_255 = arith.constant 0 : index
    %swap3A_256 = arith.constant 640 : index
    %swap3A_257 = vector.load %arg3[%swap3A_254, %swap3A_255, %swap3A_256] : memref<8x64x1024xf32, #tpu.memory_space<vmem>>, vector<1x64x128xf32>
    %swap3A_258 = vector.shape_cast %swap3A_257 : vector<1x64x128xf32> to vector<64x128xf32>
    %swap3A_259 = vector.shape_cast %add3A_253 : vector<64x128xf32> to vector<1x64x128xf32>
    tpu.vector_store %arg3[%swap3A_254, %swap3A_255, %swap3A_256], %swap3A_259 {strides = array<i32>} : memref<8x64x1024xf32, #tpu.memory_space<vmem>>, vector<1x64x128xf32>,
    %get3A_260 = arith.constant 1 : index
    %get3A_261 = arith.constant 384 : index
    %get3A_262 = arith.constant 0 : index
    %get3A_263 = vector.load %arg2[%get3A_260, %get3A_261, %get3A_262] : memref<8x512x128xf32, #tpu.memory_space<vmem>>, vector<1x64x128xf32>
    %get3A_264 = vector.shape_cast %get3A_263 : vector<1x64x128xf32> to vector<64x128xf32>
    %slice3A_265 = vector.extract_strided_slice %get3A_264 {offsets = [0, 0], sizes = [64, 64], strides = [1, 1]} : vector<64x128xf32> to vector<64x64xf32>
    %slice3A_266 = vector.extract_strided_slice %get3A_264 {offsets = [0, 64], sizes = [64, 64], strides = [1, 1]} : vector<64x128xf32> to vector<64x64xf32>
    %dot_general3A_267 = arith.constant dense<0.000000e+00> : vector<64x128xf32>
    %dot_general3A_268 = tpu.matmul %slice3A_265, %convert_element_type3A_3, %dot_general3A_267 {dimension_numbers = #tpu.dot_dimension_numbers<[0], [0], [1], [1], [0, 1, 1, 1], [], []>, transpose_lhs_hint = false} : vector<64x64xf32>, vector<64x128xf32>, vector<64x128xf32> -> vector<64x128xf32>
    %dot_general3A_269 = arith.constant dense<0.000000e+00> : vector<64x128xf32>
    %dot_general3A_270 = tpu.matmul %slice3A_266, %convert_element_type3A_11, %dot_general3A_269 {dimension_numbers = #tpu.dot_dimension_numbers<[0], [0], [1], [1], [0, 1, 1, 1], [], []>, transpose_lhs_hint = false} : vector<64x64xf32>, vector<64x128xf32>, vector<64x128xf32> -> vector<64x128xf32>
    %add3A_271 = arith.addf %dot_general3A_268, %dot_general3A_270 : vector<64x128xf32>
    %swap3A_272 = arith.constant 1 : index
    %swap3A_273 = arith.constant 0 : index
    %swap3A_274 = arith.constant 768 : index
    %swap3A_275 = vector.load %arg3[%swap3A_272, %swap3A_273, %swap3A_274] : memref<8x64x1024xf32, #tpu.memory_space<vmem>>, vector<1x64x128xf32>
    %swap3A_276 = vector.shape_cast %swap3A_275 : vector<1x64x128xf32> to vector<64x128xf32>
    %swap3A_277 = vector.shape_cast %add3A_271 : vector<64x128xf32> to vector<1x64x128xf32>
    tpu.vector_store %arg3[%swap3A_272, %swap3A_273, %swap3A_274], %swap3A_277 {strides = array<i32>} : memref<8x64x1024xf32, #tpu.memory_space<vmem>>, vector<1x64x128xf32>,
    %get3A_278 = arith.constant 1 : index
    %get3A_279 = arith.constant 448 : index
    %get3A_280 = arith.constant 0 : index
    %get3A_281 = vector.load %arg2[%get3A_278, %get3A_279, %get3A_280] : memref<8x512x128xf32, #tpu.memory_space<vmem>>, vector<1x64x128xf32>
    %get3A_282 = vector.shape_cast %get3A_281 : vector<1x64x128xf32> to vector<64x128xf32>
    %slice3A_283 = vector.extract_strided_slice %get3A_282 {offsets = [0, 0], sizes = [64, 64], strides = [1, 1]} : vector<64x128xf32> to vector<64x64xf32>
    %slice3A_284 = vector.extract_strided_slice %get3A_282 {offsets = [0, 64], sizes = [64, 64], strides = [1, 1]} : vector<64x128xf32> to vector<64x64xf32>
    %dot_general3A_285 = arith.constant dense<0.000000e+00> : vector<64x128xf32>
    %dot_general3A_286 = tpu.matmul %slice3A_283, %convert_element_type3A_3, %dot_general3A_285 {dimension_numbers = #tpu.dot_dimension_numbers<[0], [0], [1], [1], [0, 1, 1, 1], [], []>, transpose_lhs_hint = false} : vector<64x64xf32>, vector<64x128xf32>, vector<64x128xf32> -> vector<64x128xf32>
    %dot_general3A_287 = arith.constant dense<0.000000e+00> : vector<64x128xf32>
    %dot_general3A_288 = tpu.matmul %slice3A_284, %convert_element_type3A_11, %dot_general3A_287 {dimension_numbers = #tpu.dot_dimension_numbers<[0], [0], [1], [1], [0, 1, 1, 1], [], []>, transpose_lhs_hint = false} : vector<64x64xf32>, vector<64x128xf32>, vector<64x128xf32> -> vector<64x128xf32>
    %add3A_289 = arith.addf %dot_general3A_286, %dot_general3A_288 : vector<64x128xf32>
    %swap3A_290 = arith.constant 1 : index
    %swap3A_291 = arith.constant 0 : index
    %swap3A_292 = arith.constant 896 : index
    %swap3A_293 = vector.load %arg3[%swap3A_290, %swap3A_291, %swap3A_292] : memref<8x64x1024xf32, #tpu.memory_space<vmem>>, vector<1x64x128xf32>
    %swap3A_294 = vector.shape_cast %swap3A_293 : vector<1x64x128xf32> to vector<64x128xf32>
    %swap3A_295 = vector.shape_cast %add3A_289 : vector<64x128xf32> to vector<1x64x128xf32>
    tpu.vector_store %arg3[%swap3A_290, %swap3A_291, %swap3A_292], %swap3A_295 {strides = array<i32>} : memref<8x64x1024xf32, #tpu.memory_space<vmem>>, vector<1x64x128xf32>,
    %get3A_296 = arith.constant 2 : index
    %get3A_297 = arith.constant 0 : index
    %get3A_298 = arith.constant 0 : index
    %get3A_299 = vector.load %arg2[%get3A_296, %get3A_297, %get3A_298] : memref<8x512x128xf32, #tpu.memory_space<vmem>>, vector<1x64x128xf32>
    %get3A_300 = vector.shape_cast %get3A_299 : vector<1x64x128xf32> to vector<64x128xf32>
    %slice3A_301 = vector.extract_strided_slice %get3A_300 {offsets = [0, 0], sizes = [64, 64], strides = [1, 1]} : vector<64x128xf32> to vector<64x64xf32>
    %slice3A_302 = vector.extract_strided_slice %get3A_300 {offsets = [0, 64], sizes = [64, 64], strides = [1, 1]} : vector<64x128xf32> to vector<64x64xf32>
    %dot_general3A_303 = arith.constant dense<0.000000e+00> : vector<64x128xf32>
    %dot_general3A_304 = tpu.matmul %slice3A_301, %convert_element_type3A_3, %dot_general3A_303 {dimension_numbers = #tpu.dot_dimension_numbers<[0], [0], [1], [1], [0, 1, 1, 1], [], []>, transpose_lhs_hint = false} : vector<64x64xf32>, vector<64x128xf32>, vector<64x128xf32> -> vector<64x128xf32>
    %dot_general3A_305 = arith.constant dense<0.000000e+00> : vector<64x128xf32>
    %dot_general3A_306 = tpu.matmul %slice3A_302, %convert_element_type3A_11, %dot_general3A_305 {dimension_numbers = #tpu.dot_dimension_numbers<[0], [0], [1], [1], [0, 1, 1, 1], [], []>, transpose_lhs_hint = false} : vector<64x64xf32>, vector<64x128xf32>, vector<64x128xf32> -> vector<64x128xf32>
    %add3A_307 = arith.addf %dot_general3A_304, %dot_general3A_306 : vector<64x128xf32>
    %swap3A_308 = arith.constant 2 : index
    %swap3A_309 = arith.constant 0 : index
    %swap3A_310 = arith.constant 0 : index
    %swap3A_311 = vector.load %arg3[%swap3A_308, %swap3A_309, %swap3A_310] : memref<8x64x1024xf32, #tpu.memory_space<vmem>>, vector<1x64x128xf32>
    %swap3A_312 = vector.shape_cast %swap3A_311 : vector<1x64x128xf32> to vector<64x128xf32>
    %swap3A_313 = vector.shape_cast %add3A_307 : vector<64x128xf32> to vector<1x64x128xf32>
    tpu.vector_store %arg3[%swap3A_308, %swap3A_309, %swap3A_310], %swap3A_313 {strides = array<i32>} : memref<8x64x1024xf32, #tpu.memory_space<vmem>>, vector<1x64x128xf32>,
    %get3A_314 = arith.constant 2 : index
    %get3A_315 = arith.constant 64 : index
    %get3A_316 = arith.constant 0 : index
    %get3A_317 = vector.load %arg2[%get3A_314, %get3A_315, %get3A_316] : memref<8x512x128xf32, #tpu.memory_space<vmem>>, vector<1x64x128xf32>
    %get3A_318 = vector.shape_cast %get3A_317 : vector<1x64x128xf32> to vector<64x128xf32>
    %slice3A_319 = vector.extract_strided_slice %get3A_318 {offsets = [0, 0], sizes = [64, 64], strides = [1, 1]} : vector<64x128xf32> to vector<64x64xf32>
    %slice3A_320 = vector.extract_strided_slice %get3A_318 {offsets = [0, 64], sizes = [64, 64], strides = [1, 1]} : vector<64x128xf32> to vector<64x64xf32>
    %dot_general3A_321 = arith.constant dense<0.000000e+00> : vector<64x128xf32>
    %dot_general3A_322 = tpu.matmul %slice3A_319, %convert_element_type3A_3, %dot_general3A_321 {dimension_numbers = #tpu.dot_dimension_numbers<[0], [0], [1], [1], [0, 1, 1, 1], [], []>, transpose_lhs_hint = false} : vector<64x64xf32>, vector<64x128xf32>, vector<64x128xf32> -> vector<64x128xf32>
    %dot_general3A_323 = arith.constant dense<0.000000e+00> : vector<64x128xf32>
    %dot_general3A_324 = tpu.matmul %slice3A_320, %convert_element_type3A_11, %dot_general3A_323 {dimension_numbers = #tpu.dot_dimension_numbers<[0], [0], [1], [1], [0, 1, 1, 1], [], []>, transpose_lhs_hint = false} : vector<64x64xf32>, vector<64x128xf32>, vector<64x128xf32> -> vector<64x128xf32>
    %add3A_325 = arith.addf %dot_general3A_322, %dot_general3A_324 : vector<64x128xf32>
    %swap3A_326 = arith.constant 2 : index
    %swap3A_327 = arith.constant 0 : index
    %swap3A_328 = arith.constant 128 : index
    %swap3A_329 = vector.load %arg3[%swap3A_326, %swap3A_327, %swap3A_328] : memref<8x64x1024xf32, #tpu.memory_space<vmem>>, vector<1x64x128xf32>
    %swap3A_330 = vector.shape_cast %swap3A_329 : vector<1x64x128xf32> to vector<64x128xf32>
    %swap3A_331 = vector.shape_cast %add3A_325 : vector<64x128xf32> to vector<1x64x128xf32>
    tpu.vector_store %arg3[%swap3A_326, %swap3A_327, %swap3A_328], %swap3A_331 {strides = array<i32>} : memref<8x64x1024xf32, #tpu.memory_space<vmem>>, vector<1x64x128xf32>,
    %get3A_332 = arith.constant 2 : index
    %get3A_333 = arith.constant 128 : index
    %get3A_334 = arith.constant 0 : index
    %get3A_335 = vector.load %arg2[%get3A_332, %get3A_333, %get3A_334] : memref<8x512x128xf32, #tpu.memory_space<vmem>>, vector<1x64x128xf32>
    %get3A_336 = vector.shape_cast %get3A_335 : vector<1x64x128xf32> to vector<64x128xf32>
    %slice3A_337 = vector.extract_strided_slice %get3A_336 {offsets = [0, 0], sizes = [64, 64], strides = [1, 1]} : vector<64x128xf32> to vector<64x64xf32>
    %slice3A_338 = vector.extract_strided_slice %get3A_336 {offsets = [0, 64], sizes = [64, 64], strides = [1, 1]} : vector<64x128xf32> to vector<64x64xf32>
    %dot_general3A_339 = arith.constant dense<0.000000e+00> : vector<64x128xf32>
    %dot_general3A_340 = tpu.matmul %slice3A_337, %convert_element_type3A_3, %dot_general3A_339 {dimension_numbers = #tpu.dot_dimension_numbers<[0], [0], [1], [1], [0, 1, 1, 1], [], []>, transpose_lhs_hint = false} : vector<64x64xf32>, vector<64x128xf32>, vector<64x128xf32> -> vector<64x128xf32>
    %dot_general3A_341 = arith.constant dense<0.000000e+00> : vector<64x128xf32>
    %dot_general3A_342 = tpu.matmul %slice3A_338, %convert_element_type3A_11, %dot_general3A_341 {dimension_numbers = #tpu.dot_dimension_numbers<[0], [0], [1], [1], [0, 1, 1, 1], [], []>, transpose_lhs_hint = false} : vector<64x64xf32>, vector<64x128xf32>, vector<64x128xf32> -> vector<64x128xf32>
    %add3A_343 = arith.addf %dot_general3A_340, %dot_general3A_342 : vector<64x128xf32>
    %swap3A_344 = arith.constant 2 : index
    %swap3A_345 = arith.constant 0 : index
    %swap3A_346 = arith.constant 256 : index
    %swap3A_347 = vector.load %arg3[%swap3A_344, %swap3A_345, %swap3A_346] : memref<8x64x1024xf32, #tpu.memory_space<vmem>>, vector<1x64x128xf32>
    %swap3A_348 = vector.shape_cast %swap3A_347 : vector<1x64x128xf32> to vector<64x128xf32>
    %swap3A_349 = vector.shape_cast %add3A_343 : vector<64x128xf32> to vector<1x64x128xf32>
    tpu.vector_store %arg3[%swap3A_344, %swap3A_345, %swap3A_346], %swap3A_349 {strides = array<i32>} : memref<8x64x1024xf32, #tpu.memory_space<vmem>>, vector<1x64x128xf32>,
    %get3A_350 = arith.constant 2 : index
    %get3A_351 = arith.constant 192 : index
    %get3A_352 = arith.constant 0 : index
    %get3A_353 = vector.load %arg2[%get3A_350, %get3A_351, %get3A_352] : memref<8x512x128xf32, #tpu.memory_space<vmem>>, vector<1x64x128xf32>
    %get3A_354 = vector.shape_cast %get3A_353 : vector<1x64x128xf32> to vector<64x128xf32>
    %slice3A_355 = vector.extract_strided_slice %get3A_354 {offsets = [0, 0], sizes = [64, 64], strides = [1, 1]} : vector<64x128xf32> to vector<64x64xf32>
    %slice3A_356 = vector.extract_strided_slice %get3A_354 {offsets = [0, 64], sizes = [64, 64], strides = [1, 1]} : vector<64x128xf32> to vector<64x64xf32>
    %dot_general3A_357 = arith.constant dense<0.000000e+00> : vector<64x128xf32>
    %dot_general3A_358 = tpu.matmul %slice3A_355, %convert_element_type3A_3, %dot_general3A_357 {dimension_numbers = #tpu.dot_dimension_numbers<[0], [0], [1], [1], [0, 1, 1, 1], [], []>, transpose_lhs_hint = false} : vector<64x64xf32>, vector<64x128xf32>, vector<64x128xf32> -> vector<64x128xf32>
    %dot_general3A_359 = arith.constant dense<0.000000e+00> : vector<64x128xf32>
    %dot_general3A_360 = tpu.matmul %slice3A_356, %convert_element_type3A_11, %dot_general3A_359 {dimension_numbers = #tpu.dot_dimension_numbers<[0], [0], [1], [1], [0, 1, 1, 1], [], []>, transpose_lhs_hint = false} : vector<64x64xf32>, vector<64x128xf32>, vector<64x128xf32> -> vector<64x128xf32>
    %add3A_361 = arith.addf %dot_general3A_358, %dot_general3A_360 : vector<64x128xf32>
    %swap3A_362 = arith.constant 2 : index
    %swap3A_363 = arith.constant 0 : index
    %swap3A_364 = arith.constant 384 : index
    %swap3A_365 = vector.load %arg3[%swap3A_362, %swap3A_363, %swap3A_364] : memref<8x64x1024xf32, #tpu.memory_space<vmem>>, vector<1x64x128xf32>
    %swap3A_366 = vector.shape_cast %swap3A_365 : vector<1x64x128xf32> to vector<64x128xf32>
    %swap3A_367 = vector.shape_cast %add3A_361 : vector<64x128xf32> to vector<1x64x128xf32>
    tpu.vector_store %arg3[%swap3A_362, %swap3A_363, %swap3A_364], %swap3A_367 {strides = array<i32>} : memref<8x64x1024xf32, #tpu.memory_space<vmem>>, vector<1x64x128xf32>,
    %get3A_368 = arith.constant 2 : index
    %get3A_369 = arith.constant 256 : index
    %get3A_370 = arith.constant 0 : index
    %get3A_371 = vector.load %arg2[%get3A_368, %get3A_369, %get3A_370] : memref<8x512x128xf32, #tpu.memory_space<vmem>>, vector<1x64x128xf32>
    %get3A_372 = vector.shape_cast %get3A_371 : vector<1x64x128xf32> to vector<64x128xf32>
    %slice3A_373 = vector.extract_strided_slice %get3A_372 {offsets = [0, 0], sizes = [64, 64], strides = [1, 1]} : vector<64x128xf32> to vector<64x64xf32>
    %slice3A_374 = vector.extract_strided_slice %get3A_372 {offsets = [0, 64], sizes = [64, 64], strides = [1, 1]} : vector<64x128xf32> to vector<64x64xf32>
    %dot_general3A_375 = arith.constant dense<0.000000e+00> : vector<64x128xf32>
    %dot_general3A_376 = tpu.matmul %slice3A_373, %convert_element_type3A_3, %dot_general3A_375 {dimension_numbers = #tpu.dot_dimension_numbers<[0], [0], [1], [1], [0, 1, 1, 1], [], []>, transpose_lhs_hint = false} : vector<64x64xf32>, vector<64x128xf32>, vector<64x128xf32> -> vector<64x128xf32>
    %dot_general3A_377 = arith.constant dense<0.000000e+00> : vector<64x128xf32>
    %dot_general3A_378 = tpu.matmul %slice3A_374, %convert_element_type3A_11, %dot_general3A_377 {dimension_numbers = #tpu.dot_dimension_numbers<[0], [0], [1], [1], [0, 1, 1, 1], [], []>, transpose_lhs_hint = false} : vector<64x64xf32>, vector<64x128xf32>, vector<64x128xf32> -> vector<64x128xf32>
    %add3A_379 = arith.addf %dot_general3A_376, %dot_general3A_378 : vector<64x128xf32>
    %swap3A_380 = arith.constant 2 : index
    %swap3A_381 = arith.constant 0 : index
    %swap3A_382 = arith.constant 512 : index
    %swap3A_383 = vector.load %arg3[%swap3A_380, %swap3A_381, %swap3A_382] : memref<8x64x1024xf32, #tpu.memory_space<vmem>>, vector<1x64x128xf32>
    %swap3A_384 = vector.shape_cast %swap3A_383 : vector<1x64x128xf32> to vector<64x128xf32>
    %swap3A_385 = vector.shape_cast %add3A_379 : vector<64x128xf32> to vector<1x64x128xf32>
    tpu.vector_store %arg3[%swap3A_380, %swap3A_381, %swap3A_382], %swap3A_385 {strides = array<i32>} : memref<8x64x1024xf32, #tpu.memory_space<vmem>>, vector<1x64x128xf32>,
    %get3A_386 = arith.constant 2 : index
    %get3A_387 = arith.constant 320 : index
    %get3A_388 = arith.constant 0 : index
    %get3A_389 = vector.load %arg2[%get3A_386, %get3A_387, %get3A_388] : memref<8x512x128xf32, #tpu.memory_space<vmem>>, vector<1x64x128xf32>
    %get3A_390 = vector.shape_cast %get3A_389 : vector<1x64x128xf32> to vector<64x128xf32>
    %slice3A_391 = vector.extract_strided_slice %get3A_390 {offsets = [0, 0], sizes = [64, 64], strides = [1, 1]} : vector<64x128xf32> to vector<64x64xf32>
    %slice3A_392 = vector.extract_strided_slice %get3A_390 {offsets = [0, 64], sizes = [64, 64], strides = [1, 1]} : vector<64x128xf32> to vector<64x64xf32>
    %dot_general3A_393 = arith.constant dense<0.000000e+00> : vector<64x128xf32>
    %dot_general3A_394 = tpu.matmul %slice3A_391, %convert_element_type3A_3, %dot_general3A_393 {dimension_numbers = #tpu.dot_dimension_numbers<[0], [0], [1], [1], [0, 1, 1, 1], [], []>, transpose_lhs_hint = false} : vector<64x64xf32>, vector<64x128xf32>, vector<64x128xf32> -> vector<64x128xf32>
    %dot_general3A_395 = arith.constant dense<0.000000e+00> : vector<64x128xf32>
    %dot_general3A_396 = tpu.matmul %slice3A_392, %convert_element_type3A_11, %dot_general3A_395 {dimension_numbers = #tpu.dot_dimension_numbers<[0], [0], [1], [1], [0, 1, 1, 1], [], []>, transpose_lhs_hint = false} : vector<64x64xf32>, vector<64x128xf32>, vector<64x128xf32> -> vector<64x128xf32>
    %add3A_397 = arith.addf %dot_general3A_394, %dot_general3A_396 : vector<64x128xf32>
    %swap3A_398 = arith.constant 2 : index
    %swap3A_399 = arith.constant 0 : index
    %swap3A_400 = arith.constant 640 : index
    %swap3A_401 = vector.load %arg3[%swap3A_398, %swap3A_399, %swap3A_400] : memref<8x64x1024xf32, #tpu.memory_space<vmem>>, vector<1x64x128xf32>
    %swap3A_402 = vector.shape_cast %swap3A_401 : vector<1x64x128xf32> to vector<64x128xf32>
    %swap3A_403 = vector.shape_cast %add3A_397 : vector<64x128xf32> to vector<1x64x128xf32>
    tpu.vector_store %arg3[%swap3A_398, %swap3A_399, %swap3A_400], %swap3A_403 {strides = array<i32>} : memref<8x64x1024xf32, #tpu.memory_space<vmem>>, vector<1x64x128xf32>,
    %get3A_404 = arith.constant 2 : index
    %get3A_405 = arith.constant 384 : index
    %get3A_406 = arith.constant 0 : index
    %get3A_407 = vector.load %arg2[%get3A_404, %get3A_405, %get3A_406] : memref<8x512x128xf32, #tpu.memory_space<vmem>>, vector<1x64x128xf32>
    %get3A_408 = vector.shape_cast %get3A_407 : vector<1x64x128xf32> to vector<64x128xf32>
    %slice3A_409 = vector.extract_strided_slice %get3A_408 {offsets = [0, 0], sizes = [64, 64], strides = [1, 1]} : vector<64x128xf32> to vector<64x64xf32>
    %slice3A_410 = vector.extract_strided_slice %get3A_408 {offsets = [0, 64], sizes = [64, 64], strides = [1, 1]} : vector<64x128xf32> to vector<64x64xf32>
    %dot_general3A_411 = arith.constant dense<0.000000e+00> : vector<64x128xf32>
    %dot_general3A_412 = tpu.matmul %slice3A_409, %convert_element_type3A_3, %dot_general3A_411 {dimension_numbers = #tpu.dot_dimension_numbers<[0], [0], [1], [1], [0, 1, 1, 1], [], []>, transpose_lhs_hint = false} : vector<64x64xf32>, vector<64x128xf32>, vector<64x128xf32> -> vector<64x128xf32>
    %dot_general3A_413 = arith.constant dense<0.000000e+00> : vector<64x128xf32>
    %dot_general3A_414 = tpu.matmul %slice3A_410, %convert_element_type3A_11, %dot_general3A_413 {dimension_numbers = #tpu.dot_dimension_numbers<[0], [0], [1], [1], [0, 1, 1, 1], [], []>, transpose_lhs_hint = false} : vector<64x64xf32>, vector<64x128xf32>, vector<64x128xf32> -> vector<64x128xf32>
    %add3A_415 = arith.addf %dot_general3A_412, %dot_general3A_414 : vector<64x128xf32>
    %swap3A_416 = arith.constant 2 : index
    %swap3A_417 = arith.constant 0 : index
    %swap3A_418 = arith.constant 768 : index
    %swap3A_419 = vector.load %arg3[%swap3A_416, %swap3A_417, %swap3A_418] : memref<8x64x1024xf32, #tpu.memory_space<vmem>>, vector<1x64x128xf32>
    %swap3A_420 = vector.shape_cast %swap3A_419 : vector<1x64x128xf32> to vector<64x128xf32>
    %swap3A_421 = vector.shape_cast %add3A_415 : vector<64x128xf32> to vector<1x64x128xf32>
    tpu.vector_store %arg3[%swap3A_416, %swap3A_417, %swap3A_418], %swap3A_421 {strides = array<i32>} : memref<8x64x1024xf32, #tpu.memory_space<vmem>>, vector<1x64x128xf32>,
    %get3A_422 = arith.constant 2 : index
    %get3A_423 = arith.constant 448 : index
    %get3A_424 = arith.constant 0 : index
    %get3A_425 = vector.load %arg2[%get3A_422, %get3A_423, %get3A_424] : memref<8x512x128xf32, #tpu.memory_space<vmem>>, vector<1x64x128xf32>
    %get3A_426 = vector.shape_cast %get3A_425 : vector<1x64x128xf32> to vector<64x128xf32>
    %slice3A_427 = vector.extract_strided_slice %get3A_426 {offsets = [0, 0], sizes = [64, 64], strides = [1, 1]} : vector<64x128xf32> to vector<64x64xf32>
    %slice3A_428 = vector.extract_strided_slice %get3A_426 {offsets = [0, 64], sizes = [64, 64], strides = [1, 1]} : vector<64x128xf32> to vector<64x64xf32>
    %dot_general3A_429 = arith.constant dense<0.000000e+00> : vector<64x128xf32>
    %dot_general3A_430 = tpu.matmul %slice3A_427, %convert_element_type3A_3, %dot_general3A_429 {dimension_numbers = #tpu.dot_dimension_numbers<[0], [0], [1], [1], [0, 1, 1, 1], [], []>, transpose_lhs_hint = false} : vector<64x64xf32>, vector<64x128xf32>, vector<64x128xf32> -> vector<64x128xf32>
    %dot_general3A_431 = arith.constant dense<0.000000e+00> : vector<64x128xf32>
    %dot_general3A_432 = tpu.matmul %slice3A_428, %convert_element_type3A_11, %dot_general3A_431 {dimension_numbers = #tpu.dot_dimension_numbers<[0], [0], [1], [1], [0, 1, 1, 1], [], []>, transpose_lhs_hint = false} : vector<64x64xf32>, vector<64x128xf32>, vector<64x128xf32> -> vector<64x128xf32>
    %add3A_433 = arith.addf %dot_general3A_430, %dot_general3A_432 : vector<64x128xf32>
    %swap3A_434 = arith.constant 2 : index
    %swap3A_435 = arith.constant 0 : index
    %swap3A_436 = arith.constant 896 : index
    %swap3A_437 = vector.load %arg3[%swap3A_434, %swap3A_435, %swap3A_436] : memref<8x64x1024xf32, #tpu.memory_space<vmem>>, vector<1x64x128xf32>
    %swap3A_438 = vector.shape_cast %swap3A_437 : vector<1x64x128xf32> to vector<64x128xf32>
    %swap3A_439 = vector.shape_cast %add3A_433 : vector<64x128xf32> to vector<1x64x128xf32>
    tpu.vector_store %arg3[%swap3A_434, %swap3A_435, %swap3A_436], %swap3A_439 {strides = array<i32>} : memref<8x64x1024xf32, #tpu.memory_space<vmem>>, vector<1x64x128xf32>,
    %get3A_440 = arith.constant 3 : index
    %get3A_441 = arith.constant 0 : index
    %get3A_442 = arith.constant 0 : index
    %get3A_443 = vector.load %arg2[%get3A_440, %get3A_441, %get3A_442] : memref<8x512x128xf32, #tpu.memory_space<vmem>>, vector<1x64x128xf32>
    %get3A_444 = vector.shape_cast %get3A_443 : vector<1x64x128xf32> to vector<64x128xf32>
    %slice3A_445 = vector.extract_strided_slice %get3A_444 {offsets = [0, 0], sizes = [64, 64], strides = [1, 1]} : vector<64x128xf32> to vector<64x64xf32>
    %slice3A_446 = vector.extract_strided_slice %get3A_444 {offsets = [0, 64], sizes = [64, 64], strides = [1, 1]} : vector<64x128xf32> to vector<64x64xf32>
    %dot_general3A_447 = arith.constant dense<0.000000e+00> : vector<64x128xf32>
    %dot_general3A_448 = tpu.matmul %slice3A_445, %convert_element_type3A_3, %dot_general3A_447 {dimension_numbers = #tpu.dot_dimension_numbers<[0], [0], [1], [1], [0, 1, 1, 1], [], []>, transpose_lhs_hint = false} : vector<64x64xf32>, vector<64x128xf32>, vector<64x128xf32> -> vector<64x128xf32>
    %dot_general3A_449 = arith.constant dense<0.000000e+00> : vector<64x128xf32>
    %dot_general3A_450 = tpu.matmul %slice3A_446, %convert_element_type3A_11, %dot_general3A_449 {dimension_numbers = #tpu.dot_dimension_numbers<[0], [0], [1], [1], [0, 1, 1, 1], [], []>, transpose_lhs_hint = false} : vector<64x64xf32>, vector<64x128xf32>, vector<64x128xf32> -> vector<64x128xf32>
    %add3A_451 = arith.addf %dot_general3A_448, %dot_general3A_450 : vector<64x128xf32>
    %swap3A_452 = arith.constant 3 : index
    %swap3A_453 = arith.constant 0 : index
    %swap3A_454 = arith.constant 0 : index
    %swap3A_455 = vector.load %arg3[%swap3A_452, %swap3A_453, %swap3A_454] : memref<8x64x1024xf32, #tpu.memory_space<vmem>>, vector<1x64x128xf32>
    %swap3A_456 = vector.shape_cast %swap3A_455 : vector<1x64x128xf32> to vector<64x128xf32>
    %swap3A_457 = vector.shape_cast %add3A_451 : vector<64x128xf32> to vector<1x64x128xf32>
    tpu.vector_store %arg3[%swap3A_452, %swap3A_453, %swap3A_454], %swap3A_457 {strides = array<i32>} : memref<8x64x1024xf32, #tpu.memory_space<vmem>>, vector<1x64x128xf32>,
    %get3A_458 = arith.constant 3 : index
    %get3A_459 = arith.constant 64 : index
    %get3A_460 = arith.constant 0 : index
    %get3A_461 = vector.load %arg2[%get3A_458, %get3A_459, %get3A_460] : memref<8x512x128xf32, #tpu.memory_space<vmem>>, vector<1x64x128xf32>
    %get3A_462 = vector.shape_cast %get3A_461 : vector<1x64x128xf32> to vector<64x128xf32>
    %slice3A_463 = vector.extract_strided_slice %get3A_462 {offsets = [0, 0], sizes = [64, 64], strides = [1, 1]} : vector<64x128xf32> to vector<64x64xf32>
    %slice3A_464 = vector.extract_strided_slice %get3A_462 {offsets = [0, 64], sizes = [64, 64], strides = [1, 1]} : vector<64x128xf32> to vector<64x64xf32>
    %dot_general3A_465 = arith.constant dense<0.000000e+00> : vector<64x128xf32>
    %dot_general3A_466 = tpu.matmul %slice3A_463, %convert_element_type3A_3, %dot_general3A_465 {dimension_numbers = #tpu.dot_dimension_numbers<[0], [0], [1], [1], [0, 1, 1, 1], [], []>, transpose_lhs_hint = false} : vector<64x64xf32>, vector<64x128xf32>, vector<64x128xf32> -> vector<64x128xf32>
    %dot_general3A_467 = arith.constant dense<0.000000e+00> : vector<64x128xf32>
    %dot_general3A_468 = tpu.matmul %slice3A_464, %convert_element_type3A_11, %dot_general3A_467 {dimension_numbers = #tpu.dot_dimension_numbers<[0], [0], [1], [1], [0, 1, 1, 1], [], []>, transpose_lhs_hint = false} : vector<64x64xf32>, vector<64x128xf32>, vector<64x128xf32> -> vector<64x128xf32>
    %add3A_469 = arith.addf %dot_general3A_466, %dot_general3A_468 : vector<64x128xf32>
    %swap3A_470 = arith.constant 3 : index
    %swap3A_471 = arith.constant 0 : index
    %swap3A_472 = arith.constant 128 : index
    %swap3A_473 = vector.load %arg3[%swap3A_470, %swap3A_471, %swap3A_472] : memref<8x64x1024xf32, #tpu.memory_space<vmem>>, vector<1x64x128xf32>
    %swap3A_474 = vector.shape_cast %swap3A_473 : vector<1x64x128xf32> to vector<64x128xf32>
    %swap3A_475 = vector.shape_cast %add3A_469 : vector<64x128xf32> to vector<1x64x128xf32>
    tpu.vector_store %arg3[%swap3A_470, %swap3A_471, %swap3A_472], %swap3A_475 {strides = array<i32>} : memref<8x64x1024xf32, #tpu.memory_space<vmem>>, vector<1x64x128xf32>,
    %get3A_476 = arith.constant 3 : index
    %get3A_477 = arith.constant 128 : index
    %get3A_478 = arith.constant 0 : index
    %get3A_479 = vector.load %arg2[%get3A_476, %get3A_477, %get3A_478] : memref<8x512x128xf32, #tpu.memory_space<vmem>>, vector<1x64x128xf32>
    %get3A_480 = vector.shape_cast %get3A_479 : vector<1x64x128xf32> to vector<64x128xf32>
    %slice3A_481 = vector.extract_strided_slice %get3A_480 {offsets = [0, 0], sizes = [64, 64], strides = [1, 1]} : vector<64x128xf32> to vector<64x64xf32>
    %slice3A_482 = vector.extract_strided_slice %get3A_480 {offsets = [0, 64], sizes = [64, 64], strides = [1, 1]} : vector<64x128xf32> to vector<64x64xf32>
    %dot_general3A_483 = arith.constant dense<0.000000e+00> : vector<64x128xf32>
    %dot_general3A_484 = tpu.matmul %slice3A_481, %convert_element_type3A_3, %dot_general3A_483 {dimension_numbers = #tpu.dot_dimension_numbers<[0], [0], [1], [1], [0, 1, 1, 1], [], []>, transpose_lhs_hint = false} : vector<64x64xf32>, vector<64x128xf32>, vector<64x128xf32> -> vector<64x128xf32>
    %dot_general3A_485 = arith.constant dense<0.000000e+00> : vector<64x128xf32>
    %dot_general3A_486 = tpu.matmul %slice3A_482, %convert_element_type3A_11, %dot_general3A_485 {dimension_numbers = #tpu.dot_dimension_numbers<[0], [0], [1], [1], [0, 1, 1, 1], [], []>, transpose_lhs_hint = false} : vector<64x64xf32>, vector<64x128xf32>, vector<64x128xf32> -> vector<64x128xf32>
    %add3A_487 = arith.addf %dot_general3A_484, %dot_general3A_486 : vector<64x128xf32>
    %swap3A_488 = arith.constant 3 : index
    %swap3A_489 = arith.constant 0 : index
    %swap3A_490 = arith.constant 256 : index
    %swap3A_491 = vector.load %arg3[%swap3A_488, %swap3A_489, %swap3A_490] : memref<8x64x1024xf32, #tpu.memory_space<vmem>>, vector<1x64x128xf32>
    %swap3A_492 = vector.shape_cast %swap3A_491 : vector<1x64x128xf32> to vector<64x128xf32>
    %swap3A_493 = vector.shape_cast %add3A_487 : vector<64x128xf32> to vector<1x64x128xf32>
    tpu.vector_store %arg3[%swap3A_488, %swap3A_489, %swap3A_490], %swap3A_493 {strides = array<i32>} : memref<8x64x1024xf32, #tpu.memory_space<vmem>>, vector<1x64x128xf32>,
    %get3A_494 = arith.constant 3 : index
    %get3A_495 = arith.constant 192 : index
    %get3A_496 = arith.constant 0 : index
    %get3A_497 = vector.load %arg2[%get3A_494, %get3A_495, %get3A_496] : memref<8x512x128xf32, #tpu.memory_space<vmem>>, vector<1x64x128xf32>
    %get3A_498 = vector.shape_cast %get3A_497 : vector<1x64x128xf32> to vector<64x128xf32>
    %slice3A_499 = vector.extract_strided_slice %get3A_498 {offsets = [0, 0], sizes = [64, 64], strides = [1, 1]} : vector<64x128xf32> to vector<64x64xf32>
    %slice3A_500 = vector.extract_strided_slice %get3A_498 {offsets = [0, 64], sizes = [64, 64], strides = [1, 1]} : vector<64x128xf32> to vector<64x64xf32>
    %dot_general3A_501 = arith.constant dense<0.000000e+00> : vector<64x128xf32>
    %dot_general3A_502 = tpu.matmul %slice3A_499, %convert_element_type3A_3, %dot_general3A_501 {dimension_numbers = #tpu.dot_dimension_numbers<[0], [0], [1], [1], [0, 1, 1, 1], [], []>, transpose_lhs_hint = false} : vector<64x64xf32>, vector<64x128xf32>, vector<64x128xf32> -> vector<64x128xf32>
    %dot_general3A_503 = arith.constant dense<0.000000e+00> : vector<64x128xf32>
    %dot_general3A_504 = tpu.matmul %slice3A_500, %convert_element_type3A_11, %dot_general3A_503 {dimension_numbers = #tpu.dot_dimension_numbers<[0], [0], [1], [1], [0, 1, 1, 1], [], []>, transpose_lhs_hint = false} : vector<64x64xf32>, vector<64x128xf32>, vector<64x128xf32> -> vector<64x128xf32>
    %add3A_505 = arith.addf %dot_general3A_502, %dot_general3A_504 : vector<64x128xf32>
    %swap3A_506 = arith.constant 3 : index
    %swap3A_507 = arith.constant 0 : index
    %swap3A_508 = arith.constant 384 : index
    %swap3A_509 = vector.load %arg3[%swap3A_506, %swap3A_507, %swap3A_508] : memref<8x64x1024xf32, #tpu.memory_space<vmem>>, vector<1x64x128xf32>
    %swap3A_510 = vector.shape_cast %swap3A_509 : vector<1x64x128xf32> to vector<64x128xf32>
    %swap3A_511 = vector.shape_cast %add3A_505 : vector<64x128xf32> to vector<1x64x128xf32>
    tpu.vector_store %arg3[%swap3A_506, %swap3A_507, %swap3A_508], %swap3A_511 {strides = array<i32>} : memref<8x64x1024xf32, #tpu.memory_space<vmem>>, vector<1x64x128xf32>,
    %get3A_512 = arith.constant 3 : index
    %get3A_513 = arith.constant 256 : index
    %get3A_514 = arith.constant 0 : index
    %get3A_515 = vector.load %arg2[%get3A_512, %get3A_513, %get3A_514] : memref<8x512x128xf32, #tpu.memory_space<vmem>>, vector<1x64x128xf32>
    %get3A_516 = vector.shape_cast %get3A_515 : vector<1x64x128xf32> to vector<64x128xf32>
    %slice3A_517 = vector.extract_strided_slice %get3A_516 {offsets = [0, 0], sizes = [64, 64], strides = [1, 1]} : vector<64x128xf32> to vector<64x64xf32>
    %slice3A_518 = vector.extract_strided_slice %get3A_516 {offsets = [0, 64], sizes = [64, 64], strides = [1, 1]} : vector<64x128xf32> to vector<64x64xf32>
    %dot_general3A_519 = arith.constant dense<0.000000e+00> : vector<64x128xf32>
    %dot_general3A_520 = tpu.matmul %slice3A_517, %convert_element_type3A_3, %dot_general3A_519 {dimension_numbers = #tpu.dot_dimension_numbers<[0], [0], [1], [1], [0, 1, 1, 1], [], []>, transpose_lhs_hint = false} : vector<64x64xf32>, vector<64x128xf32>, vector<64x128xf32> -> vector<64x128xf32>
    %dot_general3A_521 = arith.constant dense<0.000000e+00> : vector<64x128xf32>
    %dot_general3A_522 = tpu.matmul %slice3A_518, %convert_element_type3A_11, %dot_general3A_521 {dimension_numbers = #tpu.dot_dimension_numbers<[0], [0], [1], [1], [0, 1, 1, 1], [], []>, transpose_lhs_hint = false} : vector<64x64xf32>, vector<64x128xf32>, vector<64x128xf32> -> vector<64x128xf32>
    %add3A_523 = arith.addf %dot_general3A_520, %dot_general3A_522 : vector<64x128xf32>
    %swap3A_524 = arith.constant 3 : index
    %swap3A_525 = arith.constant 0 : index
    %swap3A_526 = arith.constant 512 : index
    %swap3A_527 = vector.load %arg3[%swap3A_524, %swap3A_525, %swap3A_526] : memref<8x64x1024xf32, #tpu.memory_space<vmem>>, vector<1x64x128xf32>
    %swap3A_528 = vector.shape_cast %swap3A_527 : vector<1x64x128xf32> to vector<64x128xf32>
    %swap3A_529 = vector.shape_cast %add3A_523 : vector<64x128xf32> to vector<1x64x128xf32>
    tpu.vector_store %arg3[%swap3A_524, %swap3A_525, %swap3A_526], %swap3A_529 {strides = array<i32>} : memref<8x64x1024xf32, #tpu.memory_space<vmem>>, vector<1x64x128xf32>,
    %get3A_530 = arith.constant 3 : index
    %get3A_531 = arith.constant 320 : index
    %get3A_532 = arith.constant 0 : index
    %get3A_533 = vector.load %arg2[%get3A_530, %get3A_531, %get3A_532] : memref<8x512x128xf32, #tpu.memory_space<vmem>>, vector<1x64x128xf32>
    %get3A_534 = vector.shape_cast %get3A_533 : vector<1x64x128xf32> to vector<64x128xf32>
    %slice3A_535 = vector.extract_strided_slice %get3A_534 {offsets = [0, 0], sizes = [64, 64], strides = [1, 1]} : vector<64x128xf32> to vector<64x64xf32>
    %slice3A_536 = vector.extract_strided_slice %get3A_534 {offsets = [0, 64], sizes = [64, 64], strides = [1, 1]} : vector<64x128xf32> to vector<64x64xf32>
    %dot_general3A_537 = arith.constant dense<0.000000e+00> : vector<64x128xf32>
    %dot_general3A_538 = tpu.matmul %slice3A_535, %convert_element_type3A_3, %dot_general3A_537 {dimension_numbers = #tpu.dot_dimension_numbers<[0], [0], [1], [1], [0, 1, 1, 1], [], []>, transpose_lhs_hint = false} : vector<64x64xf32>, vector<64x128xf32>, vector<64x128xf32> -> vector<64x128xf32>
    %dot_general3A_539 = arith.constant dense<0.000000e+00> : vector<64x128xf32>
    %dot_general3A_540 = tpu.matmul %slice3A_536, %convert_element_type3A_11, %dot_general3A_539 {dimension_numbers = #tpu.dot_dimension_numbers<[0], [0], [1], [1], [0, 1, 1, 1], [], []>, transpose_lhs_hint = false} : vector<64x64xf32>, vector<64x128xf32>, vector<64x128xf32> -> vector<64x128xf32>
    %add3A_541 = arith.addf %dot_general3A_538, %dot_general3A_540 : vector<64x128xf32>
    %swap3A_542 = arith.constant 3 : index
    %swap3A_543 = arith.constant 0 : index
    %swap3A_544 = arith.constant 640 : index
    %swap3A_545 = vector.load %arg3[%swap3A_542, %swap3A_543, %swap3A_544] : memref<8x64x1024xf32, #tpu.memory_space<vmem>>, vector<1x64x128xf32>
    %swap3A_546 = vector.shape_cast %swap3A_545 : vector<1x64x128xf32> to vector<64x128xf32>
    %swap3A_547 = vector.shape_cast %add3A_541 : vector<64x128xf32> to vector<1x64x128xf32>
    tpu.vector_store %arg3[%swap3A_542, %swap3A_543, %swap3A_544], %swap3A_547 {strides = array<i32>} : memref<8x64x1024xf32, #tpu.memory_space<vmem>>, vector<1x64x128xf32>,
    %get3A_548 = arith.constant 3 : index
    %get3A_549 = arith.constant 384 : index
    %get3A_550 = arith.constant 0 : index
    %get3A_551 = vector.load %arg2[%get3A_548, %get3A_549, %get3A_550] : memref<8x512x128xf32, #tpu.memory_space<vmem>>, vector<1x64x128xf32>
    %get3A_552 = vector.shape_cast %get3A_551 : vector<1x64x128xf32> to vector<64x128xf32>
    %slice3A_553 = vector.extract_strided_slice %get3A_552 {offsets = [0, 0], sizes = [64, 64], strides = [1, 1]} : vector<64x128xf32> to vector<64x64xf32>
    %slice3A_554 = vector.extract_strided_slice %get3A_552 {offsets = [0, 64], sizes = [64, 64], strides = [1, 1]} : vector<64x128xf32> to vector<64x64xf32>
    %dot_general3A_555 = arith.constant dense<0.000000e+00> : vector<64x128xf32>
    %dot_general3A_556 = tpu.matmul %slice3A_553, %convert_element_type3A_3, %dot_general3A_555 {dimension_numbers = #tpu.dot_dimension_numbers<[0], [0], [1], [1], [0, 1, 1, 1], [], []>, transpose_lhs_hint = false} : vector<64x64xf32>, vector<64x128xf32>, vector<64x128xf32> -> vector<64x128xf32>
    %dot_general3A_557 = arith.constant dense<0.000000e+00> : vector<64x128xf32>
    %dot_general3A_558 = tpu.matmul %slice3A_554, %convert_element_type3A_11, %dot_general3A_557 {dimension_numbers = #tpu.dot_dimension_numbers<[0], [0], [1], [1], [0, 1, 1, 1], [], []>, transpose_lhs_hint = false} : vector<64x64xf32>, vector<64x128xf32>, vector<64x128xf32> -> vector<64x128xf32>
    %add3A_559 = arith.addf %dot_general3A_556, %dot_general3A_558 : vector<64x128xf32>
    %swap3A_560 = arith.constant 3 : index
    %swap3A_561 = arith.constant 0 : index
    %swap3A_562 = arith.constant 768 : index
    %swap3A_563 = vector.load %arg3[%swap3A_560, %swap3A_561, %swap3A_562] : memref<8x64x1024xf32, #tpu.memory_space<vmem>>, vector<1x64x128xf32>
    %swap3A_564 = vector.shape_cast %swap3A_563 : vector<1x64x128xf32> to vector<64x128xf32>
    %swap3A_565 = vector.shape_cast %add3A_559 : vector<64x128xf32> to vector<1x64x128xf32>
    tpu.vector_store %arg3[%swap3A_560, %swap3A_561, %swap3A_562], %swap3A_565 {strides = array<i32>} : memref<8x64x1024xf32, #tpu.memory_space<vmem>>, vector<1x64x128xf32>,
    %get3A_566 = arith.constant 3 : index
    %get3A_567 = arith.constant 448 : index
    %get3A_568 = arith.constant 0 : index
    %get3A_569 = vector.load %arg2[%get3A_566, %get3A_567, %get3A_568] : memref<8x512x128xf32, #tpu.memory_space<vmem>>, vector<1x64x128xf32>
    %get3A_570 = vector.shape_cast %get3A_569 : vector<1x64x128xf32> to vector<64x128xf32>
    %slice3A_571 = vector.extract_strided_slice %get3A_570 {offsets = [0, 0], sizes = [64, 64], strides = [1, 1]} : vector<64x128xf32> to vector<64x64xf32>
    %slice3A_572 = vector.extract_strided_slice %get3A_570 {offsets = [0, 64], sizes = [64, 64], strides = [1, 1]} : vector<64x128xf32> to vector<64x64xf32>
    %dot_general3A_573 = arith.constant dense<0.000000e+00> : vector<64x128xf32>
    %dot_general3A_574 = tpu.matmul %slice3A_571, %convert_element_type3A_3, %dot_general3A_573 {dimension_numbers = #tpu.dot_dimension_numbers<[0], [0], [1], [1], [0, 1, 1, 1], [], []>, transpose_lhs_hint = false} : vector<64x64xf32>, vector<64x128xf32>, vector<64x128xf32> -> vector<64x128xf32>
    %dot_general3A_575 = arith.constant dense<0.000000e+00> : vector<64x128xf32>
    %dot_general3A_576 = tpu.matmul %slice3A_572, %convert_element_type3A_11, %dot_general3A_575 {dimension_numbers = #tpu.dot_dimension_numbers<[0], [0], [1], [1], [0, 1, 1, 1], [], []>, transpose_lhs_hint = false} : vector<64x64xf32>, vector<64x128xf32>, vector<64x128xf32> -> vector<64x128xf32>
    %add3A_577 = arith.addf %dot_general3A_574, %dot_general3A_576 : vector<64x128xf32>
    %swap3A_578 = arith.constant 3 : index
    %swap3A_579 = arith.constant 0 : index
    %swap3A_580 = arith.constant 896 : index
    %swap3A_581 = vector.load %arg3[%swap3A_578, %swap3A_579, %swap3A_580] : memref<8x64x1024xf32, #tpu.memory_space<vmem>>, vector<1x64x128xf32>
    %swap3A_582 = vector.shape_cast %swap3A_581 : vector<1x64x128xf32> to vector<64x128xf32>
    %swap3A_583 = vector.shape_cast %add3A_577 : vector<64x128xf32> to vector<1x64x128xf32>
    tpu.vector_store %arg3[%swap3A_578, %swap3A_579, %swap3A_580], %swap3A_583 {strides = array<i32>} : memref<8x64x1024xf32, #tpu.memory_space<vmem>>, vector<1x64x128xf32>,
    %get3A_584 = arith.constant 4 : index
    %get3A_585 = arith.constant 0 : index
    %get3A_586 = arith.constant 0 : index
    %get3A_587 = vector.load %arg2[%get3A_584, %get3A_585, %get3A_586] : memref<8x512x128xf32, #tpu.memory_space<vmem>>, vector<1x64x128xf32>
    %get3A_588 = vector.shape_cast %get3A_587 : vector<1x64x128xf32> to vector<64x128xf32>
    %slice3A_589 = vector.extract_strided_slice %get3A_588 {offsets = [0, 0], sizes = [64, 64], strides = [1, 1]} : vector<64x128xf32> to vector<64x64xf32>
    %slice3A_590 = vector.extract_strided_slice %get3A_588 {offsets = [0, 64], sizes = [64, 64], strides = [1, 1]} : vector<64x128xf32> to vector<64x64xf32>
    %dot_general3A_591 = arith.constant dense<0.000000e+00> : vector<64x128xf32>
    %dot_general3A_592 = tpu.matmul %slice3A_589, %convert_element_type3A_3, %dot_general3A_591 {dimension_numbers = #tpu.dot_dimension_numbers<[0], [0], [1], [1], [0, 1, 1, 1], [], []>, transpose_lhs_hint = false} : vector<64x64xf32>, vector<64x128xf32>, vector<64x128xf32> -> vector<64x128xf32>
    %dot_general3A_593 = arith.constant dense<0.000000e+00> : vector<64x128xf32>
    %dot_general3A_594 = tpu.matmul %slice3A_590, %convert_element_type3A_11, %dot_general3A_593 {dimension_numbers = #tpu.dot_dimension_numbers<[0], [0], [1], [1], [0, 1, 1, 1], [], []>, transpose_lhs_hint = false} : vector<64x64xf32>, vector<64x128xf32>, vector<64x128xf32> -> vector<64x128xf32>
    %add3A_595 = arith.addf %dot_general3A_592, %dot_general3A_594 : vector<64x128xf32>
    %swap3A_596 = arith.constant 4 : index
    %swap3A_597 = arith.constant 0 : index
    %swap3A_598 = arith.constant 0 : index
    %swap3A_599 = vector.load %arg3[%swap3A_596, %swap3A_597, %swap3A_598] : memref<8x64x1024xf32, #tpu.memory_space<vmem>>, vector<1x64x128xf32>
    %swap3A_600 = vector.shape_cast %swap3A_599 : vector<1x64x128xf32> to vector<64x128xf32>
    %swap3A_601 = vector.shape_cast %add3A_595 : vector<64x128xf32> to vector<1x64x128xf32>
    tpu.vector_store %arg3[%swap3A_596, %swap3A_597, %swap3A_598], %swap3A_601 {strides = array<i32>} : memref<8x64x1024xf32, #tpu.memory_space<vmem>>, vector<1x64x128xf32>,
    %get3A_602 = arith.constant 4 : index
    %get3A_603 = arith.constant 64 : index
    %get3A_604 = arith.constant 0 : index
    %get3A_605 = vector.load %arg2[%get3A_602, %get3A_603, %get3A_604] : memref<8x512x128xf32, #tpu.memory_space<vmem>>, vector<1x64x128xf32>
    %get3A_606 = vector.shape_cast %get3A_605 : vector<1x64x128xf32> to vector<64x128xf32>
    %slice3A_607 = vector.extract_strided_slice %get3A_606 {offsets = [0, 0], sizes = [64, 64], strides = [1, 1]} : vector<64x128xf32> to vector<64x64xf32>
    %slice3A_608 = vector.extract_strided_slice %get3A_606 {offsets = [0, 64], sizes = [64, 64], strides = [1, 1]} : vector<64x128xf32> to vector<64x64xf32>
    %dot_general3A_609 = arith.constant dense<0.000000e+00> : vector<64x128xf32>
    %dot_general3A_610 = tpu.matmul %slice3A_607, %convert_element_type3A_3, %dot_general3A_609 {dimension_numbers = #tpu.dot_dimension_numbers<[0], [0], [1], [1], [0, 1, 1, 1], [], []>, transpose_lhs_hint = false} : vector<64x64xf32>, vector<64x128xf32>, vector<64x128xf32> -> vector<64x128xf32>
    %dot_general3A_611 = arith.constant dense<0.000000e+00> : vector<64x128xf32>
    %dot_general3A_612 = tpu.matmul %slice3A_608, %convert_element_type3A_11, %dot_general3A_611 {dimension_numbers = #tpu.dot_dimension_numbers<[0], [0], [1], [1], [0, 1, 1, 1], [], []>, transpose_lhs_hint = false} : vector<64x64xf32>, vector<64x128xf32>, vector<64x128xf32> -> vector<64x128xf32>
    %add3A_613 = arith.addf %dot_general3A_610, %dot_general3A_612 : vector<64x128xf32>
    %swap3A_614 = arith.constant 4 : index
    %swap3A_615 = arith.constant 0 : index
    %swap3A_616 = arith.constant 128 : index
    %swap3A_617 = vector.load %arg3[%swap3A_614, %swap3A_615, %swap3A_616] : memref<8x64x1024xf32, #tpu.memory_space<vmem>>, vector<1x64x128xf32>
    %swap3A_618 = vector.shape_cast %swap3A_617 : vector<1x64x128xf32> to vector<64x128xf32>
    %swap3A_619 = vector.shape_cast %add3A_613 : vector<64x128xf32> to vector<1x64x128xf32>
    tpu.vector_store %arg3[%swap3A_614, %swap3A_615, %swap3A_616], %swap3A_619 {strides = array<i32>} : memref<8x64x1024xf32, #tpu.memory_space<vmem>>, vector<1x64x128xf32>,
    %get3A_620 = arith.constant 4 : index
    %get3A_621 = arith.constant 128 : index
    %get3A_622 = arith.constant 0 : index
    %get3A_623 = vector.load %arg2[%get3A_620, %get3A_621, %get3A_622] : memref<8x512x128xf32, #tpu.memory_space<vmem>>, vector<1x64x128xf32>
    %get3A_624 = vector.shape_cast %get3A_623 : vector<1x64x128xf32> to vector<64x128xf32>
    %slice3A_625 = vector.extract_strided_slice %get3A_624 {offsets = [0, 0], sizes = [64, 64], strides = [1, 1]} : vector<64x128xf32> to vector<64x64xf32>
    %slice3A_626 = vector.extract_strided_slice %get3A_624 {offsets = [0, 64], sizes = [64, 64], strides = [1, 1]} : vector<64x128xf32> to vector<64x64xf32>
    %dot_general3A_627 = arith.constant dense<0.000000e+00> : vector<64x128xf32>
    %dot_general3A_628 = tpu.matmul %slice3A_625, %convert_element_type3A_3, %dot_general3A_627 {dimension_numbers = #tpu.dot_dimension_numbers<[0], [0], [1], [1], [0, 1, 1, 1], [], []>, transpose_lhs_hint = false} : vector<64x64xf32>, vector<64x128xf32>, vector<64x128xf32> -> vector<64x128xf32>
    %dot_general3A_629 = arith.constant dense<0.000000e+00> : vector<64x128xf32>
    %dot_general3A_630 = tpu.matmul %slice3A_626, %convert_element_type3A_11, %dot_general3A_629 {dimension_numbers = #tpu.dot_dimension_numbers<[0], [0], [1], [1], [0, 1, 1, 1], [], []>, transpose_lhs_hint = false} : vector<64x64xf32>, vector<64x128xf32>, vector<64x128xf32> -> vector<64x128xf32>
    %add3A_631 = arith.addf %dot_general3A_628, %dot_general3A_630 : vector<64x128xf32>
    %swap3A_632 = arith.constant 4 : index
    %swap3A_633 = arith.constant 0 : index
    %swap3A_634 = arith.constant 256 : index
    %swap3A_635 = vector.load %arg3[%swap3A_632, %swap3A_633, %swap3A_634] : memref<8x64x1024xf32, #tpu.memory_space<vmem>>, vector<1x64x128xf32>
    %swap3A_636 = vector.shape_cast %swap3A_635 : vector<1x64x128xf32> to vector<64x128xf32>
    %swap3A_637 = vector.shape_cast %add3A_631 : vector<64x128xf32> to vector<1x64x128xf32>
    tpu.vector_store %arg3[%swap3A_632, %swap3A_633, %swap3A_634], %swap3A_637 {strides = array<i32>} : memref<8x64x1024xf32, #tpu.memory_space<vmem>>, vector<1x64x128xf32>,
    %get3A_638 = arith.constant 4 : index
    %get3A_639 = arith.constant 192 : index
    %get3A_640 = arith.constant 0 : index
    %get3A_641 = vector.load %arg2[%get3A_638, %get3A_639, %get3A_640] : memref<8x512x128xf32, #tpu.memory_space<vmem>>, vector<1x64x128xf32>
    %get3A_642 = vector.shape_cast %get3A_641 : vector<1x64x128xf32> to vector<64x128xf32>
    %slice3A_643 = vector.extract_strided_slice %get3A_642 {offsets = [0, 0], sizes = [64, 64], strides = [1, 1]} : vector<64x128xf32> to vector<64x64xf32>
    %slice3A_644 = vector.extract_strided_slice %get3A_642 {offsets = [0, 64], sizes = [64, 64], strides = [1, 1]} : vector<64x128xf32> to vector<64x64xf32>
    %dot_general3A_645 = arith.constant dense<0.000000e+00> : vector<64x128xf32>
    %dot_general3A_646 = tpu.matmul %slice3A_643, %convert_element_type3A_3, %dot_general3A_645 {dimension_numbers = #tpu.dot_dimension_numbers<[0], [0], [1], [1], [0, 1, 1, 1], [], []>, transpose_lhs_hint = false} : vector<64x64xf32>, vector<64x128xf32>, vector<64x128xf32> -> vector<64x128xf32>
    %dot_general3A_647 = arith.constant dense<0.000000e+00> : vector<64x128xf32>
    %dot_general3A_648 = tpu.matmul %slice3A_644, %convert_element_type3A_11, %dot_general3A_647 {dimension_numbers = #tpu.dot_dimension_numbers<[0], [0], [1], [1], [0, 1, 1, 1], [], []>, transpose_lhs_hint = false} : vector<64x64xf32>, vector<64x128xf32>, vector<64x128xf32> -> vector<64x128xf32>
    %add3A_649 = arith.addf %dot_general3A_646, %dot_general3A_648 : vector<64x128xf32>
    %swap3A_650 = arith.constant 4 : index
    %swap3A_651 = arith.constant 0 : index
    %swap3A_652 = arith.constant 384 : index
    %swap3A_653 = vector.load %arg3[%swap3A_650, %swap3A_651, %swap3A_652] : memref<8x64x1024xf32, #tpu.memory_space<vmem>>, vector<1x64x128xf32>
    %swap3A_654 = vector.shape_cast %swap3A_653 : vector<1x64x128xf32> to vector<64x128xf32>
    %swap3A_655 = vector.shape_cast %add3A_649 : vector<64x128xf32> to vector<1x64x128xf32>
    tpu.vector_store %arg3[%swap3A_650, %swap3A_651, %swap3A_652], %swap3A_655 {strides = array<i32>} : memref<8x64x1024xf32, #tpu.memory_space<vmem>>, vector<1x64x128xf32>,
    %get3A_656 = arith.constant 4 : index
    %get3A_657 = arith.constant 256 : index
    %get3A_658 = arith.constant 0 : index
    %get3A_659 = vector.load %arg2[%get3A_656, %get3A_657, %get3A_658] : memref<8x512x128xf32, #tpu.memory_space<vmem>>, vector<1x64x128xf32>
    %get3A_660 = vector.shape_cast %get3A_659 : vector<1x64x128xf32> to vector<64x128xf32>
    %slice3A_661 = vector.extract_strided_slice %get3A_660 {offsets = [0, 0], sizes = [64, 64], strides = [1, 1]} : vector<64x128xf32> to vector<64x64xf32>
    %slice3A_662 = vector.extract_strided_slice %get3A_660 {offsets = [0, 64], sizes = [64, 64], strides = [1, 1]} : vector<64x128xf32> to vector<64x64xf32>
    %dot_general3A_663 = arith.constant dense<0.000000e+00> : vector<64x128xf32>
    %dot_general3A_664 = tpu.matmul %slice3A_661, %convert_element_type3A_3, %dot_general3A_663 {dimension_numbers = #tpu.dot_dimension_numbers<[0], [0], [1], [1], [0, 1, 1, 1], [], []>, transpose_lhs_hint = false} : vector<64x64xf32>, vector<64x128xf32>, vector<64x128xf32> -> vector<64x128xf32>
    %dot_general3A_665 = arith.constant dense<0.000000e+00> : vector<64x128xf32>
    %dot_general3A_666 = tpu.matmul %slice3A_662, %convert_element_type3A_11, %dot_general3A_665 {dimension_numbers = #tpu.dot_dimension_numbers<[0], [0], [1], [1], [0, 1, 1, 1], [], []>, transpose_lhs_hint = false} : vector<64x64xf32>, vector<64x128xf32>, vector<64x128xf32> -> vector<64x128xf32>
    %add3A_667 = arith.addf %dot_general3A_664, %dot_general3A_666 : vector<64x128xf32>
    %swap3A_668 = arith.constant 4 : index
    %swap3A_669 = arith.constant 0 : index
    %swap3A_670 = arith.constant 512 : index
    %swap3A_671 = vector.load %arg3[%swap3A_668, %swap3A_669, %swap3A_670] : memref<8x64x1024xf32, #tpu.memory_space<vmem>>, vector<1x64x128xf32>
    %swap3A_672 = vector.shape_cast %swap3A_671 : vector<1x64x128xf32> to vector<64x128xf32>
    %swap3A_673 = vector.shape_cast %add3A_667 : vector<64x128xf32> to vector<1x64x128xf32>
    tpu.vector_store %arg3[%swap3A_668, %swap3A_669, %swap3A_670], %swap3A_673 {strides = array<i32>} : memref<8x64x1024xf32, #tpu.memory_space<vmem>>, vector<1x64x128xf32>,
    %get3A_674 = arith.constant 4 : index
    %get3A_675 = arith.constant 320 : index
    %get3A_676 = arith.constant 0 : index
    %get3A_677 = vector.load %arg2[%get3A_674, %get3A_675, %get3A_676] : memref<8x512x128xf32, #tpu.memory_space<vmem>>, vector<1x64x128xf32>
    %get3A_678 = vector.shape_cast %get3A_677 : vector<1x64x128xf32> to vector<64x128xf32>
    %slice3A_679 = vector.extract_strided_slice %get3A_678 {offsets = [0, 0], sizes = [64, 64], strides = [1, 1]} : vector<64x128xf32> to vector<64x64xf32>
    %slice3A_680 = vector.extract_strided_slice %get3A_678 {offsets = [0, 64], sizes = [64, 64], strides = [1, 1]} : vector<64x128xf32> to vector<64x64xf32>
    %dot_general3A_681 = arith.constant dense<0.000000e+00> : vector<64x128xf32>
    %dot_general3A_682 = tpu.matmul %slice3A_679, %convert_element_type3A_3, %dot_general3A_681 {dimension_numbers = #tpu.dot_dimension_numbers<[0], [0], [1], [1], [0, 1, 1, 1], [], []>, transpose_lhs_hint = false} : vector<64x64xf32>, vector<64x128xf32>, vector<64x128xf32> -> vector<64x128xf32>
    %dot_general3A_683 = arith.constant dense<0.000000e+00> : vector<64x128xf32>
    %dot_general3A_684 = tpu.matmul %slice3A_680, %convert_element_type3A_11, %dot_general3A_683 {dimension_numbers = #tpu.dot_dimension_numbers<[0], [0], [1], [1], [0, 1, 1, 1], [], []>, transpose_lhs_hint = false} : vector<64x64xf32>, vector<64x128xf32>, vector<64x128xf32> -> vector<64x128xf32>
    %add3A_685 = arith.addf %dot_general3A_682, %dot_general3A_684 : vector<64x128xf32>
    %swap3A_686 = arith.constant 4 : index
    %swap3A_687 = arith.constant 0 : index
    %swap3A_688 = arith.constant 640 : index
    %swap3A_689 = vector.load %arg3[%swap3A_686, %swap3A_687, %swap3A_688] : memref<8x64x1024xf32, #tpu.memory_space<vmem>>, vector<1x64x128xf32>
    %swap3A_690 = vector.shape_cast %swap3A_689 : vector<1x64x128xf32> to vector<64x128xf32>
    %swap3A_691 = vector.shape_cast %add3A_685 : vector<64x128xf32> to vector<1x64x128xf32>
    tpu.vector_store %arg3[%swap3A_686, %swap3A_687, %swap3A_688], %swap3A_691 {strides = array<i32>} : memref<8x64x1024xf32, #tpu.memory_space<vmem>>, vector<1x64x128xf32>,
    %get3A_692 = arith.constant 4 : index
    %get3A_693 = arith.constant 384 : index
    %get3A_694 = arith.constant 0 : index
    %get3A_695 = vector.load %arg2[%get3A_692, %get3A_693, %get3A_694] : memref<8x512x128xf32, #tpu.memory_space<vmem>>, vector<1x64x128xf32>
    %get3A_696 = vector.shape_cast %get3A_695 : vector<1x64x128xf32> to vector<64x128xf32>
    %slice3A_697 = vector.extract_strided_slice %get3A_696 {offsets = [0, 0], sizes = [64, 64], strides = [1, 1]} : vector<64x128xf32> to vector<64x64xf32>
    %slice3A_698 = vector.extract_strided_slice %get3A_696 {offsets = [0, 64], sizes = [64, 64], strides = [1, 1]} : vector<64x128xf32> to vector<64x64xf32>
    %dot_general3A_699 = arith.constant dense<0.000000e+00> : vector<64x128xf32>
    %dot_general3A_700 = tpu.matmul %slice3A_697, %convert_element_type3A_3, %dot_general3A_699 {dimension_numbers = #tpu.dot_dimension_numbers<[0], [0], [1], [1], [0, 1, 1, 1], [], []>, transpose_lhs_hint = false} : vector<64x64xf32>, vector<64x128xf32>, vector<64x128xf32> -> vector<64x128xf32>
    %dot_general3A_701 = arith.constant dense<0.000000e+00> : vector<64x128xf32>
    %dot_general3A_702 = tpu.matmul %slice3A_698, %convert_element_type3A_11, %dot_general3A_701 {dimension_numbers = #tpu.dot_dimension_numbers<[0], [0], [1], [1], [0, 1, 1, 1], [], []>, transpose_lhs_hint = false} : vector<64x64xf32>, vector<64x128xf32>, vector<64x128xf32> -> vector<64x128xf32>
    %add3A_703 = arith.addf %dot_general3A_700, %dot_general3A_702 : vector<64x128xf32>
    %swap3A_704 = arith.constant 4 : index
    %swap3A_705 = arith.constant 0 : index
    %swap3A_706 = arith.constant 768 : index
    %swap3A_707 = vector.load %arg3[%swap3A_704, %swap3A_705, %swap3A_706] : memref<8x64x1024xf32, #tpu.memory_space<vmem>>, vector<1x64x128xf32>
    %swap3A_708 = vector.shape_cast %swap3A_707 : vector<1x64x128xf32> to vector<64x128xf32>
    %swap3A_709 = vector.shape_cast %add3A_703 : vector<64x128xf32> to vector<1x64x128xf32>
    tpu.vector_store %arg3[%swap3A_704, %swap3A_705, %swap3A_706], %swap3A_709 {strides = array<i32>} : memref<8x64x1024xf32, #tpu.memory_space<vmem>>, vector<1x64x128xf32>,
    %get3A_710 = arith.constant 4 : index
    %get3A_711 = arith.constant 448 : index
    %get3A_712 = arith.constant 0 : index
    %get3A_713 = vector.load %arg2[%get3A_710, %get3A_711, %get3A_712] : memref<8x512x128xf32, #tpu.memory_space<vmem>>, vector<1x64x128xf32>
    %get3A_714 = vector.shape_cast %get3A_713 : vector<1x64x128xf32> to vector<64x128xf32>
    %slice3A_715 = vector.extract_strided_slice %get3A_714 {offsets = [0, 0], sizes = [64, 64], strides = [1, 1]} : vector<64x128xf32> to vector<64x64xf32>
    %slice3A_716 = vector.extract_strided_slice %get3A_714 {offsets = [0, 64], sizes = [64, 64], strides = [1, 1]} : vector<64x128xf32> to vector<64x64xf32>
    %dot_general3A_717 = arith.constant dense<0.000000e+00> : vector<64x128xf32>
    %dot_general3A_718 = tpu.matmul %slice3A_715, %convert_element_type3A_3, %dot_general3A_717 {dimension_numbers = #tpu.dot_dimension_numbers<[0], [0], [1], [1], [0, 1, 1, 1], [], []>, transpose_lhs_hint = false} : vector<64x64xf32>, vector<64x128xf32>, vector<64x128xf32> -> vector<64x128xf32>
    %dot_general3A_719 = arith.constant dense<0.000000e+00> : vector<64x128xf32>
    %dot_general3A_720 = tpu.matmul %slice3A_716, %convert_element_type3A_11, %dot_general3A_719 {dimension_numbers = #tpu.dot_dimension_numbers<[0], [0], [1], [1], [0, 1, 1, 1], [], []>, transpose_lhs_hint = false} : vector<64x64xf32>, vector<64x128xf32>, vector<64x128xf32> -> vector<64x128xf32>
    %add3A_721 = arith.addf %dot_general3A_718, %dot_general3A_720 : vector<64x128xf32>
    %swap3A_722 = arith.constant 4 : index
    %swap3A_723 = arith.constant 0 : index
    %swap3A_724 = arith.constant 896 : index
    %swap3A_725 = vector.load %arg3[%swap3A_722, %swap3A_723, %swap3A_724] : memref<8x64x1024xf32, #tpu.memory_space<vmem>>, vector<1x64x128xf32>
    %swap3A_726 = vector.shape_cast %swap3A_725 : vector<1x64x128xf32> to vector<64x128xf32>
    %swap3A_727 = vector.shape_cast %add3A_721 : vector<64x128xf32> to vector<1x64x128xf32>
    tpu.vector_store %arg3[%swap3A_722, %swap3A_723, %swap3A_724], %swap3A_727 {strides = array<i32>} : memref<8x64x1024xf32, #tpu.memory_space<vmem>>, vector<1x64x128xf32>,
    %get3A_728 = arith.constant 5 : index
    %get3A_729 = arith.constant 0 : index
    %get3A_730 = arith.constant 0 : index
    %get3A_731 = vector.load %arg2[%get3A_728, %get3A_729, %get3A_730] : memref<8x512x128xf32, #tpu.memory_space<vmem>>, vector<1x64x128xf32>
    %get3A_732 = vector.shape_cast %get3A_731 : vector<1x64x128xf32> to vector<64x128xf32>
    %slice3A_733 = vector.extract_strided_slice %get3A_732 {offsets = [0, 0], sizes = [64, 64], strides = [1, 1]} : vector<64x128xf32> to vector<64x64xf32>
    %slice3A_734 = vector.extract_strided_slice %get3A_732 {offsets = [0, 64], sizes = [64, 64], strides = [1, 1]} : vector<64x128xf32> to vector<64x64xf32>
    %dot_general3A_735 = arith.constant dense<0.000000e+00> : vector<64x128xf32>
    %dot_general3A_736 = tpu.matmul %slice3A_733, %convert_element_type3A_3, %dot_general3A_735 {dimension_numbers = #tpu.dot_dimension_numbers<[0], [0], [1], [1], [0, 1, 1, 1], [], []>, transpose_lhs_hint = false} : vector<64x64xf32>, vector<64x128xf32>, vector<64x128xf32> -> vector<64x128xf32>
    %dot_general3A_737 = arith.constant dense<0.000000e+00> : vector<64x128xf32>
    %dot_general3A_738 = tpu.matmul %slice3A_734, %convert_element_type3A_11, %dot_general3A_737 {dimension_numbers = #tpu.dot_dimension_numbers<[0], [0], [1], [1], [0, 1, 1, 1], [], []>, transpose_lhs_hint = false} : vector<64x64xf32>, vector<64x128xf32>, vector<64x128xf32> -> vector<64x128xf32>
    %add3A_739 = arith.addf %dot_general3A_736, %dot_general3A_738 : vector<64x128xf32>
    %swap3A_740 = arith.constant 5 : index
    %swap3A_741 = arith.constant 0 : index
    %swap3A_742 = arith.constant 0 : index
    %swap3A_743 = vector.load %arg3[%swap3A_740, %swap3A_741, %swap3A_742] : memref<8x64x1024xf32, #tpu.memory_space<vmem>>, vector<1x64x128xf32>
    %swap3A_744 = vector.shape_cast %swap3A_743 : vector<1x64x128xf32> to vector<64x128xf32>
    %swap3A_745 = vector.shape_cast %add3A_739 : vector<64x128xf32> to vector<1x64x128xf32>
    tpu.vector_store %arg3[%swap3A_740, %swap3A_741, %swap3A_742], %swap3A_745 {strides = array<i32>} : memref<8x64x1024xf32, #tpu.memory_space<vmem>>, vector<1x64x128xf32>,
    %get3A_746 = arith.constant 5 : index
    %get3A_747 = arith.constant 64 : index
    %get3A_748 = arith.constant 0 : index
    %get3A_749 = vector.load %arg2[%get3A_746, %get3A_747, %get3A_748] : memref<8x512x128xf32, #tpu.memory_space<vmem>>, vector<1x64x128xf32>
    %get3A_750 = vector.shape_cast %get3A_749 : vector<1x64x128xf32> to vector<64x128xf32>
    %slice3A_751 = vector.extract_strided_slice %get3A_750 {offsets = [0, 0], sizes = [64, 64], strides = [1, 1]} : vector<64x128xf32> to vector<64x64xf32>
    %slice3A_752 = vector.extract_strided_slice %get3A_750 {offsets = [0, 64], sizes = [64, 64], strides = [1, 1]} : vector<64x128xf32> to vector<64x64xf32>
    %dot_general3A_753 = arith.constant dense<0.000000e+00> : vector<64x128xf32>
    %dot_general3A_754 = tpu.matmul %slice3A_751, %convert_element_type3A_3, %dot_general3A_753 {dimension_numbers = #tpu.dot_dimension_numbers<[0], [0], [1], [1], [0, 1, 1, 1], [], []>, transpose_lhs_hint = false} : vector<64x64xf32>, vector<64x128xf32>, vector<64x128xf32> -> vector<64x128xf32>
    %dot_general3A_755 = arith.constant dense<0.000000e+00> : vector<64x128xf32>
    %dot_general3A_756 = tpu.matmul %slice3A_752, %convert_element_type3A_11, %dot_general3A_755 {dimension_numbers = #tpu.dot_dimension_numbers<[0], [0], [1], [1], [0, 1, 1, 1], [], []>, transpose_lhs_hint = false} : vector<64x64xf32>, vector<64x128xf32>, vector<64x128xf32> -> vector<64x128xf32>
    %add3A_757 = arith.addf %dot_general3A_754, %dot_general3A_756 : vector<64x128xf32>
    %swap3A_758 = arith.constant 5 : index
    %swap3A_759 = arith.constant 0 : index
    %swap3A_760 = arith.constant 128 : index
    %swap3A_761 = vector.load %arg3[%swap3A_758, %swap3A_759, %swap3A_760] : memref<8x64x1024xf32, #tpu.memory_space<vmem>>, vector<1x64x128xf32>
    %swap3A_762 = vector.shape_cast %swap3A_761 : vector<1x64x128xf32> to vector<64x128xf32>
    %swap3A_763 = vector.shape_cast %add3A_757 : vector<64x128xf32> to vector<1x64x128xf32>
    tpu.vector_store %arg3[%swap3A_758, %swap3A_759, %swap3A_760], %swap3A_763 {strides = array<i32>} : memref<8x64x1024xf32, #tpu.memory_space<vmem>>, vector<1x64x128xf32>,
    %get3A_764 = arith.constant 5 : index
    %get3A_765 = arith.constant 128 : index
    %get3A_766 = arith.constant 0 : index
    %get3A_767 = vector.load %arg2[%get3A_764, %get3A_765, %get3A_766] : memref<8x512x128xf32, #tpu.memory_space<vmem>>, vector<1x64x128xf32>
    %get3A_768 = vector.shape_cast %get3A_767 : vector<1x64x128xf32> to vector<64x128xf32>
    %slice3A_769 = vector.extract_strided_slice %get3A_768 {offsets = [0, 0], sizes = [64, 64], strides = [1, 1]} : vector<64x128xf32> to vector<64x64xf32>
    %slice3A_770 = vector.extract_strided_slice %get3A_768 {offsets = [0, 64], sizes = [64, 64], strides = [1, 1]} : vector<64x128xf32> to vector<64x64xf32>
    %dot_general3A_771 = arith.constant dense<0.000000e+00> : vector<64x128xf32>
    %dot_general3A_772 = tpu.matmul %slice3A_769, %convert_element_type3A_3, %dot_general3A_771 {dimension_numbers = #tpu.dot_dimension_numbers<[0], [0], [1], [1], [0, 1, 1, 1], [], []>, transpose_lhs_hint = false} : vector<64x64xf32>, vector<64x128xf32>, vector<64x128xf32> -> vector<64x128xf32>
    %dot_general3A_773 = arith.constant dense<0.000000e+00> : vector<64x128xf32>
    %dot_general3A_774 = tpu.matmul %slice3A_770, %convert_element_type3A_11, %dot_general3A_773 {dimension_numbers = #tpu.dot_dimension_numbers<[0], [0], [1], [1], [0, 1, 1, 1], [], []>, transpose_lhs_hint = false} : vector<64x64xf32>, vector<64x128xf32>, vector<64x128xf32> -> vector<64x128xf32>
    %add3A_775 = arith.addf %dot_general3A_772, %dot_general3A_774 : vector<64x128xf32>
    %swap3A_776 = arith.constant 5 : index
    %swap3A_777 = arith.constant 0 : index
    %swap3A_778 = arith.constant 256 : index
    %swap3A_779 = vector.load %arg3[%swap3A_776, %swap3A_777, %swap3A_778] : memref<8x64x1024xf32, #tpu.memory_space<vmem>>, vector<1x64x128xf32>
    %swap3A_780 = vector.shape_cast %swap3A_779 : vector<1x64x128xf32> to vector<64x128xf32>
    %swap3A_781 = vector.shape_cast %add3A_775 : vector<64x128xf32> to vector<1x64x128xf32>
    tpu.vector_store %arg3[%swap3A_776, %swap3A_777, %swap3A_778], %swap3A_781 {strides = array<i32>} : memref<8x64x1024xf32, #tpu.memory_space<vmem>>, vector<1x64x128xf32>,
    %get3A_782 = arith.constant 5 : index
    %get3A_783 = arith.constant 192 : index
    %get3A_784 = arith.constant 0 : index
    %get3A_785 = vector.load %arg2[%get3A_782, %get3A_783, %get3A_784] : memref<8x512x128xf32, #tpu.memory_space<vmem>>, vector<1x64x128xf32>
    %get3A_786 = vector.shape_cast %get3A_785 : vector<1x64x128xf32> to vector<64x128xf32>
    %slice3A_787 = vector.extract_strided_slice %get3A_786 {offsets = [0, 0], sizes = [64, 64], strides = [1, 1]} : vector<64x128xf32> to vector<64x64xf32>
    %slice3A_788 = vector.extract_strided_slice %get3A_786 {offsets = [0, 64], sizes = [64, 64], strides = [1, 1]} : vector<64x128xf32> to vector<64x64xf32>
    %dot_general3A_789 = arith.constant dense<0.000000e+00> : vector<64x128xf32>
    %dot_general3A_790 = tpu.matmul %slice3A_787, %convert_element_type3A_3, %dot_general3A_789 {dimension_numbers = #tpu.dot_dimension_numbers<[0], [0], [1], [1], [0, 1, 1, 1], [], []>, transpose_lhs_hint = false} : vector<64x64xf32>, vector<64x128xf32>, vector<64x128xf32> -> vector<64x128xf32>
    %dot_general3A_791 = arith.constant dense<0.000000e+00> : vector<64x128xf32>
    %dot_general3A_792 = tpu.matmul %slice3A_788, %convert_element_type3A_11, %dot_general3A_791 {dimension_numbers = #tpu.dot_dimension_numbers<[0], [0], [1], [1], [0, 1, 1, 1], [], []>, transpose_lhs_hint = false} : vector<64x64xf32>, vector<64x128xf32>, vector<64x128xf32> -> vector<64x128xf32>
    %add3A_793 = arith.addf %dot_general3A_790, %dot_general3A_792 : vector<64x128xf32>
    %swap3A_794 = arith.constant 5 : index
    %swap3A_795 = arith.constant 0 : index
    %swap3A_796 = arith.constant 384 : index
    %swap3A_797 = vector.load %arg3[%swap3A_794, %swap3A_795, %swap3A_796] : memref<8x64x1024xf32, #tpu.memory_space<vmem>>, vector<1x64x128xf32>
    %swap3A_798 = vector.shape_cast %swap3A_797 : vector<1x64x128xf32> to vector<64x128xf32>
    %swap3A_799 = vector.shape_cast %add3A_793 : vector<64x128xf32> to vector<1x64x128xf32>
    tpu.vector_store %arg3[%swap3A_794, %swap3A_795, %swap3A_796], %swap3A_799 {strides = array<i32>} : memref<8x64x1024xf32, #tpu.memory_space<vmem>>, vector<1x64x128xf32>,
    %get3A_800 = arith.constant 5 : index
    %get3A_801 = arith.constant 256 : index
    %get3A_802 = arith.constant 0 : index
    %get3A_803 = vector.load %arg2[%get3A_800, %get3A_801, %get3A_802] : memref<8x512x128xf32, #tpu.memory_space<vmem>>, vector<1x64x128xf32>
    %get3A_804 = vector.shape_cast %get3A_803 : vector<1x64x128xf32> to vector<64x128xf32>
    %slice3A_805 = vector.extract_strided_slice %get3A_804 {offsets = [0, 0], sizes = [64, 64], strides = [1, 1]} : vector<64x128xf32> to vector<64x64xf32>
    %slice3A_806 = vector.extract_strided_slice %get3A_804 {offsets = [0, 64], sizes = [64, 64], strides = [1, 1]} : vector<64x128xf32> to vector<64x64xf32>
    %dot_general3A_807 = arith.constant dense<0.000000e+00> : vector<64x128xf32>
    %dot_general3A_808 = tpu.matmul %slice3A_805, %convert_element_type3A_3, %dot_general3A_807 {dimension_numbers = #tpu.dot_dimension_numbers<[0], [0], [1], [1], [0, 1, 1, 1], [], []>, transpose_lhs_hint = false} : vector<64x64xf32>, vector<64x128xf32>, vector<64x128xf32> -> vector<64x128xf32>
    %dot_general3A_809 = arith.constant dense<0.000000e+00> : vector<64x128xf32>
    %dot_general3A_810 = tpu.matmul %slice3A_806, %convert_element_type3A_11, %dot_general3A_809 {dimension_numbers = #tpu.dot_dimension_numbers<[0], [0], [1], [1], [0, 1, 1, 1], [], []>, transpose_lhs_hint = false} : vector<64x64xf32>, vector<64x128xf32>, vector<64x128xf32> -> vector<64x128xf32>
    %add3A_811 = arith.addf %dot_general3A_808, %dot_general3A_810 : vector<64x128xf32>
    %swap3A_812 = arith.constant 5 : index
    %swap3A_813 = arith.constant 0 : index
    %swap3A_814 = arith.constant 512 : index
    %swap3A_815 = vector.load %arg3[%swap3A_812, %swap3A_813, %swap3A_814] : memref<8x64x1024xf32, #tpu.memory_space<vmem>>, vector<1x64x128xf32>
    %swap3A_816 = vector.shape_cast %swap3A_815 : vector<1x64x128xf32> to vector<64x128xf32>
    %swap3A_817 = vector.shape_cast %add3A_811 : vector<64x128xf32> to vector<1x64x128xf32>
    tpu.vector_store %arg3[%swap3A_812, %swap3A_813, %swap3A_814], %swap3A_817 {strides = array<i32>} : memref<8x64x1024xf32, #tpu.memory_space<vmem>>, vector<1x64x128xf32>,
    %get3A_818 = arith.constant 5 : index
    %get3A_819 = arith.constant 320 : index
    %get3A_820 = arith.constant 0 : index
    %get3A_821 = vector.load %arg2[%get3A_818, %get3A_819, %get3A_820] : memref<8x512x128xf32, #tpu.memory_space<vmem>>, vector<1x64x128xf32>
    %get3A_822 = vector.shape_cast %get3A_821 : vector<1x64x128xf32> to vector<64x128xf32>
    %slice3A_823 = vector.extract_strided_slice %get3A_822 {offsets = [0, 0], sizes = [64, 64], strides = [1, 1]} : vector<64x128xf32> to vector<64x64xf32>
    %slice3A_824 = vector.extract_strided_slice %get3A_822 {offsets = [0, 64], sizes = [64, 64], strides = [1, 1]} : vector<64x128xf32> to vector<64x64xf32>
    %dot_general3A_825 = arith.constant dense<0.000000e+00> : vector<64x128xf32>
    %dot_general3A_826 = tpu.matmul %slice3A_823, %convert_element_type3A_3, %dot_general3A_825 {dimension_numbers = #tpu.dot_dimension_numbers<[0], [0], [1], [1], [0, 1, 1, 1], [], []>, transpose_lhs_hint = false} : vector<64x64xf32>, vector<64x128xf32>, vector<64x128xf32> -> vector<64x128xf32>
    %dot_general3A_827 = arith.constant dense<0.000000e+00> : vector<64x128xf32>
    %dot_general3A_828 = tpu.matmul %slice3A_824, %convert_element_type3A_11, %dot_general3A_827 {dimension_numbers = #tpu.dot_dimension_numbers<[0], [0], [1], [1], [0, 1, 1, 1], [], []>, transpose_lhs_hint = false} : vector<64x64xf32>, vector<64x128xf32>, vector<64x128xf32> -> vector<64x128xf32>
    %add3A_829 = arith.addf %dot_general3A_826, %dot_general3A_828 : vector<64x128xf32>
    %swap3A_830 = arith.constant 5 : index
    %swap3A_831 = arith.constant 0 : index
    %swap3A_832 = arith.constant 640 : index
    %swap3A_833 = vector.load %arg3[%swap3A_830, %swap3A_831, %swap3A_832] : memref<8x64x1024xf32, #tpu.memory_space<vmem>>, vector<1x64x128xf32>
    %swap3A_834 = vector.shape_cast %swap3A_833 : vector<1x64x128xf32> to vector<64x128xf32>
    %swap3A_835 = vector.shape_cast %add3A_829 : vector<64x128xf32> to vector<1x64x128xf32>
    tpu.vector_store %arg3[%swap3A_830, %swap3A_831, %swap3A_832], %swap3A_835 {strides = array<i32>} : memref<8x64x1024xf32, #tpu.memory_space<vmem>>, vector<1x64x128xf32>,
    %get3A_836 = arith.constant 5 : index
    %get3A_837 = arith.constant 384 : index
    %get3A_838 = arith.constant 0 : index
    %get3A_839 = vector.load %arg2[%get3A_836, %get3A_837, %get3A_838] : memref<8x512x128xf32, #tpu.memory_space<vmem>>, vector<1x64x128xf32>
    %get3A_840 = vector.shape_cast %get3A_839 : vector<1x64x128xf32> to vector<64x128xf32>
    %slice3A_841 = vector.extract_strided_slice %get3A_840 {offsets = [0, 0], sizes = [64, 64], strides = [1, 1]} : vector<64x128xf32> to vector<64x64xf32>
    %slice3A_842 = vector.extract_strided_slice %get3A_840 {offsets = [0, 64], sizes = [64, 64], strides = [1, 1]} : vector<64x128xf32> to vector<64x64xf32>
    %dot_general3A_843 = arith.constant dense<0.000000e+00> : vector<64x128xf32>
    %dot_general3A_844 = tpu.matmul %slice3A_841, %convert_element_type3A_3, %dot_general3A_843 {dimension_numbers = #tpu.dot_dimension_numbers<[0], [0], [1], [1], [0, 1, 1, 1], [], []>, transpose_lhs_hint = false} : vector<64x64xf32>, vector<64x128xf32>, vector<64x128xf32> -> vector<64x128xf32>
    %dot_general3A_845 = arith.constant dense<0.000000e+00> : vector<64x128xf32>
    %dot_general3A_846 = tpu.matmul %slice3A_842, %convert_element_type3A_11, %dot_general3A_845 {dimension_numbers = #tpu.dot_dimension_numbers<[0], [0], [1], [1], [0, 1, 1, 1], [], []>, transpose_lhs_hint = false} : vector<64x64xf32>, vector<64x128xf32>, vector<64x128xf32> -> vector<64x128xf32>
    %add3A_847 = arith.addf %dot_general3A_844, %dot_general3A_846 : vector<64x128xf32>
    %swap3A_848 = arith.constant 5 : index
    %swap3A_849 = arith.constant 0 : index
    %swap3A_850 = arith.constant 768 : index
    %swap3A_851 = vector.load %arg3[%swap3A_848, %swap3A_849, %swap3A_850] : memref<8x64x1024xf32, #tpu.memory_space<vmem>>, vector<1x64x128xf32>
    %swap3A_852 = vector.shape_cast %swap3A_851 : vector<1x64x128xf32> to vector<64x128xf32>
    %swap3A_853 = vector.shape_cast %add3A_847 : vector<64x128xf32> to vector<1x64x128xf32>
    tpu.vector_store %arg3[%swap3A_848, %swap3A_849, %swap3A_850], %swap3A_853 {strides = array<i32>} : memref<8x64x1024xf32, #tpu.memory_space<vmem>>, vector<1x64x128xf32>,
    %get3A_854 = arith.constant 5 : index
    %get3A_855 = arith.constant 448 : index
    %get3A_856 = arith.constant 0 : index
    %get3A_857 = vector.load %arg2[%get3A_854, %get3A_855, %get3A_856] : memref<8x512x128xf32, #tpu.memory_space<vmem>>, vector<1x64x128xf32>
    %get3A_858 = vector.shape_cast %get3A_857 : vector<1x64x128xf32> to vector<64x128xf32>
    %slice3A_859 = vector.extract_strided_slice %get3A_858 {offsets = [0, 0], sizes = [64, 64], strides = [1, 1]} : vector<64x128xf32> to vector<64x64xf32>
    %slice3A_860 = vector.extract_strided_slice %get3A_858 {offsets = [0, 64], sizes = [64, 64], strides = [1, 1]} : vector<64x128xf32> to vector<64x64xf32>
    %dot_general3A_861 = arith.constant dense<0.000000e+00> : vector<64x128xf32>
    %dot_general3A_862 = tpu.matmul %slice3A_859, %convert_element_type3A_3, %dot_general3A_861 {dimension_numbers = #tpu.dot_dimension_numbers<[0], [0], [1], [1], [0, 1, 1, 1], [], []>, transpose_lhs_hint = false} : vector<64x64xf32>, vector<64x128xf32>, vector<64x128xf32> -> vector<64x128xf32>
    %dot_general3A_863 = arith.constant dense<0.000000e+00> : vector<64x128xf32>
    %dot_general3A_864 = tpu.matmul %slice3A_860, %convert_element_type3A_11, %dot_general3A_863 {dimension_numbers = #tpu.dot_dimension_numbers<[0], [0], [1], [1], [0, 1, 1, 1], [], []>, transpose_lhs_hint = false} : vector<64x64xf32>, vector<64x128xf32>, vector<64x128xf32> -> vector<64x128xf32>
    %add3A_865 = arith.addf %dot_general3A_862, %dot_general3A_864 : vector<64x128xf32>
    %swap3A_866 = arith.constant 5 : index
    %swap3A_867 = arith.constant 0 : index
    %swap3A_868 = arith.constant 896 : index
    %swap3A_869 = vector.load %arg3[%swap3A_866, %swap3A_867, %swap3A_868] : memref<8x64x1024xf32, #tpu.memory_space<vmem>>, vector<1x64x128xf32>
    %swap3A_870 = vector.shape_cast %swap3A_869 : vector<1x64x128xf32> to vector<64x128xf32>
    %swap3A_871 = vector.shape_cast %add3A_865 : vector<64x128xf32> to vector<1x64x128xf32>
    tpu.vector_store %arg3[%swap3A_866, %swap3A_867, %swap3A_868], %swap3A_871 {strides = array<i32>} : memref<8x64x1024xf32, #tpu.memory_space<vmem>>, vector<1x64x128xf32>,
    %get3A_872 = arith.constant 6 : index
    %get3A_873 = arith.constant 0 : index
    %get3A_874 = arith.constant 0 : index
    %get3A_875 = vector.load %arg2[%get3A_872, %get3A_873, %get3A_874] : memref<8x512x128xf32, #tpu.memory_space<vmem>>, vector<1x64x128xf32>
    %get3A_876 = vector.shape_cast %get3A_875 : vector<1x64x128xf32> to vector<64x128xf32>
    %slice3A_877 = vector.extract_strided_slice %get3A_876 {offsets = [0, 0], sizes = [64, 64], strides = [1, 1]} : vector<64x128xf32> to vector<64x64xf32>
    %slice3A_878 = vector.extract_strided_slice %get3A_876 {offsets = [0, 64], sizes = [64, 64], strides = [1, 1]} : vector<64x128xf32> to vector<64x64xf32>
    %dot_general3A_879 = arith.constant dense<0.000000e+00> : vector<64x128xf32>
    %dot_general3A_880 = tpu.matmul %slice3A_877, %convert_element_type3A_3, %dot_general3A_879 {dimension_numbers = #tpu.dot_dimension_numbers<[0], [0], [1], [1], [0, 1, 1, 1], [], []>, transpose_lhs_hint = false} : vector<64x64xf32>, vector<64x128xf32>, vector<64x128xf32> -> vector<64x128xf32>
    %dot_general3A_881 = arith.constant dense<0.000000e+00> : vector<64x128xf32>
    %dot_general3A_882 = tpu.matmul %slice3A_878, %convert_element_type3A_11, %dot_general3A_881 {dimension_numbers = #tpu.dot_dimension_numbers<[0], [0], [1], [1], [0, 1, 1, 1], [], []>, transpose_lhs_hint = false} : vector<64x64xf32>, vector<64x128xf32>, vector<64x128xf32> -> vector<64x128xf32>
    %add3A_883 = arith.addf %dot_general3A_880, %dot_general3A_882 : vector<64x128xf32>
    %swap3A_884 = arith.constant 6 : index
    %swap3A_885 = arith.constant 0 : index
    %swap3A_886 = arith.constant 0 : index
    %swap3A_887 = vector.load %arg3[%swap3A_884, %swap3A_885, %swap3A_886] : memref<8x64x1024xf32, #tpu.memory_space<vmem>>, vector<1x64x128xf32>
    %swap3A_888 = vector.shape_cast %swap3A_887 : vector<1x64x128xf32> to vector<64x128xf32>
    %swap3A_889 = vector.shape_cast %add3A_883 : vector<64x128xf32> to vector<1x64x128xf32>
    tpu.vector_store %arg3[%swap3A_884, %swap3A_885, %swap3A_886], %swap3A_889 {strides = array<i32>} : memref<8x64x1024xf32, #tpu.memory_space<vmem>>, vector<1x64x128xf32>,
    %get3A_890 = arith.constant 6 : index
    %get3A_891 = arith.constant 64 : index
    %get3A_892 = arith.constant 0 : index
    %get3A_893 = vector.load %arg2[%get3A_890, %get3A_891, %get3A_892] : memref<8x512x128xf32, #tpu.memory_space<vmem>>, vector<1x64x128xf32>
    %get3A_894 = vector.shape_cast %get3A_893 : vector<1x64x128xf32> to vector<64x128xf32>
    %slice3A_895 = vector.extract_strided_slice %get3A_894 {offsets = [0, 0], sizes = [64, 64], strides = [1, 1]} : vector<64x128xf32> to vector<64x64xf32>
    %slice3A_896 = vector.extract_strided_slice %get3A_894 {offsets = [0, 64], sizes = [64, 64], strides = [1, 1]} : vector<64x128xf32> to vector<64x64xf32>
    %dot_general3A_897 = arith.constant dense<0.000000e+00> : vector<64x128xf32>
    %dot_general3A_898 = tpu.matmul %slice3A_895, %convert_element_type3A_3, %dot_general3A_897 {dimension_numbers = #tpu.dot_dimension_numbers<[0], [0], [1], [1], [0, 1, 1, 1], [], []>, transpose_lhs_hint = false} : vector<64x64xf32>, vector<64x128xf32>, vector<64x128xf32> -> vector<64x128xf32>
    %dot_general3A_899 = arith.constant dense<0.000000e+00> : vector<64x128xf32>
    %dot_general3A_900 = tpu.matmul %slice3A_896, %convert_element_type3A_11, %dot_general3A_899 {dimension_numbers = #tpu.dot_dimension_numbers<[0], [0], [1], [1], [0, 1, 1, 1], [], []>, transpose_lhs_hint = false} : vector<64x64xf32>, vector<64x128xf32>, vector<64x128xf32> -> vector<64x128xf32>
    %add3A_901 = arith.addf %dot_general3A_898, %dot_general3A_900 : vector<64x128xf32>
    %swap3A_902 = arith.constant 6 : index
    %swap3A_903 = arith.constant 0 : index
    %swap3A_904 = arith.constant 128 : index
    %swap3A_905 = vector.load %arg3[%swap3A_902, %swap3A_903, %swap3A_904] : memref<8x64x1024xf32, #tpu.memory_space<vmem>>, vector<1x64x128xf32>
    %swap3A_906 = vector.shape_cast %swap3A_905 : vector<1x64x128xf32> to vector<64x128xf32>
    %swap3A_907 = vector.shape_cast %add3A_901 : vector<64x128xf32> to vector<1x64x128xf32>
    tpu.vector_store %arg3[%swap3A_902, %swap3A_903, %swap3A_904], %swap3A_907 {strides = array<i32>} : memref<8x64x1024xf32, #tpu.memory_space<vmem>>, vector<1x64x128xf32>,
    %get3A_908 = arith.constant 6 : index
    %get3A_909 = arith.constant 128 : index
    %get3A_910 = arith.constant 0 : index
    %get3A_911 = vector.load %arg2[%get3A_908, %get3A_909, %get3A_910] : memref<8x512x128xf32, #tpu.memory_space<vmem>>, vector<1x64x128xf32>
    %get3A_912 = vector.shape_cast %get3A_911 : vector<1x64x128xf32> to vector<64x128xf32>
    %slice3A_913 = vector.extract_strided_slice %get3A_912 {offsets = [0, 0], sizes = [64, 64], strides = [1, 1]} : vector<64x128xf32> to vector<64x64xf32>
    %slice3A_914 = vector.extract_strided_slice %get3A_912 {offsets = [0, 64], sizes = [64, 64], strides = [1, 1]} : vector<64x128xf32> to vector<64x64xf32>
    %dot_general3A_915 = arith.constant dense<0.000000e+00> : vector<64x128xf32>
    %dot_general3A_916 = tpu.matmul %slice3A_913, %convert_element_type3A_3, %dot_general3A_915 {dimension_numbers = #tpu.dot_dimension_numbers<[0], [0], [1], [1], [0, 1, 1, 1], [], []>, transpose_lhs_hint = false} : vector<64x64xf32>, vector<64x128xf32>, vector<64x128xf32> -> vector<64x128xf32>
    %dot_general3A_917 = arith.constant dense<0.000000e+00> : vector<64x128xf32>
    %dot_general3A_918 = tpu.matmul %slice3A_914, %convert_element_type3A_11, %dot_general3A_917 {dimension_numbers = #tpu.dot_dimension_numbers<[0], [0], [1], [1], [0, 1, 1, 1], [], []>, transpose_lhs_hint = false} : vector<64x64xf32>, vector<64x128xf32>, vector<64x128xf32> -> vector<64x128xf32>
    %add3A_919 = arith.addf %dot_general3A_916, %dot_general3A_918 : vector<64x128xf32>
    %swap3A_920 = arith.constant 6 : index
    %swap3A_921 = arith.constant 0 : index
    %swap3A_922 = arith.constant 256 : index
    %swap3A_923 = vector.load %arg3[%swap3A_920, %swap3A_921, %swap3A_922] : memref<8x64x1024xf32, #tpu.memory_space<vmem>>, vector<1x64x128xf32>
    %swap3A_924 = vector.shape_cast %swap3A_923 : vector<1x64x128xf32> to vector<64x128xf32>
    %swap3A_925 = vector.shape_cast %add3A_919 : vector<64x128xf32> to vector<1x64x128xf32>
    tpu.vector_store %arg3[%swap3A_920, %swap3A_921, %swap3A_922], %swap3A_925 {strides = array<i32>} : memref<8x64x1024xf32, #tpu.memory_space<vmem>>, vector<1x64x128xf32>,
    %get3A_926 = arith.constant 6 : index
    %get3A_927 = arith.constant 192 : index
    %get3A_928 = arith.constant 0 : index
    %get3A_929 = vector.load %arg2[%get3A_926, %get3A_927, %get3A_928] : memref<8x512x128xf32, #tpu.memory_space<vmem>>, vector<1x64x128xf32>
    %get3A_930 = vector.shape_cast %get3A_929 : vector<1x64x128xf32> to vector<64x128xf32>
    %slice3A_931 = vector.extract_strided_slice %get3A_930 {offsets = [0, 0], sizes = [64, 64], strides = [1, 1]} : vector<64x128xf32> to vector<64x64xf32>
    %slice3A_932 = vector.extract_strided_slice %get3A_930 {offsets = [0, 64], sizes = [64, 64], strides = [1, 1]} : vector<64x128xf32> to vector<64x64xf32>
    %dot_general3A_933 = arith.constant dense<0.000000e+00> : vector<64x128xf32>
    %dot_general3A_934 = tpu.matmul %slice3A_931, %convert_element_type3A_3, %dot_general3A_933 {dimension_numbers = #tpu.dot_dimension_numbers<[0], [0], [1], [1], [0, 1, 1, 1], [], []>, transpose_lhs_hint = false} : vector<64x64xf32>, vector<64x128xf32>, vector<64x128xf32> -> vector<64x128xf32>
    %dot_general3A_935 = arith.constant dense<0.000000e+00> : vector<64x128xf32>
    %dot_general3A_936 = tpu.matmul %slice3A_932, %convert_element_type3A_11, %dot_general3A_935 {dimension_numbers = #tpu.dot_dimension_numbers<[0], [0], [1], [1], [0, 1, 1, 1], [], []>, transpose_lhs_hint = false} : vector<64x64xf32>, vector<64x128xf32>, vector<64x128xf32> -> vector<64x128xf32>
    %add3A_937 = arith.addf %dot_general3A_934, %dot_general3A_936 : vector<64x128xf32>
    %swap3A_938 = arith.constant 6 : index
    %swap3A_939 = arith.constant 0 : index
    %swap3A_940 = arith.constant 384 : index
    %swap3A_941 = vector.load %arg3[%swap3A_938, %swap3A_939, %swap3A_940] : memref<8x64x1024xf32, #tpu.memory_space<vmem>>, vector<1x64x128xf32>
    %swap3A_942 = vector.shape_cast %swap3A_941 : vector<1x64x128xf32> to vector<64x128xf32>
    %swap3A_943 = vector.shape_cast %add3A_937 : vector<64x128xf32> to vector<1x64x128xf32>
    tpu.vector_store %arg3[%swap3A_938, %swap3A_939, %swap3A_940], %swap3A_943 {strides = array<i32>} : memref<8x64x1024xf32, #tpu.memory_space<vmem>>, vector<1x64x128xf32>,
    %get3A_944 = arith.constant 6 : index
    %get3A_945 = arith.constant 256 : index
    %get3A_946 = arith.constant 0 : index
    %get3A_947 = vector.load %arg2[%get3A_944, %get3A_945, %get3A_946] : memref<8x512x128xf32, #tpu.memory_space<vmem>>, vector<1x64x128xf32>
    %get3A_948 = vector.shape_cast %get3A_947 : vector<1x64x128xf32> to vector<64x128xf32>
    %slice3A_949 = vector.extract_strided_slice %get3A_948 {offsets = [0, 0], sizes = [64, 64], strides = [1, 1]} : vector<64x128xf32> to vector<64x64xf32>
    %slice3A_950 = vector.extract_strided_slice %get3A_948 {offsets = [0, 64], sizes = [64, 64], strides = [1, 1]} : vector<64x128xf32> to vector<64x64xf32>
    %dot_general3A_951 = arith.constant dense<0.000000e+00> : vector<64x128xf32>
    %dot_general3A_952 = tpu.matmul %slice3A_949, %convert_element_type3A_3, %dot_general3A_951 {dimension_numbers = #tpu.dot_dimension_numbers<[0], [0], [1], [1], [0, 1, 1, 1], [], []>, transpose_lhs_hint = false} : vector<64x64xf32>, vector<64x128xf32>, vector<64x128xf32> -> vector<64x128xf32>
    %dot_general3A_953 = arith.constant dense<0.000000e+00> : vector<64x128xf32>
    %dot_general3A_954 = tpu.matmul %slice3A_950, %convert_element_type3A_11, %dot_general3A_953 {dimension_numbers = #tpu.dot_dimension_numbers<[0], [0], [1], [1], [0, 1, 1, 1], [], []>, transpose_lhs_hint = false} : vector<64x64xf32>, vector<64x128xf32>, vector<64x128xf32> -> vector<64x128xf32>
    %add3A_955 = arith.addf %dot_general3A_952, %dot_general3A_954 : vector<64x128xf32>
    %swap3A_956 = arith.constant 6 : index
    %swap3A_957 = arith.constant 0 : index
    %swap3A_958 = arith.constant 512 : index
    %swap3A_959 = vector.load %arg3[%swap3A_956, %swap3A_957, %swap3A_958] : memref<8x64x1024xf32, #tpu.memory_space<vmem>>, vector<1x64x128xf32>
    %swap3A_960 = vector.shape_cast %swap3A_959 : vector<1x64x128xf32> to vector<64x128xf32>
    %swap3A_961 = vector.shape_cast %add3A_955 : vector<64x128xf32> to vector<1x64x128xf32>
    tpu.vector_store %arg3[%swap3A_956, %swap3A_957, %swap3A_958], %swap3A_961 {strides = array<i32>} : memref<8x64x1024xf32, #tpu.memory_space<vmem>>, vector<1x64x128xf32>,
    %get3A_962 = arith.constant 6 : index
    %get3A_963 = arith.constant 320 : index
    %get3A_964 = arith.constant 0 : index
    %get3A_965 = vector.load %arg2[%get3A_962, %get3A_963, %get3A_964] : memref<8x512x128xf32, #tpu.memory_space<vmem>>, vector<1x64x128xf32>
    %get3A_966 = vector.shape_cast %get3A_965 : vector<1x64x128xf32> to vector<64x128xf32>
    %slice3A_967 = vector.extract_strided_slice %get3A_966 {offsets = [0, 0], sizes = [64, 64], strides = [1, 1]} : vector<64x128xf32> to vector<64x64xf32>
    %slice3A_968 = vector.extract_strided_slice %get3A_966 {offsets = [0, 64], sizes = [64, 64], strides = [1, 1]} : vector<64x128xf32> to vector<64x64xf32>
    %dot_general3A_969 = arith.constant dense<0.000000e+00> : vector<64x128xf32>
    %dot_general3A_970 = tpu.matmul %slice3A_967, %convert_element_type3A_3, %dot_general3A_969 {dimension_numbers = #tpu.dot_dimension_numbers<[0], [0], [1], [1], [0, 1, 1, 1], [], []>, transpose_lhs_hint = false} : vector<64x64xf32>, vector<64x128xf32>, vector<64x128xf32> -> vector<64x128xf32>
    %dot_general3A_971 = arith.constant dense<0.000000e+00> : vector<64x128xf32>
    %dot_general3A_972 = tpu.matmul %slice3A_968, %convert_element_type3A_11, %dot_general3A_971 {dimension_numbers = #tpu.dot_dimension_numbers<[0], [0], [1], [1], [0, 1, 1, 1], [], []>, transpose_lhs_hint = false} : vector<64x64xf32>, vector<64x128xf32>, vector<64x128xf32> -> vector<64x128xf32>
    %add3A_973 = arith.addf %dot_general3A_970, %dot_general3A_972 : vector<64x128xf32>
    %swap3A_974 = arith.constant 6 : index
    %swap3A_975 = arith.constant 0 : index
    %swap3A_976 = arith.constant 640 : index
    %swap3A_977 = vector.load %arg3[%swap3A_974, %swap3A_975, %swap3A_976] : memref<8x64x1024xf32, #tpu.memory_space<vmem>>, vector<1x64x128xf32>
    %swap3A_978 = vector.shape_cast %swap3A_977 : vector<1x64x128xf32> to vector<64x128xf32>
    %swap3A_979 = vector.shape_cast %add3A_973 : vector<64x128xf32> to vector<1x64x128xf32>
    tpu.vector_store %arg3[%swap3A_974, %swap3A_975, %swap3A_976], %swap3A_979 {strides = array<i32>} : memref<8x64x1024xf32, #tpu.memory_space<vmem>>, vector<1x64x128xf32>,
    %get3A_980 = arith.constant 6 : index
    %get3A_981 = arith.constant 384 : index
    %get3A_982 = arith.constant 0 : index
    %get3A_983 = vector.load %arg2[%get3A_980, %get3A_981, %get3A_982] : memref<8x512x128xf32, #tpu.memory_space<vmem>>, vector<1x64x128xf32>
    %get3A_984 = vector.shape_cast %get3A_983 : vector<1x64x128xf32> to vector<64x128xf32>
    %slice3A_985 = vector.extract_strided_slice %get3A_984 {offsets = [0, 0], sizes = [64, 64], strides = [1, 1]} : vector<64x128xf32> to vector<64x64xf32>
    %slice3A_986 = vector.extract_strided_slice %get3A_984 {offsets = [0, 64], sizes = [64, 64], strides = [1, 1]} : vector<64x128xf32> to vector<64x64xf32>
    %dot_general3A_987 = arith.constant dense<0.000000e+00> : vector<64x128xf32>
    %dot_general3A_988 = tpu.matmul %slice3A_985, %convert_element_type3A_3, %dot_general3A_987 {dimension_numbers = #tpu.dot_dimension_numbers<[0], [0], [1], [1], [0, 1, 1, 1], [], []>, transpose_lhs_hint = false} : vector<64x64xf32>, vector<64x128xf32>, vector<64x128xf32> -> vector<64x128xf32>
    %dot_general3A_989 = arith.constant dense<0.000000e+00> : vector<64x128xf32>
    %dot_general3A_990 = tpu.matmul %slice3A_986, %convert_element_type3A_11, %dot_general3A_989 {dimension_numbers = #tpu.dot_dimension_numbers<[0], [0], [1], [1], [0, 1, 1, 1], [], []>, transpose_lhs_hint = false} : vector<64x64xf32>, vector<64x128xf32>, vector<64x128xf32> -> vector<64x128xf32>
    %add3A_991 = arith.addf %dot_general3A_988, %dot_general3A_990 : vector<64x128xf32>
    %swap3A_992 = arith.constant 6 : index
    %swap3A_993 = arith.constant 0 : index
    %swap3A_994 = arith.constant 768 : index
    %swap3A_995 = vector.load %arg3[%swap3A_992, %swap3A_993, %swap3A_994] : memref<8x64x1024xf32, #tpu.memory_space<vmem>>, vector<1x64x128xf32>
    %swap3A_996 = vector.shape_cast %swap3A_995 : vector<1x64x128xf32> to vector<64x128xf32>
    %swap3A_997 = vector.shape_cast %add3A_991 : vector<64x128xf32> to vector<1x64x128xf32>
    tpu.vector_store %arg3[%swap3A_992, %swap3A_993, %swap3A_994], %swap3A_997 {strides = array<i32>} : memref<8x64x1024xf32, #tpu.memory_space<vmem>>, vector<1x64x128xf32>,
    %get3A_998 = arith.constant 6 : index
    %get3A_999 = arith.constant 448 : index
    %get3A_1000 = arith.constant 0 : index
    %get3A_1001 = vector.load %arg2[%get3A_998, %get3A_999, %get3A_1000] : memref<8x512x128xf32, #tpu.memory_space<vmem>>, vector<1x64x128xf32>
    %get3A_1002 = vector.shape_cast %get3A_1001 : vector<1x64x128xf32> to vector<64x128xf32>
    %slice3A_1003 = vector.extract_strided_slice %get3A_1002 {offsets = [0, 0], sizes = [64, 64], strides = [1, 1]} : vector<64x128xf32> to vector<64x64xf32>
    %slice3A_1004 = vector.extract_strided_slice %get3A_1002 {offsets = [0, 64], sizes = [64, 64], strides = [1, 1]} : vector<64x128xf32> to vector<64x64xf32>
    %dot_general3A_1005 = arith.constant dense<0.000000e+00> : vector<64x128xf32>
    %dot_general3A_1006 = tpu.matmul %slice3A_1003, %convert_element_type3A_3, %dot_general3A_1005 {dimension_numbers = #tpu.dot_dimension_numbers<[0], [0], [1], [1], [0, 1, 1, 1], [], []>, transpose_lhs_hint = false} : vector<64x64xf32>, vector<64x128xf32>, vector<64x128xf32> -> vector<64x128xf32>
    %dot_general3A_1007 = arith.constant dense<0.000000e+00> : vector<64x128xf32>
    %dot_general3A_1008 = tpu.matmul %slice3A_1004, %convert_element_type3A_11, %dot_general3A_1007 {dimension_numbers = #tpu.dot_dimension_numbers<[0], [0], [1], [1], [0, 1, 1, 1], [], []>, transpose_lhs_hint = false} : vector<64x64xf32>, vector<64x128xf32>, vector<64x128xf32> -> vector<64x128xf32>
    %add3A_1009 = arith.addf %dot_general3A_1006, %dot_general3A_1008 : vector<64x128xf32>
    %swap3A_1010 = arith.constant 6 : index
    %swap3A_1011 = arith.constant 0 : index
    %swap3A_1012 = arith.constant 896 : index
    %swap3A_1013 = vector.load %arg3[%swap3A_1010, %swap3A_1011, %swap3A_1012] : memref<8x64x1024xf32, #tpu.memory_space<vmem>>, vector<1x64x128xf32>
    %swap3A_1014 = vector.shape_cast %swap3A_1013 : vector<1x64x128xf32> to vector<64x128xf32>
    %swap3A_1015 = vector.shape_cast %add3A_1009 : vector<64x128xf32> to vector<1x64x128xf32>
    tpu.vector_store %arg3[%swap3A_1010, %swap3A_1011, %swap3A_1012], %swap3A_1015 {strides = array<i32>} : memref<8x64x1024xf32, #tpu.memory_space<vmem>>, vector<1x64x128xf32>,
    %get3A_1016 = arith.constant 7 : index
    %get3A_1017 = arith.constant 0 : index
    %get3A_1018 = arith.constant 0 : index
    %get3A_1019 = vector.load %arg2[%get3A_1016, %get3A_1017, %get3A_1018] : memref<8x512x128xf32, #tpu.memory_space<vmem>>, vector<1x64x128xf32>
    %get3A_1020 = vector.shape_cast %get3A_1019 : vector<1x64x128xf32> to vector<64x128xf32>
    %slice3A_1021 = vector.extract_strided_slice %get3A_1020 {offsets = [0, 0], sizes = [64, 64], strides = [1, 1]} : vector<64x128xf32> to vector<64x64xf32>
    %slice3A_1022 = vector.extract_strided_slice %get3A_1020 {offsets = [0, 64], sizes = [64, 64], strides = [1, 1]} : vector<64x128xf32> to vector<64x64xf32>
    %dot_general3A_1023 = arith.constant dense<0.000000e+00> : vector<64x128xf32>
    %dot_general3A_1024 = tpu.matmul %slice3A_1021, %convert_element_type3A_3, %dot_general3A_1023 {dimension_numbers = #tpu.dot_dimension_numbers<[0], [0], [1], [1], [0, 1, 1, 1], [], []>, transpose_lhs_hint = false} : vector<64x64xf32>, vector<64x128xf32>, vector<64x128xf32> -> vector<64x128xf32>
    %dot_general3A_1025 = arith.constant dense<0.000000e+00> : vector<64x128xf32>
    %dot_general3A_1026 = tpu.matmul %slice3A_1022, %convert_element_type3A_11, %dot_general3A_1025 {dimension_numbers = #tpu.dot_dimension_numbers<[0], [0], [1], [1], [0, 1, 1, 1], [], []>, transpose_lhs_hint = false} : vector<64x64xf32>, vector<64x128xf32>, vector<64x128xf32> -> vector<64x128xf32>
    %add3A_1027 = arith.addf %dot_general3A_1024, %dot_general3A_1026 : vector<64x128xf32>
    %swap3A_1028 = arith.constant 7 : index
    %swap3A_1029 = arith.constant 0 : index
    %swap3A_1030 = arith.constant 0 : index
    %swap3A_1031 = vector.load %arg3[%swap3A_1028, %swap3A_1029, %swap3A_1030] : memref<8x64x1024xf32, #tpu.memory_space<vmem>>, vector<1x64x128xf32>
    %swap3A_1032 = vector.shape_cast %swap3A_1031 : vector<1x64x128xf32> to vector<64x128xf32>
    %swap3A_1033 = vector.shape_cast %add3A_1027 : vector<64x128xf32> to vector<1x64x128xf32>
    tpu.vector_store %arg3[%swap3A_1028, %swap3A_1029, %swap3A_1030], %swap3A_1033 {strides = array<i32>} : memref<8x64x1024xf32, #tpu.memory_space<vmem>>, vector<1x64x128xf32>,
    %get3A_1034 = arith.constant 7 : index
    %get3A_1035 = arith.constant 64 : index
    %get3A_1036 = arith.constant 0 : index
    %get3A_1037 = vector.load %arg2[%get3A_1034, %get3A_1035, %get3A_1036] : memref<8x512x128xf32, #tpu.memory_space<vmem>>, vector<1x64x128xf32>
    %get3A_1038 = vector.shape_cast %get3A_1037 : vector<1x64x128xf32> to vector<64x128xf32>
    %slice3A_1039 = vector.extract_strided_slice %get3A_1038 {offsets = [0, 0], sizes = [64, 64], strides = [1, 1]} : vector<64x128xf32> to vector<64x64xf32>
    %slice3A_1040 = vector.extract_strided_slice %get3A_1038 {offsets = [0, 64], sizes = [64, 64], strides = [1, 1]} : vector<64x128xf32> to vector<64x64xf32>
    %dot_general3A_1041 = arith.constant dense<0.000000e+00> : vector<64x128xf32>
    %dot_general3A_1042 = tpu.matmul %slice3A_1039, %convert_element_type3A_3, %dot_general3A_1041 {dimension_numbers = #tpu.dot_dimension_numbers<[0], [0], [1], [1], [0, 1, 1, 1], [], []>, transpose_lhs_hint = false} : vector<64x64xf32>, vector<64x128xf32>, vector<64x128xf32> -> vector<64x128xf32>
    %dot_general3A_1043 = arith.constant dense<0.000000e+00> : vector<64x128xf32>
    %dot_general3A_1044 = tpu.matmul %slice3A_1040, %convert_element_type3A_11, %dot_general3A_1043 {dimension_numbers = #tpu.dot_dimension_numbers<[0], [0], [1], [1], [0, 1, 1, 1], [], []>, transpose_lhs_hint = false} : vector<64x64xf32>, vector<64x128xf32>, vector<64x128xf32> -> vector<64x128xf32>
    %add3A_1045 = arith.addf %dot_general3A_1042, %dot_general3A_1044 : vector<64x128xf32>
    %swap3A_1046 = arith.constant 7 : index
    %swap3A_1047 = arith.constant 0 : index
    %swap3A_1048 = arith.constant 128 : index
    %swap3A_1049 = vector.load %arg3[%swap3A_1046, %swap3A_1047, %swap3A_1048] : memref<8x64x1024xf32, #tpu.memory_space<vmem>>, vector<1x64x128xf32>
    %swap3A_1050 = vector.shape_cast %swap3A_1049 : vector<1x64x128xf32> to vector<64x128xf32>
    %swap3A_1051 = vector.shape_cast %add3A_1045 : vector<64x128xf32> to vector<1x64x128xf32>
    tpu.vector_store %arg3[%swap3A_1046, %swap3A_1047, %swap3A_1048], %swap3A_1051 {strides = array<i32>} : memref<8x64x1024xf32, #tpu.memory_space<vmem>>, vector<1x64x128xf32>,
    %get3A_1052 = arith.constant 7 : index
    %get3A_1053 = arith.constant 128 : index
    %get3A_1054 = arith.constant 0 : index
    %get3A_1055 = vector.load %arg2[%get3A_1052, %get3A_1053, %get3A_1054] : memref<8x512x128xf32, #tpu.memory_space<vmem>>, vector<1x64x128xf32>
    %get3A_1056 = vector.shape_cast %get3A_1055 : vector<1x64x128xf32> to vector<64x128xf32>
    %slice3A_1057 = vector.extract_strided_slice %get3A_1056 {offsets = [0, 0], sizes = [64, 64], strides = [1, 1]} : vector<64x128xf32> to vector<64x64xf32>
    %slice3A_1058 = vector.extract_strided_slice %get3A_1056 {offsets = [0, 64], sizes = [64, 64], strides = [1, 1]} : vector<64x128xf32> to vector<64x64xf32>
    %dot_general3A_1059 = arith.constant dense<0.000000e+00> : vector<64x128xf32>
    %dot_general3A_1060 = tpu.matmul %slice3A_1057, %convert_element_type3A_3, %dot_general3A_1059 {dimension_numbers = #tpu.dot_dimension_numbers<[0], [0], [1], [1], [0, 1, 1, 1], [], []>, transpose_lhs_hint = false} : vector<64x64xf32>, vector<64x128xf32>, vector<64x128xf32> -> vector<64x128xf32>
    %dot_general3A_1061 = arith.constant dense<0.000000e+00> : vector<64x128xf32>
    %dot_general3A_1062 = tpu.matmul %slice3A_1058, %convert_element_type3A_11, %dot_general3A_1061 {dimension_numbers = #tpu.dot_dimension_numbers<[0], [0], [1], [1], [0, 1, 1, 1], [], []>, transpose_lhs_hint = false} : vector<64x64xf32>, vector<64x128xf32>, vector<64x128xf32> -> vector<64x128xf32>
    %add3A_1063 = arith.addf %dot_general3A_1060, %dot_general3A_1062 : vector<64x128xf32>
    %swap3A_1064 = arith.constant 7 : index
    %swap3A_1065 = arith.constant 0 : index
    %swap3A_1066 = arith.constant 256 : index
    %swap3A_1067 = vector.load %arg3[%swap3A_1064, %swap3A_1065, %swap3A_1066] : memref<8x64x1024xf32, #tpu.memory_space<vmem>>, vector<1x64x128xf32>
    %swap3A_1068 = vector.shape_cast %swap3A_1067 : vector<1x64x128xf32> to vector<64x128xf32>
    %swap3A_1069 = vector.shape_cast %add3A_1063 : vector<64x128xf32> to vector<1x64x128xf32>
    tpu.vector_store %arg3[%swap3A_1064, %swap3A_1065, %swap3A_1066], %swap3A_1069 {strides = array<i32>} : memref<8x64x1024xf32, #tpu.memory_space<vmem>>, vector<1x64x128xf32>,
    %get3A_1070 = arith.constant 7 : index
    %get3A_1071 = arith.constant 192 : index
    %get3A_1072 = arith.constant 0 : index
    %get3A_1073 = vector.load %arg2[%get3A_1070, %get3A_1071, %get3A_1072] : memref<8x512x128xf32, #tpu.memory_space<vmem>>, vector<1x64x128xf32>
    %get3A_1074 = vector.shape_cast %get3A_1073 : vector<1x64x128xf32> to vector<64x128xf32>
    %slice3A_1075 = vector.extract_strided_slice %get3A_1074 {offsets = [0, 0], sizes = [64, 64], strides = [1, 1]} : vector<64x128xf32> to vector<64x64xf32>
    %slice3A_1076 = vector.extract_strided_slice %get3A_1074 {offsets = [0, 64], sizes = [64, 64], strides = [1, 1]} : vector<64x128xf32> to vector<64x64xf32>
    %dot_general3A_1077 = arith.constant dense<0.000000e+00> : vector<64x128xf32>
    %dot_general3A_1078 = tpu.matmul %slice3A_1075, %convert_element_type3A_3, %dot_general3A_1077 {dimension_numbers = #tpu.dot_dimension_numbers<[0], [0], [1], [1], [0, 1, 1, 1], [], []>, transpose_lhs_hint = false} : vector<64x64xf32>, vector<64x128xf32>, vector<64x128xf32> -> vector<64x128xf32>
    %dot_general3A_1079 = arith.constant dense<0.000000e+00> : vector<64x128xf32>
    %dot_general3A_1080 = tpu.matmul %slice3A_1076, %convert_element_type3A_11, %dot_general3A_1079 {dimension_numbers = #tpu.dot_dimension_numbers<[0], [0], [1], [1], [0, 1, 1, 1], [], []>, transpose_lhs_hint = false} : vector<64x64xf32>, vector<64x128xf32>, vector<64x128xf32> -> vector<64x128xf32>
    %add3A_1081 = arith.addf %dot_general3A_1078, %dot_general3A_1080 : vector<64x128xf32>
    %swap3A_1082 = arith.constant 7 : index
    %swap3A_1083 = arith.constant 0 : index
    %swap3A_1084 = arith.constant 384 : index
    %swap3A_1085 = vector.load %arg3[%swap3A_1082, %swap3A_1083, %swap3A_1084] : memref<8x64x1024xf32, #tpu.memory_space<vmem>>, vector<1x64x128xf32>
    %swap3A_1086 = vector.shape_cast %swap3A_1085 : vector<1x64x128xf32> to vector<64x128xf32>
    %swap3A_1087 = vector.shape_cast %add3A_1081 : vector<64x128xf32> to vector<1x64x128xf32>
    tpu.vector_store %arg3[%swap3A_1082, %swap3A_1083, %swap3A_1084], %swap3A_1087 {strides = array<i32>} : memref<8x64x1024xf32, #tpu.memory_space<vmem>>, vector<1x64x128xf32>,
    %get3A_1088 = arith.constant 7 : index
    %get3A_1089 = arith.constant 256 : index
    %get3A_1090 = arith.constant 0 : index
    %get3A_1091 = vector.load %arg2[%get3A_1088, %get3A_1089, %get3A_1090] : memref<8x512x128xf32, #tpu.memory_space<vmem>>, vector<1x64x128xf32>
    %get3A_1092 = vector.shape_cast %get3A_1091 : vector<1x64x128xf32> to vector<64x128xf32>
    %slice3A_1093 = vector.extract_strided_slice %get3A_1092 {offsets = [0, 0], sizes = [64, 64], strides = [1, 1]} : vector<64x128xf32> to vector<64x64xf32>
    %slice3A_1094 = vector.extract_strided_slice %get3A_1092 {offsets = [0, 64], sizes = [64, 64], strides = [1, 1]} : vector<64x128xf32> to vector<64x64xf32>
    %dot_general3A_1095 = arith.constant dense<0.000000e+00> : vector<64x128xf32>
    %dot_general3A_1096 = tpu.matmul %slice3A_1093, %convert_element_type3A_3, %dot_general3A_1095 {dimension_numbers = #tpu.dot_dimension_numbers<[0], [0], [1], [1], [0, 1, 1, 1], [], []>, transpose_lhs_hint = false} : vector<64x64xf32>, vector<64x128xf32>, vector<64x128xf32> -> vector<64x128xf32>
    %dot_general3A_1097 = arith.constant dense<0.000000e+00> : vector<64x128xf32>
    %dot_general3A_1098 = tpu.matmul %slice3A_1094, %convert_element_type3A_11, %dot_general3A_1097 {dimension_numbers = #tpu.dot_dimension_numbers<[0], [0], [1], [1], [0, 1, 1, 1], [], []>, transpose_lhs_hint = false} : vector<64x64xf32>, vector<64x128xf32>, vector<64x128xf32> -> vector<64x128xf32>
    %add3A_1099 = arith.addf %dot_general3A_1096, %dot_general3A_1098 : vector<64x128xf32>
    %swap3A_1100 = arith.constant 7 : index
    %swap3A_1101 = arith.constant 0 : index
    %swap3A_1102 = arith.constant 512 : index
    %swap3A_1103 = vector.load %arg3[%swap3A_1100, %swap3A_1101, %swap3A_1102] : memref<8x64x1024xf32, #tpu.memory_space<vmem>>, vector<1x64x128xf32>
    %swap3A_1104 = vector.shape_cast %swap3A_1103 : vector<1x64x128xf32> to vector<64x128xf32>
    %swap3A_1105 = vector.shape_cast %add3A_1099 : vector<64x128xf32> to vector<1x64x128xf32>
    tpu.vector_store %arg3[%swap3A_1100, %swap3A_1101, %swap3A_1102], %swap3A_1105 {strides = array<i32>} : memref<8x64x1024xf32, #tpu.memory_space<vmem>>, vector<1x64x128xf32>,
    %get3A_1106 = arith.constant 7 : index
    %get3A_1107 = arith.constant 320 : index
    %get3A_1108 = arith.constant 0 : index
    %get3A_1109 = vector.load %arg2[%get3A_1106, %get3A_1107, %get3A_1108] : memref<8x512x128xf32, #tpu.memory_space<vmem>>, vector<1x64x128xf32>
    %get3A_1110 = vector.shape_cast %get3A_1109 : vector<1x64x128xf32> to vector<64x128xf32>
    %slice3A_1111 = vector.extract_strided_slice %get3A_1110 {offsets = [0, 0], sizes = [64, 64], strides = [1, 1]} : vector<64x128xf32> to vector<64x64xf32>
    %slice3A_1112 = vector.extract_strided_slice %get3A_1110 {offsets = [0, 64], sizes = [64, 64], strides = [1, 1]} : vector<64x128xf32> to vector<64x64xf32>
    %dot_general3A_1113 = arith.constant dense<0.000000e+00> : vector<64x128xf32>
    %dot_general3A_1114 = tpu.matmul %slice3A_1111, %convert_element_type3A_3, %dot_general3A_1113 {dimension_numbers = #tpu.dot_dimension_numbers<[0], [0], [1], [1], [0, 1, 1, 1], [], []>, transpose_lhs_hint = false} : vector<64x64xf32>, vector<64x128xf32>, vector<64x128xf32> -> vector<64x128xf32>
    %dot_general3A_1115 = arith.constant dense<0.000000e+00> : vector<64x128xf32>
    %dot_general3A_1116 = tpu.matmul %slice3A_1112, %convert_element_type3A_11, %dot_general3A_1115 {dimension_numbers = #tpu.dot_dimension_numbers<[0], [0], [1], [1], [0, 1, 1, 1], [], []>, transpose_lhs_hint = false} : vector<64x64xf32>, vector<64x128xf32>, vector<64x128xf32> -> vector<64x128xf32>
    %add3A_1117 = arith.addf %dot_general3A_1114, %dot_general3A_1116 : vector<64x128xf32>
    %swap3A_1118 = arith.constant 7 : index
    %swap3A_1119 = arith.constant 0 : index
    %swap3A_1120 = arith.constant 640 : index
    %swap3A_1121 = vector.load %arg3[%swap3A_1118, %swap3A_1119, %swap3A_1120] : memref<8x64x1024xf32, #tpu.memory_space<vmem>>, vector<1x64x128xf32>
    %swap3A_1122 = vector.shape_cast %swap3A_1121 : vector<1x64x128xf32> to vector<64x128xf32>
    %swap3A_1123 = vector.shape_cast %add3A_1117 : vector<64x128xf32> to vector<1x64x128xf32>
    tpu.vector_store %arg3[%swap3A_1118, %swap3A_1119, %swap3A_1120], %swap3A_1123 {strides = array<i32>} : memref<8x64x1024xf32, #tpu.memory_space<vmem>>, vector<1x64x128xf32>,
    %get3A_1124 = arith.constant 7 : index
    %get3A_1125 = arith.constant 384 : index
    %get3A_1126 = arith.constant 0 : index
    %get3A_1127 = vector.load %arg2[%get3A_1124, %get3A_1125, %get3A_1126] : memref<8x512x128xf32, #tpu.memory_space<vmem>>, vector<1x64x128xf32>
    %get3A_1128 = vector.shape_cast %get3A_1127 : vector<1x64x128xf32> to vector<64x128xf32>
    %slice3A_1129 = vector.extract_strided_slice %get3A_1128 {offsets = [0, 0], sizes = [64, 64], strides = [1, 1]} : vector<64x128xf32> to vector<64x64xf32>
    %slice3A_1130 = vector.extract_strided_slice %get3A_1128 {offsets = [0, 64], sizes = [64, 64], strides = [1, 1]} : vector<64x128xf32> to vector<64x64xf32>
    %dot_general3A_1131 = arith.constant dense<0.000000e+00> : vector<64x128xf32>
    %dot_general3A_1132 = tpu.matmul %slice3A_1129, %convert_element_type3A_3, %dot_general3A_1131 {dimension_numbers = #tpu.dot_dimension_numbers<[0], [0], [1], [1], [0, 1, 1, 1], [], []>, transpose_lhs_hint = false} : vector<64x64xf32>, vector<64x128xf32>, vector<64x128xf32> -> vector<64x128xf32>
    %dot_general3A_1133 = arith.constant dense<0.000000e+00> : vector<64x128xf32>
    %dot_general3A_1134 = tpu.matmul %slice3A_1130, %convert_element_type3A_11, %dot_general3A_1133 {dimension_numbers = #tpu.dot_dimension_numbers<[0], [0], [1], [1], [0, 1, 1, 1], [], []>, transpose_lhs_hint = false} : vector<64x64xf32>, vector<64x128xf32>, vector<64x128xf32> -> vector<64x128xf32>
    %add3A_1135 = arith.addf %dot_general3A_1132, %dot_general3A_1134 : vector<64x128xf32>
    %swap3A_1136 = arith.constant 7 : index
    %swap3A_1137 = arith.constant 0 : index
    %swap3A_1138 = arith.constant 768 : index
    %swap3A_1139 = vector.load %arg3[%swap3A_1136, %swap3A_1137, %swap3A_1138] : memref<8x64x1024xf32, #tpu.memory_space<vmem>>, vector<1x64x128xf32>
    %swap3A_1140 = vector.shape_cast %swap3A_1139 : vector<1x64x128xf32> to vector<64x128xf32>
    %swap3A_1141 = vector.shape_cast %add3A_1135 : vector<64x128xf32> to vector<1x64x128xf32>
    tpu.vector_store %arg3[%swap3A_1136, %swap3A_1137, %swap3A_1138], %swap3A_1141 {strides = array<i32>} : memref<8x64x1024xf32, #tpu.memory_space<vmem>>, vector<1x64x128xf32>,
    %get3A_1142 = arith.constant 7 : index
    %get3A_1143 = arith.constant 448 : index
    %get3A_1144 = arith.constant 0 : index
    %get3A_1145 = vector.load %arg2[%get3A_1142, %get3A_1143, %get3A_1144] : memref<8x512x128xf32, #tpu.memory_space<vmem>>, vector<1x64x128xf32>
    %get3A_1146 = vector.shape_cast %get3A_1145 : vector<1x64x128xf32> to vector<64x128xf32>
    %slice3A_1147 = vector.extract_strided_slice %get3A_1146 {offsets = [0, 0], sizes = [64, 64], strides = [1, 1]} : vector<64x128xf32> to vector<64x64xf32>
    %slice3A_1148 = vector.extract_strided_slice %get3A_1146 {offsets = [0, 64], sizes = [64, 64], strides = [1, 1]} : vector<64x128xf32> to vector<64x64xf32>
    %dot_general3A_1149 = arith.constant dense<0.000000e+00> : vector<64x128xf32>
    %dot_general3A_1150 = tpu.matmul %slice3A_1147, %convert_element_type3A_3, %dot_general3A_1149 {dimension_numbers = #tpu.dot_dimension_numbers<[0], [0], [1], [1], [0, 1, 1, 1], [], []>, transpose_lhs_hint = false} : vector<64x64xf32>, vector<64x128xf32>, vector<64x128xf32> -> vector<64x128xf32>
    %dot_general3A_1151 = arith.constant dense<0.000000e+00> : vector<64x128xf32>
    %dot_general3A_1152 = tpu.matmul %slice3A_1148, %convert_element_type3A_11, %dot_general3A_1151 {dimension_numbers = #tpu.dot_dimension_numbers<[0], [0], [1], [1], [0, 1, 1, 1], [], []>, transpose_lhs_hint = false} : vector<64x64xf32>, vector<64x128xf32>, vector<64x128xf32> -> vector<64x128xf32>
    %add3A_1153 = arith.addf %dot_general3A_1150, %dot_general3A_1152 : vector<64x128xf32>
    %swap3A_1154 = arith.constant 7 : index
    %swap3A_1155 = arith.constant 0 : index
    %swap3A_1156 = arith.constant 896 : index
    %swap3A_1157 = vector.load %arg3[%swap3A_1154, %swap3A_1155, %swap3A_1156] : memref<8x64x1024xf32, #tpu.memory_space<vmem>>, vector<1x64x128xf32>
    %swap3A_1158 = vector.shape_cast %swap3A_1157 : vector<1x64x128xf32> to vector<64x128xf32>
    %swap3A_1159 = vector.shape_cast %add3A_1153 : vector<64x128xf32> to vector<1x64x128xf32>
    tpu.vector_store %arg3[%swap3A_1154, %swap3A_1155, %swap3A_1156], %swap3A_1159 {strides = array<i32>} : memref<8x64x1024xf32, #tpu.memory_space<vmem>>, vector<1x64x128xf32>,
    return
  }
  func.func @transform_0(%arg0: i32, %arg1: i32) -> (i32, i32, i32) {
    %c0_i32 = arith.constant 0 : i32
    %c0_i32_0 = arith.constant 0 : i32
    return %arg0, %arg1, %c0_i32 : i32, i32, i32
  }
  func.func @transform_1(%arg0: i32, %arg1: i32) -> (i32, i32, i32) {
    %c0_i32 = arith.constant 0 : i32
    %c0_i32_0 = arith.constant 0 : i32
    return %arg0, %c0_i32, %arg1 : i32, i32, i32
  }
}

</mosaic_0001>

<sc_bundles>
// kernel: kernel.5.cloned.1.call-start
scs
__scs_entry_jumppad:
0x0: {  	(pc) =	sbr.rel $0x88, $3  }
0x1: {  	(tag) =	ssettag $0x0;
	lr =	simm.s32 $0x1  }
0x2: {  	[smem:$0x3F9F] =	sst lr;
	_ =	strace $0xD0000000  }
0x3: {  	_ = 	snop  }
0x4: {  	_ = 	snop  }
0x5: {  	_ = 	snop  }
0x6: {  	_ = 	snop  }
0x7: {  	_ = 	snop  }
__scs_overlays_trampoline_lowered:
0x8: {  	[smem:$0x3FAE] =	sst s0  }
0x9: {  	[smem:$0x3FAF] =	sst s1  }
0xa: {  	[smem:$0x3FB0] =	sst s2  }
0xb: {  	[smem:$0x3FB1] =	sst s3  }
0xc: {  	[smem:$0x3FB2] =	sst s4  }
0xd: {  	[smem:$0x3FB3] =	sst s5  }
0xe: {  	[smem:$0x3FB4] =	sst s6  }
0xf: {  	[smem:$0x3FB5] =	sst s7  }
0x10: {  	[smem:$0x3FB6] =	sst s8  }
0x11: {  	[smem:$0x3FB7] =	sst s9;
	s0 =	simm.s32 @!p0 $0x0  }
0x12: {  	s1 =	sld [smem:$0x3F9D];
	s0 =	simm.s32 @p0 $0x1  }
0x13: {  	[smem:$0x3FB8] =	sst s0;
	s0 =	simm.s32 @!p1 $0x0  }
0x14: {  	s2 =	sld [smem:$0x3F9C];
	s0 =	simm.s32 @p1 $0x1  }
0x15: {  	[smem:$0x3FB9] =	sst s0;
	s0 =	simm.s32 @!p2 $0x0  }
0x16: {  	s3 =	sld [smem:$0x3FDB];
	s0 =	simm.s32 @p2 $0x1  }
0x17: {  	s4 =	simm.s32 $0x1BF5;
	[smem:$0x3FBB] =	sst s0  }
0x18: {  	s0 =	sld [smem:$0x3F9E];
	_ =	swait.ge [sflag:s4], $0x0  }
0x19: {  	s7 =	sld [smem:$0x3F9F]  }
0x1a: {  	s8 =	sadd.s32 $0xFFFFE003, lr  }
0x1b: {  	s9 =	sadd.s32 $0xFFFFFEF7, lr;
	s5 =	simm.s32 $0xFFFFFFFF;
	p2 =	slt.u32 s8, $0xFFFFF086  }
0x1c: {  	p1 =	slt.u32 s9, $0xF7A;
	s5 =	simm.s32 @!p2 $0x0  }
0x1d: {  	s5 =	simm.s32 @p1 $0x1;
	p0 =	seq.s32 s7, s2  }
0x1e: {  	s7 =	smul.u32 @!p0 $0xF7A, s2;
	p2 =	seq.s32 @!p0 s5, $0x0  }
0x1f: {  	s9 =	smul.u32 $0xF7A, s1;
	s8 =	simm.s32 @!p0 $0x1BF5;
	p2 =	por !p2, p0  }
0x20: {  	[sflag:s8] =	ssyncset.s32 @!p0 $0xFFFFF086;
	s6 =	sadd.s32 @!p0 s3, s7;
	s7 =	simm.s32 @!p0 $0x108  }
0x21: {  	s3 =	sadd.s32 s3, s9;
	s6 =	sadd.s32 @!p0 $0x88, s6;
	s7 =	simm.s32 @p2 $0x1082  }
0x22: {  	[simem:s7], [sflag:s8] =	dma.local @!p0 [hbm:s6], $0xF7A  }
0x23: {  	s9 =	sor.u32 $0xD0000000, s2;
	s6 =	simm.s32 $0x108;
	_ =	swait.ge @!p0 [sflag:s8], $0x0  }
0x24: {  	s3 =	sadd.s32 $0x88, s3;
	s6 =	simm.s32 @!p1 $0x1082;
	[sflag:s4] =	ssyncset.s32 $0xFFFFF086  }
0x25: {  	[simem:s6], [sflag:s4] =	dma.local [hbm:s3], $0xF7A  }
0x26: {  	[smem:$0x3F9F] =	sst s1;
	(tag) =	ssettag s2;
	_ =	strace s9  }
0x27: {  	s1 =	sld [smem:$0x3FAF]  }
0x28: {  	s2 =	sld [smem:$0x3FB0]  }
0x29: {  	s4 =	sld [smem:$0x3FB2]  }
0x2a: {  	p0 =	seq.s32 s5, $0x0;
	s5 =	sld [smem:$0x3FB3]  }
0x2b: {  	s6 =	sld [smem:$0x3FB4]  }
0x2c: {  	s7 =	sld [smem:$0x3FB5]  }
0x2d: {  	s3 =	simm.s32 $0x108;
	s8 =	sld [smem:$0x3FB6]  }
0x2e: {  	s3 =	simm.s32 @!p0 $0x1082;
	s9 =	sld [smem:$0x3FB7]  }
0x2f: {  	lr =	sadd.s32 s0, s3;
	s0 =	sld [smem:$0x3FAE]  }
0x30: {  	s3 =	sld [smem:$0x3FB1]  }
0x31: {  	[smem:$0x3FBA] =	sst s10  }
0x32: {  	s10 =	sld [smem:$0x3FB8];
	_ =	sdelay $0x3  }
0x33: {  	p0 =	seq.s32 s10, $0x1;
	s10 =	sld [smem:$0x3FBA];
	_ =	sdelay $0x3  }
0x34: {  	[smem:$0x3FBA] =	sst s10  }
0x35: {  	s10 =	sld [smem:$0x3FB9];
	_ =	sdelay $0x3  }
0x36: {  	p1 =	seq.s32 s10, $0x1;
	s10 =	sld [smem:$0x3FBA];
	_ =	sdelay $0x3  }
0x37: {  	[smem:$0x3FBA] =	sst s10  }
0x38: {  	s10 =	sld [smem:$0x3FBB]  }
0x39: {  	_ = 	snop;
	(pc) =	sbr.ind lr, $3  }
0x3a: {  	_ = 	snop  }
0x3b: {  	_ = 	snop  }
0x3c: {  	p2 =	seq.s32 s10, $0x1;
	s10 =	sld [smem:$0x3FBA]  }
0x3d: {  	_ =	shalt  }
0x3e: {  	_ =	shalt  }
0x3f: {  	_ =	shalt  }
0x40: {  	_ =	shalt  }
0x41: {  	_ =	shalt  }
0x42: {  	_ =	shalt  }
0x43: {  	_ =	shalt  }
0x44: {  	_ =	shalt  }
0x45: {  	_ =	shalt  }
0x46: {  	_ =	shalt  }
0x47: {  	_ =	shalt  }
0x48: {  	_ =	shalt  }
0x49: {  	_ =	shalt  }
0x4a: {  	_ =	shalt  }
0x4b: {  	_ =	shalt  }
0x4c: {  	_ =	shalt  }
0x4d: {  	_ =	shalt  }
0x4e: {  	_ =	shalt  }
0x4f: {  	_ =	shalt  }
0x50: {  	_ =	shalt  }
0x51: {  	_ =	shalt  }
0x52: {  	_ =	shalt  }
0x53: {  	_ =	shalt  }
0x54: {  	_ =	shalt  }
0x55: {  	_ =	shalt  }
0x56: {  	_ =	shalt  }
0x57: {  	_ =	shalt  }
0x58: {  	_ =	shalt  }
0x59: {  	_ =	shalt  }
0x5a: {  	_ =	shalt  }
0x5b: {  	_ =	shalt  }
0x5c: {  	_ =	shalt  }
0x5d: {  	_ =	shalt  }
0x5e: {  	_ =	shalt  }
0x5f: {  	_ =	shalt  }
0x60: {  	_ =	shalt  }
0x61: {  	_ =	shalt  }
0x62: {  	_ =	shalt  }
0x63: {  	_ =	shalt  }
0x64: {  	_ =	shalt  }
0x65: {  	_ =	shalt  }
0x66: {  	_ =	shalt  }
0x67: {  	_ =	shalt  }
0x68: {  	_ =	shalt  }
0x69: {  	_ =	shalt  }
0x6a: {  	_ =	shalt  }
0x6b: {  	_ =	shalt  }
0x6c: {  	_ =	shalt  }
0x6d: {  	_ =	shalt  }
0x6e: {  	_ =	shalt  }
0x6f: {  	_ =	shalt  }
0x70: {  	_ =	shalt  }
0x71: {  	_ =	shalt  }
0x72: {  	_ =	shalt  }
0x73: {  	_ =	shalt  }
0x74: {  	_ =	shalt  }
0x75: {  	_ =	shalt  }
0x76: {  	_ =	shalt  }
0x77: {  	_ =	shalt  }
0x78: {  	_ =	shalt  }
0x79: {  	_ =	shalt  }
0x7a: {  	_ =	shalt  }
0x7b: {  	_ =	shalt  }
0x7c: {  	_ =	shalt  }
0x7d: {  	_ =	shalt  }
0x7e: {  	_ =	shalt  }
0x7f: {  	_ =	shalt  }
0x80: {  	_ =	shalt  }
0x81: {  	_ =	shalt  }
0x82: {  	_ =	shalt  }
0x83: {  	_ =	shalt  }
0x84: {  	_ =	shalt  }
0x85: {  	_ =	shalt  }
0x86: {  	_ =	shalt  }
0x87: {  	_ =	shalt  }
.Lfunc_end0:
.L_simem_size_0:
called_computation_lowered:
.L_overlay_start_0:
0x88: {  	s2 =	sld [smem:$0x3FD9]  }
0x89: {  	s3 =	sld [smem:$0x3FFE];
	_ =	sdelay $0x1  }
0x8a: {  	s1 =	srdreg.scid  }
0x8b: {  	s0 =	sand.u32 $0x1, s1  }
0x8c: {  	s17 =	sshll.u32 s0, $0xA;
	s2 =	sadd.s32 s3, s2  }
0x8d: {  	s2 =	sadd.s32 s2, s17  }
0x8e: {  	[smem:$0x3FC6] =	sst s2  }
0x8f: {  	_ = 	snop  }
0x90: {  	s2 =	sld [smem:$0x3FD0];
	(tm) =	ssettm $0x1  }
0x91: {  	s18 =	sld [smem:$0x3FFB];
	_ =	sdelay $0x3  }
0x92: {  	_ =	strace s18  }
0x93: {  	s3 =	sld [smem:$0x3FFC];
	_ =	sdelay $0x3  }
0x94: {  	_ =	strace s3  }
0x95: {  	s3 =	sld [smem:$0x3FFD];
	_ =	sdelay $0x3  }
0x96: {  	_ =	strace s3  }
0x97: {  	_ =	strace $0x8FFFFFFF  }
0x98: {  	s19 =	sld [smem:$0x3FDB];
	_ =	sdelay $0x1  }
0x99: {  	s4 =	simm.s32 $_scs_section_size  }
0x9a: {  	s5 =	simm.s32 $_size__tile_overlayer_lowered;
	s6 =	simm.s32 $_tile_overlayer_lowered  }
0x9b: {  	s22 =	simm.s32 $0x1BFF;
	s21 =	sshll.u32 s6, $0x1;
	s3 =	sadd.s32 s4, s19  }
0x9c: {  	s7 =	simm.s32 $0x0;
	s20 =	sshll.u32 s5, $0x1;
	s5 =	sadd.s32 s21, s3  }
0x9d: {  	[timem:s7], [sflag:s22] =	dma.local [hbm:s5], s20  }
0x9e: {  	_ =	swait.ge [sflag:s22], s20  }
0x9f: {  	s4 =	ssub.s32 $0x0, s20;
	[sflag:s22] =	ssyncset.done $0x0  }
0xa0: {  	[sflag:s22] =	ssyncadd.s32 s4;
	_ =	sdelay $0x1  }
0xa1: {  	s23 =	simm.s32 $0x1B8B  }
0xa2: {  	_ =	swait.ge [sflag:s23], $0x1  }
0xa3: {  	[sflag:s23] =	ssyncset.done $0x0  }
0xa4: {  	s25 =	simm.s32 $0x1B8E;
	s24 =	sld [smem:$0x3FFE];
	[sflag:s23] =	ssyncadd.s32 $0xFFFFFFFF  }
0xa5: {  	s26 =	simm.s32 $execute0_lowered;
	[smem:$0x3FD2] =	sst s25  }
0xa6: {  	s5 =	sshll.u32 s26, $0x1;
	_ =	strace $0x80000046;
	[dreg:$0x1] =	wrdreg $0xFFFFFFFF  }
0xa7: {  	s28 =	simm.s32 $_size_execute0_lowered;
	s3 =	sadd.s32 s3, s5;
	[dreg:$0x0] =	wrdreg $0x0  }
0xa8: {  	s5 =	sshll.u32 s28, $0x1;
	[dreg:$0x2] =	wrdreg s3  }
0xa9: {  	[dreg:$0x3] =	wrdreg s5  }
0xaa: {  	[dreg:$0x4] =	wrdreg $0xC0  }
0xab: {  	_ =	task [dreg:s7], $0x5FFFF  }
0xac: {  	[dreg:$0x1] =	wrdreg $0xFFFFFFFF  }
0xad: {  	[dreg:$0x0] =	wrdreg $0x60  }
0xae: {  	[dreg:$0x2] =	wrdreg s2  }
0xaf: {  	[dreg:$0x3] =	wrdreg s24  }
0xb0: {  	[dreg:$0x4] =	wrdreg $0x9  }
0xb1: {  	_ =	task.clear_ibuf [dreg:s7], $0x5FFFF;
	_ =	strace $0x90000046  }
0xb2: {  	s29 =	simm.s32 $0x9;
	_ =	strace $0x80000048  }
0xb3: {  	_ =	swait.ge [sflag:s29], $0x1  }
0xb4: {  	[sflag:s29] =	ssyncadd.s32 $0xFFFFFFFF  }
0xb5: {  	_ =	strace $0x90000048  }
0xb6: {  	_ =	sfence  }
0xb7: {  	s30 =	sld [smem:$0x0];
	_ =	sdelay $0x2  }
0xb8: {  	s31 =	sshll.u32 s1, $0xD;
	s1 =	sshrl.u32 s1, $0x2  }
0xb9: {  	s3 =	sand.u32 $0x4000, s31;
	s1 =	sadd.s32 s1, s30  }
0xba: {  	s0 =	sor.u32 s3, s0;
	s1 =	sshll.u32 s1, $0x11  }
0xbb: {  	s0 =	sor.u32 s1, s0  }
0xbc: {  	s0 =	sadd.s32 $0x8F2B, s0  }
0xbd: {  	[sflag:s0] =	ssyncadd.remote.s32 $0x1  }
0xbe: {  	_ =	sfence.sel $0xFFFF  }
0xbf: {  	[dreg:$0x0] =	wrdreg $0xFFFFFFFF;
	(pc) =	sbr.abs _section_cstart, $3  }
0xc0: {  	[dreg:$0x1] =	wrdreg $0xFFFFFFFF  }
0xc1: {  	_ =	task.clear_ibuf [dreg:s7], $0x2FFFF;
	_ =	strace $0x9FFFFFFF  }
0xc2: {  	(tm) =	ssettm $0x7FFFFFFF  }
0xc3: {  	_ =	shalt  }
tec
execute0_lowered:
.L_overlay_start_1:
0x0: {  	(tag) =	ssettag $0x1  }
0x1: {  	s0 =	rddreg [dreg:$0x0]  }
0x2: {  	s1 =	rddreg [dreg:$0x1]  }
0x3: {  	s2 =	simm.s32 $0x0;
	s7 =	stileid.u32;
	s4 =	srdreg.scid  }
0x4: {  	s11 =	simm.s32 $0x80;
	s12 =	simm.s32 $0x6400;
	s15 =	simm.s32 $0xA400  }
0x5: {  	s19 =	simm.s32 $0xE400;
	s23 =	simm.s32 $0x12400;
	s28 =	simm.s32 $0x2  }
0x6: {  	s29 =	simm.s32 $0x3;
	s30 =	simm.s32 $0x4;
	s31 =	simm.s32 $0x5  }
0x7: {  	s13 =	simm.s32 $0x8;
	s14 =	simm.s32 $0x0;
	[smem:$0x7FF] =	sst s2  }
0x8: {  	s5 =	smul.u32 $0x320000, s7;
	s3 =	sadd.s32 $0x400, s1;
	s4 =	sand.u32 $0x1, s4  }
0x9: {  	s6 =	smul.u32 $0xC800, s7;
	s1 =	sadd.s32 $0x7A1800, s1;
	s7 =	sshll.u32 s7, $0x1  }
0xa: {  	_ =	strace $0x80000047;
	s8 =	smul.u32 $0x6400, s4;
	s9 =	ssub.s32 $0x2, s4  }
0xb: {  	s7 =	sor.u32 s4, s7;
	s4 =	smul.u32 $0x190000, s4;
	s10 =	sshrl.u32 s9, $0x1  }
0xc: {  	s7 =	smul.u32 $0xC80, s7;
	s6 =	sadd.s32 s8, s6;
	s24 =	ssub.s32 s9, s10  }
0xd: {  	s5 =	sadd.s32 s4, s5;
	s10 =	simm.s32 $0x9;
	s6 =	sshll.u32 s6, $0x3  }
.Ltmp0:
0xe: {  	s0 =	sadd.s32 s0, s7;
	s25 =	sshrl.u32 s5, $0x3;
	(pc) =	sbr.rel .LBB2_1-.Ltmp0, $4  }
0xf: {  	s26 =	smax.u32 s24, $0x1;
	[dreg:$0x3] =	wrdreg s0;
	s6 =	sadd.s32 s6, s1  }
0x10: {  	[dreg:$0x4] =	wrdreg s26;
	s21 =	sadd.s32 s25, s1;
	s25 =	simm.s32 $0x14400  }
0x11: {  	s26 =	simm.s32 $0x1;
	s0 =	simm.s32 $0x6;
	s1 =	simm.s32 $0x7  }
0x12: {  	s20 =	sadd.s32 $0x1800, s6;
	s18 =	sadd.s32 $0x1000, s6;
	s17 =	sadd.s32 $0x800, s6  }
.LBB2_4:
0x13: {  	_ =	swait.ge [sflag:s31], $0x4000  }
0x14: {  	[sflag:s31] =	ssyncset.done $0x0  }
0x15: {  	[sflag:s31] =	ssyncadd.s32 $0xFFFFC000  }
0x16: {  	_ =	swait.ge [sflag:s0], $0x4000  }
0x17: {  	[sflag:s0] =	ssyncset.done $0x0  }
0x18: {  	[sflag:s0] =	ssyncadd.s32 $0xFFFFC000  }
0x19: {  	_ =	swait.ge [sflag:s1], $0x4000  }
0x1a: {  	[sflag:s1] =	ssyncset.done $0x0  }
0x1b: {  	[sflag:s1] =	ssyncadd.s32 $0xFFFFC000  }
0x1c: {  	_ =	swait.ge [sflag:s13], $0x4000  }
0x1d: {  	s14 =	sadd.s32 $0x1, s14;
	s4 =	rddreg [dreg:$0x4]  }
0x1e: {  	p0 =	sne.s32 s14, s4  }
.Ltmp1:
0x1f: {  	_ = 	snop;
	(pc) =	sbr.rel @!p0 .LBB2_5-.Ltmp1, $3  }
0x20: {  	_ =	sdelay $0x1  }
0x21: {  	[sflag:s13] =	ssyncset.done $0x0  }
0x22: {  	[sflag:s13] =	ssyncadd.s32 $0xFFFFC000  }
.LBB2_1:
0x23: {  	s4 =	rddreg [dreg:$0x3]  }
0x24: {  	[tilespmem:s2], [sflag:$0x9] =	stream.linear.gather [hbm4b:s4+s2], $0x6400, $0x38;
	[tilespmem:$0x16400] =	vst v63  }
0x25: {  	_ =	swait.ge [sflag:s10], $0x6400  }
0x26: {  	[sflag:s10] =	ssyncset.done $0x0  }
0x27: {  	[sflag:s10] =	ssyncadd.s32 $0xFFFF9C00  }
0x28: {  	[tilespmem:s12], [sflag:$0x1] =	stream.indirect.gather [hbm4b:s3+s11], $0x40, s2, s11, $0xb8;
	[tilespmem:$0x16400] =	vst v63  }
0x29: {  	s5 =	simm.s32 $0x8400  }
0x2a: {  	[tilespmem:s5], [sflag:$0x1] =	stream.indirect.gather [hbm4b:s3+s11], $0x40, s11, s11, $0xb8;
	[tilespmem:$0x16400] =	vst v63  }
0x2b: {  	s6 =	simm.s32 $0x100  }
0x2c: {  	[tilespmem:s15], [sflag:$0x2] =	stream.indirect.gather [hbm4b:s3+s11], $0x40, s6, s11, $0xb8;
	[tilespmem:$0x16400] =	vst v63  }
0x2d: {  	s7 =	simm.s32 $0x180;
	s5 =	simm.s32 $0xC400  }
0x2e: {  	[tilespmem:s5], [sflag:$0x2] =	stream.indirect.gather [hbm4b:s3+s11], $0x40, s7, s11, $0xb8;
	[tilespmem:$0x16400] =	vst v63  }
0x2f: {  	s8 =	simm.s32 $0x200  }
0x30: {  	[tilespmem:s19], [sflag:$0x3] =	stream.indirect.gather [hbm4b:s3+s11], $0x40, s8, s11, $0xb8;
	[tilespmem:$0x16400] =	vst v63  }
0x31: {  	s9 =	simm.s32 $0x280;
	s16 =	simm.s32 $0x10400;
	s22 =	simm.s32 $0x300  }
0x32: {  	[tilespmem:s16], [sflag:$0x3] =	stream.indirect.gather [hbm4b:s3+s11], $0x40, s9, s11, $0xb8;
	[tilespmem:$0x16400] =	vst v63  }
0x33: {  	s24 =	simm.s32 $0x380;
	s6 =	smov.u32 s21;
	s7 =	smov.u32 s20  }
0x34: {  	[tilespmem:s23], [sflag:$0x4] =	stream.indirect.gather [hbm4b:s3+s11], $0x40, s22, s11, $0xb8;
	[tilespmem:$0x16400] =	vst v63  }
0x35: {  	s8 =	smov.u32 s18;
	s16 =	simm.s32 $0x0;
	s9 =	smov.u32 s17  }
0x36: {  	[tilespmem:s25], [sflag:$0x4] =	stream.indirect.gather [hbm4b:s3+s11], $0x40, s24, s11, $0xb8;
	[tilespmem:$0x16400] =	vst v63  }
.LBB2_2:
0x37: {  	_ =	swait.ge [sflag:s26], $0x2000  }
0x38: {  	[sflag:s26] =	ssyncset.done $0x0  }
0x39: {  	[sflag:s26] =	ssyncadd.s32 $0xFFFFE000  }
0x3a: {  	_ =	swait.ge [sflag:s26], $0x2000  }
0x3b: {  	p0 =	seq.s32 s16, $0x18000;
	[sflag:s26] =	ssyncset.done $0x0  }
0x3c: {  	s22 =	simm.s32 @!p0 $0x5;
	[sflag:s26] =	ssyncadd.s32 $0xFFFFE000  }
0x3d: {  	[hbm4b:s6+s2] =	stream.linear.scatter [tilespmem:s12], [sflag:$0x5], $0x4000, $0x38;
	[tilespmem:$0x16400] =	vst v63  }
0x3e: {  	_ =	swait.ge @!p0 [sflag:s22], $0x4000  }
0x3f: {  	[sflag:s22] =	ssyncset.done @!p0 $0x0  }
0x40: {  	[sflag:s22] =	ssyncadd.s32 @!p0 $0xFFFFC000;
	s22 =	sshra.s32 @!p0 s16, $0x2  }
0x41: {  	s4 =	simm.s32 @!p0 $0x80;
	s5 =	simm.s32 @!p0 $0x6400;
	s24 =	sadd.s32 @!p0 $0x400, s22  }
0x42: {  	[tilespmem:s5], [sflag:$0x1] =	stream.indirect.gather @!p0 [hbm4b:s3+s4], $0x40, s24, s4, $0xb8;
	[tilespmem:$0x16400] =	vst v63  }
0x43: {  	s5 =	sadd.s32 @!p0 $0x480, s22;
	s24 =	simm.s32 @!p0 $0x8400  }
0x44: {  	[tilespmem:s24], [sflag:$0x1] =	stream.indirect.gather @!p0 [hbm4b:s3+s4], $0x40, s5, s4, $0xb8;
	[tilespmem:$0x16400] =	vst v63  }
0x45: {  	_ =	swait.ge [sflag:s28], $0x2000  }
0x46: {  	[sflag:s28] =	ssyncset.done $0x0  }
0x47: {  	[sflag:s28] =	ssyncadd.s32 $0xFFFFE000  }
0x48: {  	_ =	swait.ge [sflag:s28], $0x2000  }
0x49: {  	[sflag:s28] =	ssyncset.done $0x0  }
0x4a: {  	s5 =	simm.s32 @!p0 $0x6;
	[sflag:s28] =	ssyncadd.s32 $0xFFFFE000  }
0x4b: {  	[hbm4b:s9+s2] =	stream.linear.scatter [tilespmem:s15], [sflag:$0x6], $0x4000, $0x38;
	[tilespmem:$0x16400] =	vst v63  }
0x4c: {  	_ =	swait.ge @!p0 [sflag:s5], $0x4000  }
0x4d: {  	[sflag:s5] =	ssyncset.done @!p0 $0x0  }
0x4e: {  	s24 =	simm.s32 @!p0 $0xA400;
	[sflag:s5] =	ssyncadd.s32 @!p0 $0xFFFFC000;
	s5 =	sadd.s32 @!p0 $0x500, s22  }
0x4f: {  	[tilespmem:s24], [sflag:$0x2] =	stream.indirect.gather @!p0 [hbm4b:s3+s4], $0x40, s5, s4, $0xb8;
	[tilespmem:$0x16400] =	vst v63  }
0x50: {  	s5 =	sadd.s32 @!p0 $0x580, s22;
	s24 =	simm.s32 @!p0 $0xC400  }
0x51: {  	[tilespmem:s24], [sflag:$0x2] =	stream.indirect.gather @!p0 [hbm4b:s3+s4], $0x40, s5, s4, $0xb8;
	[tilespmem:$0x16400] =	vst v63  }
0x52: {  	_ =	swait.ge [sflag:s29], $0x2000  }
0x53: {  	[sflag:s29] =	ssyncset.done $0x0  }
0x54: {  	[sflag:s29] =	ssyncadd.s32 $0xFFFFE000  }
0x55: {  	_ =	swait.ge [sflag:s29], $0x2000  }
0x56: {  	[sflag:s29] =	ssyncset.done $0x0  }
0x57: {  	s5 =	simm.s32 @!p0 $0x7;
	[sflag:s29] =	ssyncadd.s32 $0xFFFFE000  }
0x58: {  	[hbm4b:s8+s2] =	stream.linear.scatter [tilespmem:s19], [sflag:$0x7], $0x4000, $0x38;
	[tilespmem:$0x16400] =	vst v63  }
0x59: {  	_ =	swait.ge @!p0 [sflag:s5], $0x4000  }
0x5a: {  	[sflag:s5] =	ssyncset.done @!p0 $0x0  }
0x5b: {  	s24 =	simm.s32 @!p0 $0xE400;
	[sflag:s5] =	ssyncadd.s32 @!p0 $0xFFFFC000;
	s5 =	sadd.s32 @!p0 $0x600, s22  }
0x5c: {  	[tilespmem:s24], [sflag:$0x3] =	stream.indirect.gather @!p0 [hbm4b:s3+s4], $0x40, s5, s4, $0xb8;
	[tilespmem:$0x16400] =	vst v63  }
0x5d: {  	s5 =	sadd.s32 @!p0 $0x680, s22;
	s22 =	simm.s32 @!p0 $0x10400  }
0x5e: {  	[tilespmem:s22], [sflag:$0x3] =	stream.indirect.gather @!p0 [hbm4b:s3+s4], $0x40, s5, s4, $0xb8;
	[tilespmem:$0x16400] =	vst v63  }
0x5f: {  	_ =	swait.ge [sflag:s30], $0x2000  }
0x60: {  	[sflag:s30] =	ssyncset.done $0x0  }
.Ltmp2:
0x61: {  	[sflag:s30] =	ssyncadd.s32 $0xFFFFE000;
	(pc) =	sbr.rel @p0 .LBB2_4-.Ltmp2, $4  }
0x62: {  	_ =	swait.ge [sflag:s30], $0x2000  }
0x63: {  	[sflag:s30] =	ssyncset.done $0x0  }
0x64: {  	[sflag:s30] =	ssyncadd.s32 $0xFFFFE000  }
0x65: {  	[hbm4b:s7+s2] =	stream.linear.scatter [tilespmem:s23], [sflag:$0x8], $0x4000, $0x38;
	[tilespmem:$0x16400] =	vst v63  }
0x66: {  	_ =	swait.ge [sflag:s13], $0x4000;
	s4 =	sshra.s32 s16, $0x2;
	s6 =	sadd.s32 $0x2000, s6  }
.Ltmp3:
0x67: {  	s7 =	sadd.s32 $0x2000, s7;
	[sflag:s13] =	ssyncset.done $0x0;
	(pc) =	sbr.rel .LBB2_2-.Ltmp3, $4  }
0x68: {  	s8 =	sadd.s32 $0x2000, s8;
	s5 =	sadd.s32 $0x700, s4;
	[sflag:s13] =	ssyncadd.s32 $0xFFFFC000  }
0x69: {  	[tilespmem:s23], [sflag:$0x4] =	stream.indirect.gather [hbm4b:s3+s11], $0x40, s5, s11, $0xb8;
	[tilespmem:$0x16400] =	vst v63  }
0x6a: {  	s9 =	sadd.s32 $0x2000, s9;
	s16 =	sadd.s32 $0x1000, s16;
	s4 =	sadd.s32 $0x780, s4  }
0x6b: {  	[tilespmem:s25], [sflag:$0x4] =	stream.indirect.gather [hbm4b:s3+s11], $0x40, s4, s11, $0xb8;
	[tilespmem:$0x16400] =	vst v63  }
.LBB2_5:
0x6c: {  	_ =	sfence.sel $0x180000  }
0x6d: {  	[bflag:$0x0] =	sbarrier.arrive $0xFFFF  }
0x6e: {  	_ =	strace $0x90000047  }
0x6f: {  	s0 =	stileid.u32;
	[bflag:$0x2] =	sbarrier.arrive $0xFFFF  }
0x70: {  	p0 =	sne.s32 s0, $0x0;
	s0 =	rddreg [dreg:$0x2]  }
0x71: {  	s0 =	sadd.s32 @!p0 $0x100000, s0  }
0x72: {  	[sflag:s0] =	ssyncadd.tile.s32 @!p0 $0x1;
	_ =	shalt  }
.Lfunc_end2:
_tile_overlayer_lowered:
.L_overlay_start_2:
0x73: {  	(tag) =	ssettag $0x2  }
0x74: {  	s0 =	rddreg [dreg:$0x0];
	s2 =	stileid.u32  }
0x75: {  	s1 =	rddreg [dreg:$0x1];
	p0 =	sne.s32 s2, $0x0  }
0x76: {  	s3 =	rddreg [dreg:$0x2];
	[bflag:$0x3] =	sbarrier.arrive $0xFFFF;
	s2 =	simm.s32 @!p0 $0x1C09  }
0x77: {  	[timem:s3], [sflag:s2] =	dma.local @!p0 [hbm:s0], s1  }
0x78: {  	s0 =	simm.s32 @!p0 $0x9  }
0x79: {  	_ =	swait.ge @!p0 [sflag:s0], s1  }
0x7a: {  	s1 =	ssub.s32 @!p0 $0x0, s1;
	[sflag:s0] =	ssyncset.done @!p0 $0x0  }
0x7b: {  	[sflag:s0] =	ssyncadd.s32 @!p0 s1  }
0x7c: {  	[bflag:$0x3] =	sbarrier.arrive $0xFFFF  }
0x7d: {  	_ =	shalt  }

</sc_bundles>
